<compile_context>
chip_gen: v7x
topology: tpu7x:2x2x1
jax: 0.10.2.dev20260603
libtpu: 0.0.44.dev20260713+nightly
codegen_flags: <defaults>
</compile_context>

<pallas_src>
import functools

import jax
import jax.numpy as jnp
from jax import lax
from jax.experimental import pallas as pl
from jax.experimental.pallas import tpu as pltpu
from jax.experimental.pallas import tpu_sc as plsc

NC = 2
NS = 16
NW = NC * NS
K = 128
CB = 6


def _sc_mesh():
    return plsc.VectorSubcoreMesh(core_axis_name="c", subcore_axis_name="s",
                                  num_cores=NC, num_subcores=NS)


def _row_span(wid, rpw, nx):
    return rpw * wid + jnp.minimum(wid, nx)


def _make_degree_kernel(npad, erows):
    rpw, nx = divmod(erows, NW)

    @functools.partial(
        pl.kernel,
        out_type=jax.ShapeDtypeStruct((NW, npad), jnp.float32),
        mesh=_sc_mesh(),
        scratch_types=[
            pltpu.VMEM((rpw + 1, K), jnp.int32),
            pltpu.VMEM((npad,), jnp.float32),
        ],
        compiler_params=pltpu.CompilerParams(needs_layout_passes=False,
                                             use_tc_tiling_on_sc=False),
    )
    def deg_kernel(ei_hbm, out_hbm, dstv, hist):
        c = lax.axis_index("c")
        s = lax.axis_index("s")
        wid = c * NS + s
        r0 = _row_span(wid, rpw, nx)

        def zbody(j, _):
            hist[pl.ds(j * 16, 16)] = jnp.zeros((16,), jnp.float32)
            return 0
        lax.fori_loop(0, npad // 16, zbody, 0)

        pltpu.sync_copy(ei_hbm.at[1, pl.ds(r0, rpw)], dstv.at[pl.ds(0, rpw)])

        ones = jnp.ones((16,), jnp.float32)
        def srow(r):
            for j in range(K // 16):
                plsc.addupdate_scatter(
                    hist, [dstv[r, pl.ds(j * 16, 16)]], ones)
        def body(r, _):
            srow(r)
            return 0
        lax.fori_loop(0, rpw, body, 0)
        @pl.when(wid < nx)
        def _():
            pltpu.sync_copy(ei_hbm.at[1, pl.ds(r0 + rpw, 1)],
                            dstv.at[pl.ds(rpw, 1)])
            srow(rpw)

        pltpu.sync_copy(hist, out_hbm.at[wid])

    return deg_kernel


def _make_prop_kernel(npad, erows, d, tc_tiling=None):
    rpw, nx = divmod(erows, NW)
    nch = rpw // CB
    assert rpw % CB == 0 and CB % 2 == 0 and nch >= 2
    rpt = npad // NS
    zc = 80
    assert rpt % zc == 0 and zc <= K

    @functools.partial(
        pl.kernel,
        out_type=jax.ShapeDtypeStruct((NC, npad, d), jnp.float32),
        mesh=_sc_mesh(),
        scratch_types=[
            pltpu.VMEM((2, CB, K), jnp.int32),
            pltpu.VMEM((2, CB, K), jnp.int32),
            pltpu.VMEM((K, d), jnp.float32),
            pltpu.VMEM((K, d), jnp.float32),
            pltpu.VMEM_SHARED((npad, d), jnp.float32),
            pltpu.SemaphoreType.DMA,
            pltpu.SemaphoreType.DMA,
            pltpu.SemaphoreType.DMA,
        ],
        compiler_params=pltpu.CompilerParams(use_tc_tiling_on_sc=tc_tiling),
    )
    def prop_kernel(xs_hbm, ei_hbm, out_hbm, sidx, didx, rows_a, rows_b,
                    acc, sem_a, sem_b, sem_i):
        c = lax.axis_index("c")
        s = lax.axis_index("s")
        wid = c * NS + s
        w0 = _row_span(wid, rpw, nx)
        rows = (rows_a, rows_b)
        gsem = (sem_a, sem_b)

        def zfill(r, _):
            rows_a[r, :] = jnp.zeros((d,), jnp.float32)
            return 0
        lax.fori_loop(0, zc, zfill, 0)
        a0 = s * rpt
        def zbody(j, _):
            pltpu.sync_copy(rows_a.at[pl.ds(0, zc)],
                            acc.at[pl.ds(a0 + j * zc, zc)])
            return 0
        lax.fori_loop(0, rpt // zc, zbody, 0)
        plsc.subcore_barrier()

        def stage(q, slot):
            r = w0 + q * CB
            pltpu.async_copy(ei_hbm.at[0, pl.ds(r, CB)], sidx.at[slot], sem_i)
            pltpu.async_copy(ei_hbm.at[1, pl.ds(r, CB)], didx.at[slot], sem_i)

        def stage_wait(slot):
            pltpu.make_async_copy(ei_hbm.at[0, pl.ds(0, CB)], sidx.at[slot],
                                  sem_i).wait()
            pltpu.make_async_copy(ei_hbm.at[0, pl.ds(0, CB)], didx.at[slot],
                                  sem_i).wait()

        def gather(slot, b, rslot):
            pltpu.async_copy(xs_hbm.at[sidx.at[slot, b]], rows[rslot],
                             gsem[rslot])

        def gather_wait(rslot):
            pltpu.make_async_copy(xs_hbm.at[sidx.at[0, 0]], rows[rslot],
                                  gsem[rslot]).wait()

        def scatter(slot, b, rslot):
            pltpu.sync_copy(rows[rslot], acc.at[didx.at[slot, b]], add=True)

        stage(0, 0)
        stage_wait(0)
        gather(0, 0, 0)

        def body(q, _):
            slot = lax.rem(q, 2)
            nslot = 1 - slot
            stage(lax.rem(q + 1, nch), nslot)
            for b in range(CB):
                if b == CB - 1:
                    stage_wait(nslot)
                    gather(nslot, 0, (b + 1) % 2)
                else:
                    gather(slot, b + 1, (b + 1) % 2)
                gather_wait(b % 2)
                scatter(slot, b, b % 2)
            return 0
        lax.fori_loop(0, nch, body, 0)
        gather_wait(0)

        @pl.when(wid < nx)
        def _():
            r = w0 + rpw
            pltpu.async_copy(ei_hbm.at[0, pl.ds(r, 1)],
                             sidx.at[0, pl.ds(0, 1)], sem_i)
            pltpu.async_copy(ei_hbm.at[1, pl.ds(r, 1)],
                             didx.at[0, pl.ds(0, 1)], sem_i)
            pltpu.make_async_copy(ei_hbm.at[0, pl.ds(0, 1)],
                                  sidx.at[0, pl.ds(0, 1)], sem_i).wait()
            pltpu.make_async_copy(ei_hbm.at[0, pl.ds(0, 1)],
                                  didx.at[0, pl.ds(0, 1)], sem_i).wait()
            pltpu.async_copy(xs_hbm.at[sidx.at[0, 0]], rows_a, sem_a)
            gather_wait(0)
            scatter(0, 0, 0)

        plsc.subcore_barrier()
        pltpu.sync_copy(acc.at[pl.ds(a0, rpt)], out_hbm.at[c, pl.ds(a0, rpt)])

    return prop_kernel


def _diag(dinv_row, blk):
    ir = lax.broadcasted_iota(jnp.int32, (blk, blk), 0)
    ic = lax.broadcasted_iota(jnp.int32, (blk, blk), 1)
    dm = jnp.broadcast_to(dinv_row, (blk, blk))
    return jnp.where(ir == ic, dm, 0.0)


def _make_tc_scale(n, npad, d_in, blk):
    def body(deg_ref, x_ref, dinvc_ref, xs_ref):
        deg = jnp.sum(deg_ref[...], axis=0, keepdims=True) + 1.0
        dinv = lax.rsqrt(deg)
        dmat = _diag(dinv, blk)
        dinvc = jnp.dot(dmat, jnp.ones((blk, 8), jnp.float32),
                        preferred_element_type=jnp.float32)
        dinvc_ref[...] = dinvc
        xs_ref[...] = x_ref[...] * dinvc[:, 0:1]

    grid = (npad // blk,)
    return pl.pallas_call(
        body,
        grid=grid,
        in_specs=[
            pl.BlockSpec((NW, blk), lambda i: (0, i)),
            pl.BlockSpec((blk, d_in), lambda i: (i, 0)),
        ],
        out_specs=[
            pl.BlockSpec((blk, 8), lambda i: (i, 0)),
            pl.BlockSpec((blk, d_in), lambda i: (i, 0)),
        ],
        out_shape=[
            jax.ShapeDtypeStruct((npad, 8), jnp.float32),
            jax.ShapeDtypeStruct((npad, d_in), jnp.float32),
        ],
    )


def _make_tc_mlp(npad, d_in, d_hid, d_out_p, blk):
    bn_c = float(1.0 / (1.0 + 1e-5) ** 0.5)

    def body(agg_ref, xs_ref, dinv_ref, w1_ref, b1_ref, g1_ref,
             be1_ref, w2_ref, zs_ref):
        dinvc = dinv_ref[:, 0:1]
        pre = (agg_ref[0] + agg_ref[1] + xs_ref[...]) * dinvc
        h = jnp.dot(pre, w1_ref[...], preferred_element_type=jnp.float32)
        h = (h + b1_ref[...]) * (g1_ref[...] * bn_c) + be1_ref[...]
        h = jnp.maximum(h, 0.0)
        z = jnp.dot(h, w2_ref[...], preferred_element_type=jnp.float32)
        zs_ref[...] = z * dinvc

    grid = (npad // blk,)
    return pl.pallas_call(
        body,
        grid=grid,
        in_specs=[
            pl.BlockSpec((2, blk, d_in), lambda i: (0, i, 0)),
            pl.BlockSpec((blk, d_in), lambda i: (i, 0)),
            pl.BlockSpec((blk, 8), lambda i: (i, 0)),
            pl.BlockSpec((d_in, d_hid), lambda i: (0, 0)),
            pl.BlockSpec((1, d_hid), lambda i: (0, 0)),
            pl.BlockSpec((1, d_hid), lambda i: (0, 0)),
            pl.BlockSpec((1, d_hid), lambda i: (0, 0)),
            pl.BlockSpec((d_hid, d_out_p), lambda i: (0, 0)),
        ],
        out_specs=pl.BlockSpec((blk, d_out_p), lambda i: (i, 0)),
        out_shape=jax.ShapeDtypeStruct((npad, d_out_p), jnp.float32),
    )


def _make_tc_final(n, npad, d_out_p, d_out, blk):
    def body(agg_ref, zs_ref, dinv_ref, b2_ref, out_ref):
        v = (agg_ref[0] + agg_ref[1] + zs_ref[...]) * dinv_ref[:, 0:1] \
            + b2_ref[...]
        out_ref[...] = v[:, :d_out]

    grid = (n // blk,)
    return pl.pallas_call(
        body,
        grid=grid,
        in_specs=[
            pl.BlockSpec((2, blk, d_out_p), lambda i: (0, i, 0)),
            pl.BlockSpec((blk, d_out_p), lambda i: (i, 0)),
            pl.BlockSpec((blk, 8), lambda i: (i, 0)),
            pl.BlockSpec((1, d_out_p), lambda i: (0, 0)),
        ],
        out_specs=pl.BlockSpec((blk, d_out), lambda i: (i, 0)),
        out_shape=jax.ShapeDtypeStruct((n, d_out), jnp.float32),
    )


def kernel(x, edge_index, W1, b1, gamma1, beta1, W2, b2):
    n, d_in = x.shape
    d_hid = W1.shape[1]
    d_out = W2.shape[1]
    d_out_p = 64
    e = edge_index.shape[1]
    assert e % K == 0
    erows = e // K
    npad = 10240
    assert n <= npad

    ei = edge_index.reshape(2, erows, K)

    deg_pp = _make_degree_kernel(npad, erows)(ei)

    blk = 1024
    dinv, xs = _make_tc_scale(n, npad, d_in, blk)(deg_pp, x)

    agg1 = _make_prop_kernel(npad, erows, d_in, tc_tiling=False)(xs, ei)

    w2p = jnp.pad(W2, ((0, 0), (0, d_out_p - d_out)))
    zs = _make_tc_mlp(npad, d_in, d_hid, d_out_p, blk)(
        agg1, xs, dinv,
        W1, b1.reshape(1, d_hid), gamma1.reshape(1, d_hid),
        beta1.reshape(1, d_hid), w2p)

    agg2 = _make_prop_kernel(npad, erows, d_out_p, tc_tiling=False)(zs, ei)

    b2p = jnp.pad(b2, (0, d_out_p - d_out)).reshape(1, d_out_p)
    return _make_tc_final(n, npad, d_out_p, d_out, 1000)(agg2, zs, dinv, b2p)

# --- scband reference (transcript-rebuilt; emitter-appended) ---
"""Pipeline reference for scband-ours-48627619726115 (READ-ONLY COPY).

The authoritative reference and input builder live on the scoring server;
editing this copy changes nothing except your own understanding.
"""

import jax, jax.numpy as jnp
import numpy as np

N = 10000
E = 320000
D_IN = 128
D_HID = 256
D_OUT = 40


def setup_inputs(seed: int = 0) -> dict:
    key = jax.random.key(seed)
    ks = jax.random.split(key, 8)
    x = jax.random.normal(ks[0], (N, D_IN), dtype=jnp.float32)
    edge_index = jax.random.randint(ks[1], (2, E), 0, N, dtype=jnp.int32)
    W1 = jax.random.normal(ks[2], (D_IN, D_HID), dtype=jnp.float32) * (1.0 / np.sqrt(D_IN))
    b1 = jnp.zeros((D_HID,), dtype=jnp.float32)
    gamma1 = jnp.ones((D_HID,), dtype=jnp.float32)
    beta1 = jnp.zeros((D_HID,), dtype=jnp.float32)
    W2 = jax.random.normal(ks[3], (D_HID, D_OUT), dtype=jnp.float32) * (1.0 / np.sqrt(D_HID))
    b2 = jnp.zeros((D_OUT,), dtype=jnp.float32)
    return {"x": x, "edge_index": edge_index, "W1": W1, "b1": b1, "gamma1": gamma1, "beta1": beta1, "W2": W2, "b2": b2}


def _gcn_conv(x, src, dst, W, b, n):
    # GCNConv: symmetric normalization with self-loops (loops already appended to src/dst)
    h = x @ W
    deg = jnp.zeros((n,), dtype=jnp.float32).at[dst].add(1.0)
    dinv = jax.lax.rsqrt(deg)
    norm = dinv[src] * dinv[dst]
    msg = h[src] * norm[:, None]
    out = jnp.zeros((n, h.shape[1]), dtype=jnp.float32).at[dst].add(msg)
    return out + b


def reference(x, edge_index, W1, b1, gamma1, beta1, W2, b2):
    # GCN backbone forward (eval mode: dropout off, BN uses running stats mean=0, var=1)
    n = x.shape[0]
    loop = jnp.arange(n, dtype=edge_index.dtype)
    src = jnp.concatenate([edge_index[0], loop])
    dst = jnp.concatenate([edge_index[1], loop])
    h = _gcn_conv(x, src, dst, W1, b1, n)
    eps = 1e-5
    h = gamma1 * h / jnp.sqrt(1.0 + eps) + beta1  # BatchNorm1d eval with running_mean=0, running_var=1
    h = jax.nn.relu(h)
    out = _gcn_conv(h, src, dst, W2, b2, n)
    return out

if __name__ == "__main__":
    import jax
    _d = setup_inputs()
    print(jax.jit(kernel)(*tuple(_d.values())))

</pallas_src>

<mosaic_0001>
#map = affine_map<(d0, d1) -> (0, 0)>
#map1 = affine_map<(d0, d1) -> (0, 0, 0)>
module attributes {stable_mosaic.version = 14 : i64} {
  func.func @prop_kernel(%arg0: i32, %arg1: i32, %arg2: memref<10240x64xf32, #tpu.memory_space<hbm>>, %arg3: memref<2x2500x128xi32, #tpu.memory_space<hbm>>, %arg4: memref<2x10240x64xf32, #tpu.memory_space<hbm>>, %arg5: memref<2x6x128xi32, #tpu.memory_space<vmem>>, %arg6: memref<2x6x128xi32, #tpu.memory_space<vmem>>, %arg7: memref<128x64xf32, #tpu.memory_space<vmem>>, %arg8: memref<128x64xf32, #tpu.memory_space<vmem>>, %arg9: memref<10240x64xf32, #tpu.memory_space<vmem_shared>>, %arg10: memref<!tpu.dma_semaphore, #tpu.memory_space<semaphore_mem>>, %arg11: memref<!tpu.dma_semaphore, #tpu.memory_space<semaphore_mem>>, %arg12: memref<!tpu.dma_semaphore, #tpu.memory_space<semaphore_mem>>) attributes {dimension_semantics = [#tpu.dimension_semantics<core_parallel>, #tpu.dimension_semantics<subcore_parallel>], iteration_bounds = array<i64: 2, 16>, scalar_prefetch = 0 : i64, scratch_operands = 8 : i64, tpu.core_type = #tpu.core_type<sc_vector_subcore>, window_params = [{transform_indices = #map}, {transform_indices = #map1}, {transform_indices = #map1}]} {
    %mul3A = arith.constant 16 : i32
    %mul3A_0 = arith.muli %arg0, %mul3A : i32
    %add3A = arith.addi %mul3A_0, %arg1 : i32
    %mul3A_1 = arith.constant 78 : i32
    %mul3A_2 = arith.muli %mul3A_1, %add3A : i32
    %min3A = arith.constant 4 : i32
    %min3A_3 = arith.minsi %add3A, %min3A : i32
    %add3A_4 = arith.addi %mul3A_2, %min3A_3 : i32
    %scan3A = arith.constant 0 : i32
    %scan3A_5 = arith.constant 0 : i32
    %scan3A_6 = arith.constant 80 : i32
    %scan3A_7 = arith.addi %scan3A_5, %scan3A_6 : i32
    %scan3A_8 = arith.constant 1 : i32
    %scan3A_9 = scf.for %scan3A_114 = %scan3A_5 to %scan3A_7 step %scan3A_8 iter_args(%scan3A_115 = %scan3A) -> (i32)  : i32 {
      %broadcast_in_dim3A = arith.constant 0.000000e+00 : f32
      %broadcast_in_dim3A_116 = vector.broadcast %broadcast_in_dim3A : f32 to vector<64xf32>
      %swap3A = arith.index_cast %scan3A_114 : i32 to index
      %swap3A_117 = arith.constant 0 : index
      %swap3A_118 = tpu.vector_load %arg7[%swap3A, %swap3A_117] {strides = array<i32>} : memref<128x64xf32, #tpu.memory_space<vmem>>, vector<1x64xf32>,
      %swap3A_119 = vector.shape_cast %swap3A_118 : vector<1x64xf32> to vector<64xf32>
      %swap3A_120 = vector.shape_cast %broadcast_in_dim3A_116 : vector<64xf32> to vector<1x64xf32>
      tpu.vector_store %arg7[%swap3A, %swap3A_117], %swap3A_120 {strides = array<i32>} : memref<128x64xf32, #tpu.memory_space<vmem>>, vector<1x64xf32>,
      %scan3A_121 = arith.constant 0 : i32
      scf.yield %scan3A_121 : i32
    }
    %scan3A_10 = arith.constant 80 : i32
    %mul3A_11 = arith.constant 640 : i32
    %mul3A_12 = arith.muli %arg1, %mul3A_11 : i32
    %scan3A_13 = arith.constant 0 : i32
    %scan3A_14 = arith.constant 0 : i32
    %scan3A_15 = arith.constant 8 : i32
    %scan3A_16 = arith.addi %scan3A_14, %scan3A_15 : i32
    %scan3A_17 = arith.constant 1 : i32
    %scan3A_18 = scf.for %scan3A_114 = %scan3A_14 to %scan3A_16 step %scan3A_17 iter_args(%scan3A_115 = %scan3A_13) -> (i32)  : i32 {
      %mul3A_116 = arith.constant 80 : i32
      %mul3A_117 = arith.muli %scan3A_114, %mul3A_116 : i32
      %add3A_118 = arith.addi %mul3A_12, %mul3A_117 : i32
      "tpu.region"() ({
        %run_scoped3A = tpu.sem_alloc : memref<!tpu.dma_semaphore, #tpu.memory_space<semaphore_mem>>
        %dma_start3A_120 = arith.constant 0 : i32
        %dma_start3A_121 = arith.constant 0 : i32
        %dma_start3A_122 = tpu.memref_slice %arg7[%dma_start3A_120, %dma_start3A_121] : memref<128x64xf32, #tpu.memory_space<vmem>> -> memref<80x64xf32, #tpu.memory_space<vmem>>
        %dma_start3A_123 = arith.constant 0 : i32
        %dma_start3A_124 = tpu.memref_slice %arg9[%add3A_118, %dma_start3A_123] : memref<10240x64xf32, #tpu.memory_space<vmem_shared>> -> memref<80x64xf32, #tpu.memory_space<vmem_shared>>
        %dma_start3A_125 = arith.constant 0 : i32
        %dma_start3A_126 = tpu.memref_slice %arg9[%add3A_118, %dma_start3A_125] : memref<10240x64xf32, #tpu.memory_space<vmem_shared>> -> memref<80x64xf32, #tpu.memory_space<vmem_shared>>
        %dma_start3A_127 = arith.constant 0 : i32
        %dma_start3A_128 = arith.constant 0 : i32
        %dma_start3A_129 = tpu.memref_slice %arg7[%dma_start3A_127, %dma_start3A_128] : memref<128x64xf32, #tpu.memory_space<vmem>> -> memref<80x64xf32, #tpu.memory_space<vmem>>
        tpu.enqueue_dma source(%dma_start3A_129 : memref<80x64xf32, #tpu.memory_space<vmem>>) target(%dma_start3A_126 : memref<80x64xf32, #tpu.memory_space<vmem_shared>>) target_semaphore(%run_scoped3A : memref<!tpu.dma_semaphore, #tpu.memory_space<semaphore_mem>>)
        %dma_wait3A_130 = arith.constant 0 : i32
        %dma_wait3A_131 = arith.constant 0 : i32
        %dma_wait3A_132 = tpu.memref_slice %arg7[%dma_wait3A_130, %dma_wait3A_131] : memref<128x64xf32, #tpu.memory_space<vmem>> -> memref<80x64xf32, #tpu.memory_space<vmem>>
        %dma_wait3A_133 = arith.constant 0 : i32
        %dma_wait3A_134 = tpu.memref_slice %arg9[%add3A_118, %dma_wait3A_133] : memref<10240x64xf32, #tpu.memory_space<vmem_shared>> -> memref<80x64xf32, #tpu.memory_space<vmem_shared>>
        %dma_wait3A_135 = arith.constant 0 : i32
        %dma_wait3A_136 = tpu.memref_slice %arg9[%add3A_118, %dma_wait3A_135] : memref<10240x64xf32, #tpu.memory_space<vmem_shared>> -> memref<80x64xf32, #tpu.memory_space<vmem_shared>>
        %dma_wait3A_137 = arith.constant 0 : i32
        %dma_wait3A_138 = arith.constant 0 : i32
        %dma_wait3A_139 = tpu.memref_slice %arg7[%dma_wait3A_137, %dma_wait3A_138] : memref<128x64xf32, #tpu.memory_space<vmem>> -> memref<80x64xf32, #tpu.memory_space<vmem>>
        tpu.wait_dma2 semaphore(%run_scoped3A : memref<!tpu.dma_semaphore, #tpu.memory_space<semaphore_mem>>) src(%dma_wait3A_139 : memref<80x64xf32, #tpu.memory_space<vmem>>) dst(%dma_wait3A_136 : memref<80x64xf32, #tpu.memory_space<vmem_shared>>)
        tpu.yield
      }) : () -> ()
      %scan3A_119 = arith.constant 0 : i32
      scf.yield %scan3A_119 : i32
    }
    %scan3A_19 = arith.constant 8 : i32
    %barrier3A = arith.constant 0 : index
    tpu.barrier barrier_id(%barrier3A)
    %add3A_20 = arith.constant 0 : i32
    %add3A_21 = arith.addi %add3A_4, %add3A_20 : i32
    %dma_start3A = arith.constant 0 : i32
    %dma_start3A_22 = arith.constant 0 : i32
    %dma_start3A_23 = arith.constant 0 : i32
    %dma_start3A_24 = arith.constant 0 : i32
    %dma_start3A_25 = tpu.memref_slice %arg5[%dma_start3A_22, %dma_start3A_23, %dma_start3A_24] : memref<2x6x128xi32, #tpu.memory_space<vmem>> -> memref<1x6x128xi32, #tpu.memory_space<vmem>>
    %dma_start3A_26 = tpu.memref_squeeze %dma_start3A_25 : memref<1x6x128xi32, #tpu.memory_space<vmem>> -> memref<6x128xi32, #tpu.memory_space<vmem>>
    %dma_start3A_27 = arith.constant 0 : i32
    %dma_start3A_28 = tpu.memref_slice %arg3[%dma_start3A, %add3A_21, %dma_start3A_27] : memref<2x2500x128xi32, #tpu.memory_space<hbm>> -> memref<1x6x128xi32, #tpu.memory_space<hbm>>
    %dma_start3A_29 = tpu.memref_squeeze %dma_start3A_28 : memref<1x6x128xi32, #tpu.memory_space<hbm>> -> memref<6x128xi32, #tpu.memory_space<hbm>>
    %dma_start3A_30 = arith.constant 0 : i32
    %dma_start3A_31 = arith.constant 0 : i32
    %dma_start3A_32 = tpu.memref_slice %arg5[%dma_start3A_22, %dma_start3A_30, %dma_start3A_31] : memref<2x6x128xi32, #tpu.memory_space<vmem>> -> memref<1x6x128xi32, #tpu.memory_space<vmem>>
    %dma_start3A_33 = tpu.memref_squeeze %dma_start3A_32 : memref<1x6x128xi32, #tpu.memory_space<vmem>> -> memref<6x128xi32, #tpu.memory_space<vmem>>
    %dma_start3A_34 = arith.constant 0 : i32
    %dma_start3A_35 = tpu.memref_slice %arg3[%dma_start3A, %add3A_21, %dma_start3A_34] : memref<2x2500x128xi32, #tpu.memory_space<hbm>> -> memref<1x6x128xi32, #tpu.memory_space<hbm>>
    %dma_start3A_36 = tpu.memref_squeeze %dma_start3A_35 : memref<1x6x128xi32, #tpu.memory_space<hbm>> -> memref<6x128xi32, #tpu.memory_space<hbm>>
    tpu.enqueue_dma source(%dma_start3A_36 : memref<6x128xi32, #tpu.memory_space<hbm>>) target(%dma_start3A_33 : memref<6x128xi32, #tpu.memory_space<vmem>>) target_semaphore(%arg12 : memref<!tpu.dma_semaphore, #tpu.memory_space<semaphore_mem>>)
    %dma_start3A_37 = arith.constant 1 : i32
    %dma_start3A_38 = arith.constant 0 : i32
    %dma_start3A_39 = arith.constant 0 : i32
    %dma_start3A_40 = arith.constant 0 : i32
    %dma_start3A_41 = tpu.memref_slice %arg6[%dma_start3A_38, %dma_start3A_39, %dma_start3A_40] : memref<2x6x128xi32, #tpu.memory_space<vmem>> -> memref<1x6x128xi32, #tpu.memory_space<vmem>>
    %dma_start3A_42 = tpu.memref_squeeze %dma_start3A_41 : memref<1x6x128xi32, #tpu.memory_space<vmem>> -> memref<6x128xi32, #tpu.memory_space<vmem>>
    %dma_start3A_43 = arith.constant 0 : i32
    %dma_start3A_44 = tpu.memref_slice %arg3[%dma_start3A_37, %add3A_21, %dma_start3A_43] : memref<2x2500x128xi32, #tpu.memory_space<hbm>> -> memref<1x6x128xi32, #tpu.memory_space<hbm>>
    %dma_start3A_45 = tpu.memref_squeeze %dma_start3A_44 : memref<1x6x128xi32, #tpu.memory_space<hbm>> -> memref<6x128xi32, #tpu.memory_space<hbm>>
    %dma_start3A_46 = arith.constant 0 : i32
    %dma_start3A_47 = arith.constant 0 : i32
    %dma_start3A_48 = tpu.memref_slice %arg6[%dma_start3A_38, %dma_start3A_46, %dma_start3A_47] : memref<2x6x128xi32, #tpu.memory_space<vmem>> -> memref<1x6x128xi32, #tpu.memory_space<vmem>>
    %dma_start3A_49 = tpu.memref_squeeze %dma_start3A_48 : memref<1x6x128xi32, #tpu.memory_space<vmem>> -> memref<6x128xi32, #tpu.memory_space<vmem>>
    %dma_start3A_50 = arith.constant 0 : i32
    %dma_start3A_51 = tpu.memref_slice %arg3[%dma_start3A_37, %add3A_21, %dma_start3A_50] : memref<2x2500x128xi32, #tpu.memory_space<hbm>> -> memref<1x6x128xi32, #tpu.memory_space<hbm>>
    %dma_start3A_52 = tpu.memref_squeeze %dma_start3A_51 : memref<1x6x128xi32, #tpu.memory_space<hbm>> -> memref<6x128xi32, #tpu.memory_space<hbm>>
    tpu.enqueue_dma source(%dma_start3A_52 : memref<6x128xi32, #tpu.memory_space<hbm>>) target(%dma_start3A_49 : memref<6x128xi32, #tpu.memory_space<vmem>>) target_semaphore(%arg12 : memref<!tpu.dma_semaphore, #tpu.memory_space<semaphore_mem>>)
    %dma_wait3A = arith.constant 0 : i32
    %dma_wait3A_53 = arith.constant 0 : i32
    %dma_wait3A_54 = arith.constant 0 : i32
    %dma_wait3A_55 = arith.constant 0 : i32
    %dma_wait3A_56 = tpu.memref_slice %arg5[%dma_wait3A_53, %dma_wait3A_54, %dma_wait3A_55] : memref<2x6x128xi32, #tpu.memory_space<vmem>> -> memref<1x6x128xi32, #tpu.memory_space<vmem>>
    %dma_wait3A_57 = tpu.memref_squeeze %dma_wait3A_56 : memref<1x6x128xi32, #tpu.memory_space<vmem>> -> memref<6x128xi32, #tpu.memory_space<vmem>>
    %dma_wait3A_58 = arith.constant 0 : i32
    %dma_wait3A_59 = arith.constant 0 : i32
    %dma_wait3A_60 = tpu.memref_slice %arg3[%dma_wait3A, %dma_wait3A_58, %dma_wait3A_59] : memref<2x2500x128xi32, #tpu.memory_space<hbm>> -> memref<1x6x128xi32, #tpu.memory_space<hbm>>
    %dma_wait3A_61 = tpu.memref_squeeze %dma_wait3A_60 : memref<1x6x128xi32, #tpu.memory_space<hbm>> -> memref<6x128xi32, #tpu.memory_space<hbm>>
    %dma_wait3A_62 = arith.constant 0 : i32
    %dma_wait3A_63 = arith.constant 0 : i32
    %dma_wait3A_64 = tpu.memref_slice %arg5[%dma_wait3A_53, %dma_wait3A_62, %dma_wait3A_63] : memref<2x6x128xi32, #tpu.memory_space<vmem>> -> memref<1x6x128xi32, #tpu.memory_space<vmem>>
    %dma_wait3A_65 = tpu.memref_squeeze %dma_wait3A_64 : memref<1x6x128xi32, #tpu.memory_space<vmem>> -> memref<6x128xi32, #tpu.memory_space<vmem>>
    %dma_wait3A_66 = arith.constant 0 : i32
    %dma_wait3A_67 = arith.constant 0 : i32
    %dma_wait3A_68 = tpu.memref_slice %arg3[%dma_wait3A, %dma_wait3A_66, %dma_wait3A_67] : memref<2x2500x128xi32, #tpu.memory_space<hbm>> -> memref<1x6x128xi32, #tpu.memory_space<hbm>>
    %dma_wait3A_69 = tpu.memref_squeeze %dma_wait3A_68 : memref<1x6x128xi32, #tpu.memory_space<hbm>> -> memref<6x128xi32, #tpu.memory_space<hbm>>
    tpu.wait_dma2 semaphore(%arg12 : memref<!tpu.dma_semaphore, #tpu.memory_space<semaphore_mem>>) src(%dma_wait3A_69 : memref<6x128xi32, #tpu.memory_space<hbm>>) dst(%dma_wait3A_65 : memref<6x128xi32, #tpu.memory_space<vmem>>)
    %dma_wait3A_70 = arith.constant 0 : i32
    %dma_wait3A_71 = arith.constant 0 : i32
    %dma_wait3A_72 = arith.constant 0 : i32
    %dma_wait3A_73 = arith.constant 0 : i32
    %dma_wait3A_74 = tpu.memref_slice %arg6[%dma_wait3A_71, %dma_wait3A_72, %dma_wait3A_73] : memref<2x6x128xi32, #tpu.memory_space<vmem>> -> memref<1x6x128xi32, #tpu.memory_space<vmem>>
    %dma_wait3A_75 = tpu.memref_squeeze %dma_wait3A_74 : memref<1x6x128xi32, #tpu.memory_space<vmem>> -> memref<6x128xi32, #tpu.memory_space<vmem>>
    %dma_wait3A_76 = arith.constant 0 : i32
    %dma_wait3A_77 = arith.constant 0 : i32
    %dma_wait3A_78 = tpu.memref_slice %arg3[%dma_wait3A_70, %dma_wait3A_76, %dma_wait3A_77] : memref<2x2500x128xi32, #tpu.memory_space<hbm>> -> memref<1x6x128xi32, #tpu.memory_space<hbm>>
    %dma_wait3A_79 = tpu.memref_squeeze %dma_wait3A_78 : memref<1x6x128xi32, #tpu.memory_space<hbm>> -> memref<6x128xi32, #tpu.memory_space<hbm>>
    %dma_wait3A_80 = arith.constant 0 : i32
    %dma_wait3A_81 = arith.constant 0 : i32
    %dma_wait3A_82 = tpu.memref_slice %arg6[%dma_wait3A_71, %dma_wait3A_80, %dma_wait3A_81] : memref<2x6x128xi32, #tpu.memory_space<vmem>> -> memref<1x6x128xi32, #tpu.memory_space<vmem>>
    %dma_wait3A_83 = tpu.memref_squeeze %dma_wait3A_82 : memref<1x6x128xi32, #tpu.memory_space<vmem>> -> memref<6x128xi32, #tpu.memory_space<vmem>>
    %dma_wait3A_84 = arith.constant 0 : i32
    %dma_wait3A_85 = arith.constant 0 : i32
    %dma_wait3A_86 = tpu.memref_slice %arg3[%dma_wait3A_70, %dma_wait3A_84, %dma_wait3A_85] : memref<2x2500x128xi32, #tpu.memory_space<hbm>> -> memref<1x6x128xi32, #tpu.memory_space<hbm>>
    %dma_wait3A_87 = tpu.memref_squeeze %dma_wait3A_86 : memref<1x6x128xi32, #tpu.memory_space<hbm>> -> memref<6x128xi32, #tpu.memory_space<hbm>>
    tpu.wait_dma2 semaphore(%arg12 : memref<!tpu.dma_semaphore, #tpu.memory_space<semaphore_mem>>) src(%dma_wait3A_87 : memref<6x128xi32, #tpu.memory_space<hbm>>) dst(%dma_wait3A_83 : memref<6x128xi32, #tpu.memory_space<vmem>>)
    %dma_start3A_88 = arith.constant 0 : i32
    %dma_start3A_89 = arith.constant 0 : i32
    %dma_start3A_90 = arith.constant 0 : i32
    %dma_start3A_91 = tpu.memref_slice %arg5[%dma_start3A_88, %dma_start3A_89, %dma_start3A_90] : memref<2x6x128xi32, #tpu.memory_space<vmem>> -> memref<1x1x128xi32, #tpu.memory_space<vmem>>
    %dma_start3A_92 = tpu.memref_squeeze %dma_start3A_91 : memref<1x1x128xi32, #tpu.memory_space<vmem>> -> memref<128xi32, #tpu.memory_space<vmem>>
    %dma_start3A_93 = arith.constant 0 : i32
    %dma_start3A_94 = arith.constant 0 : i32
    %dma_start3A_95 = tpu.memref_slice %arg2[%dma_start3A_93, %dma_start3A_94] : memref<10240x64xf32, #tpu.memory_space<hbm>> -> memref<10240x64xf32, #tpu.memory_space<hbm>>
    tpu.enqueue_indirect_dma source(%dma_start3A_95 : memref<10240x64xf32, #tpu.memory_space<hbm>>) target(%arg7 : memref<128x64xf32, #tpu.memory_space<vmem>>) offsets(%dma_start3A_92 : memref<128xi32, #tpu.memory_space<vmem>>) semaphore(%arg10 : memref<!tpu.dma_semaphore, #tpu.memory_space<semaphore_mem>>)
    %scan3A_96 = arith.constant 0 : i32
    %scan3A_97 = arith.constant 0 : i32
    %scan3A_98 = arith.constant 13 : i32
    %scan3A_99 = arith.addi %scan3A_97, %scan3A_98 : i32
    %scan3A_100 = arith.constant 1 : i32
    %scan3A_101 = scf.for %scan3A_114 = %scan3A_97 to %scan3A_99 step %scan3A_100 iter_args(%scan3A_115 = %scan3A_96) -> (i32)  : i32 {
      %rem3A = arith.constant 2 : i32
      %rem3A_116 = arith.remsi %scan3A_114, %rem3A : i32
      %sub3A = arith.constant 1 : i32
      %sub3A_117 = arith.subi %sub3A, %rem3A_116 : i32
      %add3A_118 = arith.constant 1 : i32
      %add3A_119 = arith.addi %scan3A_114, %add3A_118 : i32
      %rem3A_120 = arith.constant 13 : i32
      %rem3A_121 = arith.remsi %add3A_119, %rem3A_120 : i32
      %mul3A_122 = arith.constant 6 : i32
      %mul3A_123 = arith.muli %rem3A_121, %mul3A_122 : i32
      %add3A_124 = arith.addi %add3A_4, %mul3A_123 : i32
      %dma_start3A_125 = arith.constant 0 : i32
      %dma_start3A_126 = arith.constant 0 : i32
      %dma_start3A_127 = arith.constant 0 : i32
      %dma_start3A_128 = tpu.memref_slice %arg5[%sub3A_117, %dma_start3A_126, %dma_start3A_127] : memref<2x6x128xi32, #tpu.memory_space<vmem>> -> memref<1x6x128xi32, #tpu.memory_space<vmem>>
      %dma_start3A_129 = tpu.memref_squeeze %dma_start3A_128 : memref<1x6x128xi32, #tpu.memory_space<vmem>> -> memref<6x128xi32, #tpu.memory_space<vmem>>
      %dma_start3A_130 = arith.constant 0 : i32
      %dma_start3A_131 = tpu.memref_slice %arg3[%dma_start3A_125, %add3A_124, %dma_start3A_130] : memref<2x2500x128xi32, #tpu.memory_space<hbm>> -> memref<1x6x128xi32, #tpu.memory_space<hbm>>
      %dma_start3A_132 = tpu.memref_squeeze %dma_start3A_131 : memref<1x6x128xi32, #tpu.memory_space<hbm>> -> memref<6x128xi32, #tpu.memory_space<hbm>>
      %dma_start3A_133 = arith.constant 0 : i32
      %dma_start3A_134 = arith.constant 0 : i32
      %dma_start3A_135 = tpu.memref_slice %arg5[%sub3A_117, %dma_start3A_133, %dma_start3A_134] : memref<2x6x128xi32, #tpu.memory_space<vmem>> -> memref<1x6x128xi32, #tpu.memory_space<vmem>>
      %dma_start3A_136 = tpu.memref_squeeze %dma_start3A_135 : memref<1x6x128xi32, #tpu.memory_space<vmem>> -> memref<6x128xi32, #tpu.memory_space<vmem>>
      %dma_start3A_137 = arith.constant 0 : i32
      %dma_start3A_138 = tpu.memref_slice %arg3[%dma_start3A_125, %add3A_124, %dma_start3A_137] : memref<2x2500x128xi32, #tpu.memory_space<hbm>> -> memref<1x6x128xi32, #tpu.memory_space<hbm>>
      %dma_start3A_139 = tpu.memref_squeeze %dma_start3A_138 : memref<1x6x128xi32, #tpu.memory_space<hbm>> -> memref<6x128xi32, #tpu.memory_space<hbm>>
      tpu.enqueue_dma source(%dma_start3A_139 : memref<6x128xi32, #tpu.memory_space<hbm>>) target(%dma_start3A_136 : memref<6x128xi32, #tpu.memory_space<vmem>>) target_semaphore(%arg12 : memref<!tpu.dma_semaphore, #tpu.memory_space<semaphore_mem>>)
      %dma_start3A_140 = arith.constant 1 : i32
      %dma_start3A_141 = arith.constant 0 : i32
      %dma_start3A_142 = arith.constant 0 : i32
      %dma_start3A_143 = tpu.memref_slice %arg6[%sub3A_117, %dma_start3A_141, %dma_start3A_142] : memref<2x6x128xi32, #tpu.memory_space<vmem>> -> memref<1x6x128xi32, #tpu.memory_space<vmem>>
      %dma_start3A_144 = tpu.memref_squeeze %dma_start3A_143 : memref<1x6x128xi32, #tpu.memory_space<vmem>> -> memref<6x128xi32, #tpu.memory_space<vmem>>
      %dma_start3A_145 = arith.constant 0 : i32
      %dma_start3A_146 = tpu.memref_slice %arg3[%dma_start3A_140, %add3A_124, %dma_start3A_145] : memref<2x2500x128xi32, #tpu.memory_space<hbm>> -> memref<1x6x128xi32, #tpu.memory_space<hbm>>
      %dma_start3A_147 = tpu.memref_squeeze %dma_start3A_146 : memref<1x6x128xi32, #tpu.memory_space<hbm>> -> memref<6x128xi32, #tpu.memory_space<hbm>>
      %dma_start3A_148 = arith.constant 0 : i32
      %dma_start3A_149 = arith.constant 0 : i32
      %dma_start3A_150 = tpu.memref_slice %arg6[%sub3A_117, %dma_start3A_148, %dma_start3A_149] : memref<2x6x128xi32, #tpu.memory_space<vmem>> -> memref<1x6x128xi32, #tpu.memory_space<vmem>>
      %dma_start3A_151 = tpu.memref_squeeze %dma_start3A_150 : memref<1x6x128xi32, #tpu.memory_space<vmem>> -> memref<6x128xi32, #tpu.memory_space<vmem>>
      %dma_start3A_152 = arith.constant 0 : i32
      %dma_start3A_153 = tpu.memref_slice %arg3[%dma_start3A_140, %add3A_124, %dma_start3A_152] : memref<2x2500x128xi32, #tpu.memory_space<hbm>> -> memref<1x6x128xi32, #tpu.memory_space<hbm>>
      %dma_start3A_154 = tpu.memref_squeeze %dma_start3A_153 : memref<1x6x128xi32, #tpu.memory_space<hbm>> -> memref<6x128xi32, #tpu.memory_space<hbm>>
      tpu.enqueue_dma source(%dma_start3A_154 : memref<6x128xi32, #tpu.memory_space<hbm>>) target(%dma_start3A_151 : memref<6x128xi32, #tpu.memory_space<vmem>>) target_semaphore(%arg12 : memref<!tpu.dma_semaphore, #tpu.memory_space<semaphore_mem>>)
      %dma_start3A_155 = arith.constant 1 : i32
      %dma_start3A_156 = arith.constant 0 : i32
      %dma_start3A_157 = tpu.memref_slice %arg5[%rem3A_116, %dma_start3A_155, %dma_start3A_156] : memref<2x6x128xi32, #tpu.memory_space<vmem>> -> memref<1x1x128xi32, #tpu.memory_space<vmem>>
      %dma_start3A_158 = tpu.memref_squeeze %dma_start3A_157 : memref<1x1x128xi32, #tpu.memory_space<vmem>> -> memref<128xi32, #tpu.memory_space<vmem>>
      %dma_start3A_159 = arith.constant 0 : i32
      %dma_start3A_160 = arith.constant 0 : i32
      %dma_start3A_161 = tpu.memref_slice %arg2[%dma_start3A_159, %dma_start3A_160] : memref<10240x64xf32, #tpu.memory_space<hbm>> -> memref<10240x64xf32, #tpu.memory_space<hbm>>
      tpu.enqueue_indirect_dma source(%dma_start3A_161 : memref<10240x64xf32, #tpu.memory_space<hbm>>) target(%arg8 : memref<128x64xf32, #tpu.memory_space<vmem>>) offsets(%dma_start3A_158 : memref<128xi32, #tpu.memory_space<vmem>>) semaphore(%arg11 : memref<!tpu.dma_semaphore, #tpu.memory_space<semaphore_mem>>)
      %dma_wait3A_162 = arith.constant 0 : i32
      %dma_wait3A_163 = arith.constant 0 : i32
      %dma_wait3A_164 = arith.constant 0 : i32
      %dma_wait3A_165 = tpu.memref_slice %arg5[%dma_wait3A_162, %dma_wait3A_163, %dma_wait3A_164] : memref<2x6x128xi32, #tpu.memory_space<vmem>> -> memref<1x1x128xi32, #tpu.memory_space<vmem>>
      %dma_wait3A_166 = tpu.memref_squeeze %dma_wait3A_165 : memref<1x1x128xi32, #tpu.memory_space<vmem>> -> memref<128xi32, #tpu.memory_space<vmem>>
      %dma_wait3A_167 = arith.constant 0 : i32
      %dma_wait3A_168 = arith.constant 0 : i32
      %dma_wait3A_169 = tpu.memref_slice %arg2[%dma_wait3A_167, %dma_wait3A_168] : memref<10240x64xf32, #tpu.memory_space<hbm>> -> memref<10240x64xf32, #tpu.memory_space<hbm>>
      tpu.wait_indirect_dma semaphore(%arg10 : memref<!tpu.dma_semaphore, #tpu.memory_space<semaphore_mem>>) src(%dma_wait3A_169 : memref<10240x64xf32, #tpu.memory_space<hbm>>) dst(%arg7 : memref<128x64xf32, #tpu.memory_space<vmem>>)
      %run_scoped3A = arith.constant 0 : i32
      "tpu.region"() ({
        %run_scoped3A_285 = tpu.sem_alloc : memref<!tpu.dma_semaphore, #tpu.memory_space<semaphore_mem>>
        %dma_start3A_286 = arith.constant 0 : i32
        %dma_start3A_287 = tpu.memref_slice %arg6[%rem3A_116, %run_scoped3A, %dma_start3A_286] : memref<2x6x128xi32, #tpu.memory_space<vmem>> -> memref<1x1x128xi32, #tpu.memory_space<vmem>>
        %dma_start3A_288 = tpu.memref_squeeze %dma_start3A_287 : memref<1x1x128xi32, #tpu.memory_space<vmem>> -> memref<128xi32, #tpu.memory_space<vmem>>
        %dma_start3A_289 = arith.constant 0 : i32
        %dma_start3A_290 = arith.constant 0 : i32
        %dma_start3A_291 = tpu.memref_slice %arg9[%dma_start3A_289, %dma_start3A_290] : memref<10240x64xf32, #tpu.memory_space<vmem_shared>> -> memref<10240x64xf32, #tpu.memory_space<vmem_shared>>
        tpu.enqueue_indirect_dma source(%arg7 : memref<128x64xf32, #tpu.memory_space<vmem>>) target(%dma_start3A_291 : memref<10240x64xf32, #tpu.memory_space<vmem_shared>>) offsets(%dma_start3A_288 : memref<128xi32, #tpu.memory_space<vmem>>) semaphore(%run_scoped3A_285 : memref<!tpu.dma_semaphore, #tpu.memory_space<semaphore_mem>>) {add = true}
        %dma_wait3A_292 = arith.constant 0 : i32
        %dma_wait3A_293 = tpu.memref_slice %arg6[%rem3A_116, %run_scoped3A, %dma_wait3A_292] : memref<2x6x128xi32, #tpu.memory_space<vmem>> -> memref<1x1x128xi32, #tpu.memory_space<vmem>>
        %dma_wait3A_294 = tpu.memref_squeeze %dma_wait3A_293 : memref<1x1x128xi32, #tpu.memory_space<vmem>> -> memref<128xi32, #tpu.memory_space<vmem>>
        %dma_wait3A_295 = arith.constant 0 : i32
        %dma_wait3A_296 = arith.constant 0 : i32
        %dma_wait3A_297 = tpu.memref_slice %arg9[%dma_wait3A_295, %dma_wait3A_296] : memref<10240x64xf32, #tpu.memory_space<vmem_shared>> -> memref<10240x64xf32, #tpu.memory_space<vmem_shared>>
        tpu.wait_indirect_dma semaphore(%run_scoped3A_285 : memref<!tpu.dma_semaphore, #tpu.memory_space<semaphore_mem>>) src(%arg7 : memref<128x64xf32, #tpu.memory_space<vmem>>) dst(%dma_wait3A_297 : memref<10240x64xf32, #tpu.memory_space<vmem_shared>>)
        tpu.yield
      }) : () -> ()
      %dma_start3A_170 = arith.constant 2 : i32
      %dma_start3A_171 = arith.constant 0 : i32
      %dma_start3A_172 = tpu.memref_slice %arg5[%rem3A_116, %dma_start3A_170, %dma_start3A_171] : memref<2x6x128xi32, #tpu.memory_space<vmem>> -> memref<1x1x128xi32, #tpu.memory_space<vmem>>
      %dma_start3A_173 = tpu.memref_squeeze %dma_start3A_172 : memref<1x1x128xi32, #tpu.memory_space<vmem>> -> memref<128xi32, #tpu.memory_space<vmem>>
      %dma_start3A_174 = arith.constant 0 : i32
      %dma_start3A_175 = arith.constant 0 : i32
      %dma_start3A_176 = tpu.memref_slice %arg2[%dma_start3A_174, %dma_start3A_175] : memref<10240x64xf32, #tpu.memory_space<hbm>> -> memref<10240x64xf32, #tpu.memory_space<hbm>>
      tpu.enqueue_indirect_dma source(%dma_start3A_176 : memref<10240x64xf32, #tpu.memory_space<hbm>>) target(%arg7 : memref<128x64xf32, #tpu.memory_space<vmem>>) offsets(%dma_start3A_173 : memref<128xi32, #tpu.memory_space<vmem>>) semaphore(%arg10 : memref<!tpu.dma_semaphore, #tpu.memory_space<semaphore_mem>>)
      %dma_wait3A_177 = arith.constant 0 : i32
      %dma_wait3A_178 = arith.constant 0 : i32
      %dma_wait3A_179 = arith.constant 0 : i32
      %dma_wait3A_180 = tpu.memref_slice %arg5[%dma_wait3A_177, %dma_wait3A_178, %dma_wait3A_179] : memref<2x6x128xi32, #tpu.memory_space<vmem>> -> memref<1x1x128xi32, #tpu.memory_space<vmem>>
      %dma_wait3A_181 = tpu.memref_squeeze %dma_wait3A_180 : memref<1x1x128xi32, #tpu.memory_space<vmem>> -> memref<128xi32, #tpu.memory_space<vmem>>
      %dma_wait3A_182 = arith.constant 0 : i32
      %dma_wait3A_183 = arith.constant 0 : i32
      %dma_wait3A_184 = tpu.memref_slice %arg2[%dma_wait3A_182, %dma_wait3A_183] : memref<10240x64xf32, #tpu.memory_space<hbm>> -> memref<10240x64xf32, #tpu.memory_space<hbm>>
      tpu.wait_indirect_dma semaphore(%arg11 : memref<!tpu.dma_semaphore, #tpu.memory_space<semaphore_mem>>) src(%dma_wait3A_184 : memref<10240x64xf32, #tpu.memory_space<hbm>>) dst(%arg8 : memref<128x64xf32, #tpu.memory_space<vmem>>)
      %run_scoped3A_185 = arith.constant 1 : i32
      "tpu.region"() ({
        %run_scoped3A_285 = tpu.sem_alloc : memref<!tpu.dma_semaphore, #tpu.memory_space<semaphore_mem>>
        %dma_start3A_286 = arith.constant 0 : i32
        %dma_start3A_287 = tpu.memref_slice %arg6[%rem3A_116, %run_scoped3A_185, %dma_start3A_286] : memref<2x6x128xi32, #tpu.memory_space<vmem>> -> memref<1x1x128xi32, #tpu.memory_space<vmem>>
        %dma_start3A_288 = tpu.memref_squeeze %dma_start3A_287 : memref<1x1x128xi32, #tpu.memory_space<vmem>> -> memref<128xi32, #tpu.memory_space<vmem>>
        %dma_start3A_289 = arith.constant 0 : i32
        %dma_start3A_290 = arith.constant 0 : i32
        %dma_start3A_291 = tpu.memref_slice %arg9[%dma_start3A_289, %dma_start3A_290] : memref<10240x64xf32, #tpu.memory_space<vmem_shared>> -> memref<10240x64xf32, #tpu.memory_space<vmem_shared>>
        tpu.enqueue_indirect_dma source(%arg8 : memref<128x64xf32, #tpu.memory_space<vmem>>) target(%dma_start3A_291 : memref<10240x64xf32, #tpu.memory_space<vmem_shared>>) offsets(%dma_start3A_288 : memref<128xi32, #tpu.memory_space<vmem>>) semaphore(%run_scoped3A_285 : memref<!tpu.dma_semaphore, #tpu.memory_space<semaphore_mem>>) {add = true}
        %dma_wait3A_292 = arith.constant 0 : i32
        %dma_wait3A_293 = tpu.memref_slice %arg6[%rem3A_116, %run_scoped3A_185, %dma_wait3A_292] : memref<2x6x128xi32, #tpu.memory_space<vmem>> -> memref<1x1x128xi32, #tpu.memory_space<vmem>>
        %dma_wait3A_294 = tpu.memref_squeeze %dma_wait3A_293 : memref<1x1x128xi32, #tpu.memory_space<vmem>> -> memref<128xi32, #tpu.memory_space<vmem>>
        %dma_wait3A_295 = arith.constant 0 : i32
        %dma_wait3A_296 = arith.constant 0 : i32
        %dma_wait3A_297 = tpu.memref_slice %arg9[%dma_wait3A_295, %dma_wait3A_296] : memref<10240x64xf32, #tpu.memory_space<vmem_shared>> -> memref<10240x64xf32, #tpu.memory_space<vmem_shared>>
        tpu.wait_indirect_dma semaphore(%run_scoped3A_285 : memref<!tpu.dma_semaphore, #tpu.memory_space<semaphore_mem>>) src(%arg8 : memref<128x64xf32, #tpu.memory_space<vmem>>) dst(%dma_wait3A_297 : memref<10240x64xf32, #tpu.memory_space<vmem_shared>>)
        tpu.yield
      }) : () -> ()
      %dma_start3A_186 = arith.constant 3 : i32
      %dma_start3A_187 = arith.constant 0 : i32
      %dma_start3A_188 = tpu.memref_slice %arg5[%rem3A_116, %dma_start3A_186, %dma_start3A_187] : memref<2x6x128xi32, #tpu.memory_space<vmem>> -> memref<1x1x128xi32, #tpu.memory_space<vmem>>
      %dma_start3A_189 = tpu.memref_squeeze %dma_start3A_188 : memref<1x1x128xi32, #tpu.memory_space<vmem>> -> memref<128xi32, #tpu.memory_space<vmem>>
      %dma_start3A_190 = arith.constant 0 : i32
      %dma_start3A_191 = arith.constant 0 : i32
      %dma_start3A_192 = tpu.memref_slice %arg2[%dma_start3A_190, %dma_start3A_191] : memref<10240x64xf32, #tpu.memory_space<hbm>> -> memref<10240x64xf32, #tpu.memory_space<hbm>>
      tpu.enqueue_indirect_dma source(%dma_start3A_192 : memref<10240x64xf32, #tpu.memory_space<hbm>>) target(%arg8 : memref<128x64xf32, #tpu.memory_space<vmem>>) offsets(%dma_start3A_189 : memref<128xi32, #tpu.memory_space<vmem>>) semaphore(%arg11 : memref<!tpu.dma_semaphore, #tpu.memory_space<semaphore_mem>>)
      %dma_wait3A_193 = arith.constant 0 : i32
      %dma_wait3A_194 = arith.constant 0 : i32
      %dma_wait3A_195 = arith.constant 0 : i32
      %dma_wait3A_196 = tpu.memref_slice %arg5[%dma_wait3A_193, %dma_wait3A_194, %dma_wait3A_195] : memref<2x6x128xi32, #tpu.memory_space<vmem>> -> memref<1x1x128xi32, #tpu.memory_space<vmem>>
      %dma_wait3A_197 = tpu.memref_squeeze %dma_wait3A_196 : memref<1x1x128xi32, #tpu.memory_space<vmem>> -> memref<128xi32, #tpu.memory_space<vmem>>
      %dma_wait3A_198 = arith.constant 0 : i32
      %dma_wait3A_199 = arith.constant 0 : i32
      %dma_wait3A_200 = tpu.memref_slice %arg2[%dma_wait3A_198, %dma_wait3A_199] : memref<10240x64xf32, #tpu.memory_space<hbm>> -> memref<10240x64xf32, #tpu.memory_space<hbm>>
      tpu.wait_indirect_dma semaphore(%arg10 : memref<!tpu.dma_semaphore, #tpu.memory_space<semaphore_mem>>) src(%dma_wait3A_200 : memref<10240x64xf32, #tpu.memory_space<hbm>>) dst(%arg7 : memref<128x64xf32, #tpu.memory_space<vmem>>)
      %run_scoped3A_201 = arith.constant 2 : i32
      "tpu.region"() ({
        %run_scoped3A_285 = tpu.sem_alloc : memref<!tpu.dma_semaphore, #tpu.memory_space<semaphore_mem>>
        %dma_start3A_286 = arith.constant 0 : i32
        %dma_start3A_287 = tpu.memref_slice %arg6[%rem3A_116, %run_scoped3A_201, %dma_start3A_286] : memref<2x6x128xi32, #tpu.memory_space<vmem>> -> memref<1x1x128xi32, #tpu.memory_space<vmem>>
        %dma_start3A_288 = tpu.memref_squeeze %dma_start3A_287 : memref<1x1x128xi32, #tpu.memory_space<vmem>> -> memref<128xi32, #tpu.memory_space<vmem>>
        %dma_start3A_289 = arith.constant 0 : i32
        %dma_start3A_290 = arith.constant 0 : i32
        %dma_start3A_291 = tpu.memref_slice %arg9[%dma_start3A_289, %dma_start3A_290] : memref<10240x64xf32, #tpu.memory_space<vmem_shared>> -> memref<10240x64xf32, #tpu.memory_space<vmem_shared>>
        tpu.enqueue_indirect_dma source(%arg7 : memref<128x64xf32, #tpu.memory_space<vmem>>) target(%dma_start3A_291 : memref<10240x64xf32, #tpu.memory_space<vmem_shared>>) offsets(%dma_start3A_288 : memref<128xi32, #tpu.memory_space<vmem>>) semaphore(%run_scoped3A_285 : memref<!tpu.dma_semaphore, #tpu.memory_space<semaphore_mem>>) {add = true}
        %dma_wait3A_292 = arith.constant 0 : i32
        %dma_wait3A_293 = tpu.memref_slice %arg6[%rem3A_116, %run_scoped3A_201, %dma_wait3A_292] : memref<2x6x128xi32, #tpu.memory_space<vmem>> -> memref<1x1x128xi32, #tpu.memory_space<vmem>>
        %dma_wait3A_294 = tpu.memref_squeeze %dma_wait3A_293 : memref<1x1x128xi32, #tpu.memory_space<vmem>> -> memref<128xi32, #tpu.memory_space<vmem>>
        %dma_wait3A_295 = arith.constant 0 : i32
        %dma_wait3A_296 = arith.constant 0 : i32
        %dma_wait3A_297 = tpu.memref_slice %arg9[%dma_wait3A_295, %dma_wait3A_296] : memref<10240x64xf32, #tpu.memory_space<vmem_shared>> -> memref<10240x64xf32, #tpu.memory_space<vmem_shared>>
        tpu.wait_indirect_dma semaphore(%run_scoped3A_285 : memref<!tpu.dma_semaphore, #tpu.memory_space<semaphore_mem>>) src(%arg7 : memref<128x64xf32, #tpu.memory_space<vmem>>) dst(%dma_wait3A_297 : memref<10240x64xf32, #tpu.memory_space<vmem_shared>>)
        tpu.yield
      }) : () -> ()
      %dma_start3A_202 = arith.constant 4 : i32
      %dma_start3A_203 = arith.constant 0 : i32
      %dma_start3A_204 = tpu.memref_slice %arg5[%rem3A_116, %dma_start3A_202, %dma_start3A_203] : memref<2x6x128xi32, #tpu.memory_space<vmem>> -> memref<1x1x128xi32, #tpu.memory_space<vmem>>
      %dma_start3A_205 = tpu.memref_squeeze %dma_start3A_204 : memref<1x1x128xi32, #tpu.memory_space<vmem>> -> memref<128xi32, #tpu.memory_space<vmem>>
      %dma_start3A_206 = arith.constant 0 : i32
      %dma_start3A_207 = arith.constant 0 : i32
      %dma_start3A_208 = tpu.memref_slice %arg2[%dma_start3A_206, %dma_start3A_207] : memref<10240x64xf32, #tpu.memory_space<hbm>> -> memref<10240x64xf32, #tpu.memory_space<hbm>>
      tpu.enqueue_indirect_dma source(%dma_start3A_208 : memref<10240x64xf32, #tpu.memory_space<hbm>>) target(%arg7 : memref<128x64xf32, #tpu.memory_space<vmem>>) offsets(%dma_start3A_205 : memref<128xi32, #tpu.memory_space<vmem>>) semaphore(%arg10 : memref<!tpu.dma_semaphore, #tpu.memory_space<semaphore_mem>>)
      %dma_wait3A_209 = arith.constant 0 : i32
      %dma_wait3A_210 = arith.constant 0 : i32
      %dma_wait3A_211 = arith.constant 0 : i32
      %dma_wait3A_212 = tpu.memref_slice %arg5[%dma_wait3A_209, %dma_wait3A_210, %dma_wait3A_211] : memref<2x6x128xi32, #tpu.memory_space<vmem>> -> memref<1x1x128xi32, #tpu.memory_space<vmem>>
      %dma_wait3A_213 = tpu.memref_squeeze %dma_wait3A_212 : memref<1x1x128xi32, #tpu.memory_space<vmem>> -> memref<128xi32, #tpu.memory_space<vmem>>
      %dma_wait3A_214 = arith.constant 0 : i32
      %dma_wait3A_215 = arith.constant 0 : i32
      %dma_wait3A_216 = tpu.memref_slice %arg2[%dma_wait3A_214, %dma_wait3A_215] : memref<10240x64xf32, #tpu.memory_space<hbm>> -> memref<10240x64xf32, #tpu.memory_space<hbm>>
      tpu.wait_indirect_dma semaphore(%arg11 : memref<!tpu.dma_semaphore, #tpu.memory_space<semaphore_mem>>) src(%dma_wait3A_216 : memref<10240x64xf32, #tpu.memory_space<hbm>>) dst(%arg8 : memref<128x64xf32, #tpu.memory_space<vmem>>)
      %run_scoped3A_217 = arith.constant 3 : i32
      "tpu.region"() ({
        %run_scoped3A_285 = tpu.sem_alloc : memref<!tpu.dma_semaphore, #tpu.memory_space<semaphore_mem>>
        %dma_start3A_286 = arith.constant 0 : i32
        %dma_start3A_287 = tpu.memref_slice %arg6[%rem3A_116, %run_scoped3A_217, %dma_start3A_286] : memref<2x6x128xi32, #tpu.memory_space<vmem>> -> memref<1x1x128xi32, #tpu.memory_space<vmem>>
        %dma_start3A_288 = tpu.memref_squeeze %dma_start3A_287 : memref<1x1x128xi32, #tpu.memory_space<vmem>> -> memref<128xi32, #tpu.memory_space<vmem>>
        %dma_start3A_289 = arith.constant 0 : i32
        %dma_start3A_290 = arith.constant 0 : i32
        %dma_start3A_291 = tpu.memref_slice %arg9[%dma_start3A_289, %dma_start3A_290] : memref<10240x64xf32, #tpu.memory_space<vmem_shared>> -> memref<10240x64xf32, #tpu.memory_space<vmem_shared>>
        tpu.enqueue_indirect_dma source(%arg8 : memref<128x64xf32, #tpu.memory_space<vmem>>) target(%dma_start3A_291 : memref<10240x64xf32, #tpu.memory_space<vmem_shared>>) offsets(%dma_start3A_288 : memref<128xi32, #tpu.memory_space<vmem>>) semaphore(%run_scoped3A_285 : memref<!tpu.dma_semaphore, #tpu.memory_space<semaphore_mem>>) {add = true}
        %dma_wait3A_292 = arith.constant 0 : i32
        %dma_wait3A_293 = tpu.memref_slice %arg6[%rem3A_116, %run_scoped3A_217, %dma_wait3A_292] : memref<2x6x128xi32, #tpu.memory_space<vmem>> -> memref<1x1x128xi32, #tpu.memory_space<vmem>>
        %dma_wait3A_294 = tpu.memref_squeeze %dma_wait3A_293 : memref<1x1x128xi32, #tpu.memory_space<vmem>> -> memref<128xi32, #tpu.memory_space<vmem>>
        %dma_wait3A_295 = arith.constant 0 : i32
        %dma_wait3A_296 = arith.constant 0 : i32
        %dma_wait3A_297 = tpu.memref_slice %arg9[%dma_wait3A_295, %dma_wait3A_296] : memref<10240x64xf32, #tpu.memory_space<vmem_shared>> -> memref<10240x64xf32, #tpu.memory_space<vmem_shared>>
        tpu.wait_indirect_dma semaphore(%run_scoped3A_285 : memref<!tpu.dma_semaphore, #tpu.memory_space<semaphore_mem>>) src(%arg8 : memref<128x64xf32, #tpu.memory_space<vmem>>) dst(%dma_wait3A_297 : memref<10240x64xf32, #tpu.memory_space<vmem_shared>>)
        tpu.yield
      }) : () -> ()
      %dma_start3A_218 = arith.constant 5 : i32
      %dma_start3A_219 = arith.constant 0 : i32
      %dma_start3A_220 = tpu.memref_slice %arg5[%rem3A_116, %dma_start3A_218, %dma_start3A_219] : memref<2x6x128xi32, #tpu.memory_space<vmem>> -> memref<1x1x128xi32, #tpu.memory_space<vmem>>
      %dma_start3A_221 = tpu.memref_squeeze %dma_start3A_220 : memref<1x1x128xi32, #tpu.memory_space<vmem>> -> memref<128xi32, #tpu.memory_space<vmem>>
      %dma_start3A_222 = arith.constant 0 : i32
      %dma_start3A_223 = arith.constant 0 : i32
      %dma_start3A_224 = tpu.memref_slice %arg2[%dma_start3A_222, %dma_start3A_223] : memref<10240x64xf32, #tpu.memory_space<hbm>> -> memref<10240x64xf32, #tpu.memory_space<hbm>>
      tpu.enqueue_indirect_dma source(%dma_start3A_224 : memref<10240x64xf32, #tpu.memory_space<hbm>>) target(%arg8 : memref<128x64xf32, #tpu.memory_space<vmem>>) offsets(%dma_start3A_221 : memref<128xi32, #tpu.memory_space<vmem>>) semaphore(%arg11 : memref<!tpu.dma_semaphore, #tpu.memory_space<semaphore_mem>>)
      %dma_wait3A_225 = arith.constant 0 : i32
      %dma_wait3A_226 = arith.constant 0 : i32
      %dma_wait3A_227 = arith.constant 0 : i32
      %dma_wait3A_228 = tpu.memref_slice %arg5[%dma_wait3A_225, %dma_wait3A_226, %dma_wait3A_227] : memref<2x6x128xi32, #tpu.memory_space<vmem>> -> memref<1x1x128xi32, #tpu.memory_space<vmem>>
      %dma_wait3A_229 = tpu.memref_squeeze %dma_wait3A_228 : memref<1x1x128xi32, #tpu.memory_space<vmem>> -> memref<128xi32, #tpu.memory_space<vmem>>
      %dma_wait3A_230 = arith.constant 0 : i32
      %dma_wait3A_231 = arith.constant 0 : i32
      %dma_wait3A_232 = tpu.memref_slice %arg2[%dma_wait3A_230, %dma_wait3A_231] : memref<10240x64xf32, #tpu.memory_space<hbm>> -> memref<10240x64xf32, #tpu.memory_space<hbm>>
      tpu.wait_indirect_dma semaphore(%arg10 : memref<!tpu.dma_semaphore, #tpu.memory_space<semaphore_mem>>) src(%dma_wait3A_232 : memref<10240x64xf32, #tpu.memory_space<hbm>>) dst(%arg7 : memref<128x64xf32, #tpu.memory_space<vmem>>)
      %run_scoped3A_233 = arith.constant 4 : i32
      "tpu.region"() ({
        %run_scoped3A_285 = tpu.sem_alloc : memref<!tpu.dma_semaphore, #tpu.memory_space<semaphore_mem>>
        %dma_start3A_286 = arith.constant 0 : i32
        %dma_start3A_287 = tpu.memref_slice %arg6[%rem3A_116, %run_scoped3A_233, %dma_start3A_286] : memref<2x6x128xi32, #tpu.memory_space<vmem>> -> memref<1x1x128xi32, #tpu.memory_space<vmem>>
        %dma_start3A_288 = tpu.memref_squeeze %dma_start3A_287 : memref<1x1x128xi32, #tpu.memory_space<vmem>> -> memref<128xi32, #tpu.memory_space<vmem>>
        %dma_start3A_289 = arith.constant 0 : i32
        %dma_start3A_290 = arith.constant 0 : i32
        %dma_start3A_291 = tpu.memref_slice %arg9[%dma_start3A_289, %dma_start3A_290] : memref<10240x64xf32, #tpu.memory_space<vmem_shared>> -> memref<10240x64xf32, #tpu.memory_space<vmem_shared>>
        tpu.enqueue_indirect_dma source(%arg7 : memref<128x64xf32, #tpu.memory_space<vmem>>) target(%dma_start3A_291 : memref<10240x64xf32, #tpu.memory_space<vmem_shared>>) offsets(%dma_start3A_288 : memref<128xi32, #tpu.memory_space<vmem>>) semaphore(%run_scoped3A_285 : memref<!tpu.dma_semaphore, #tpu.memory_space<semaphore_mem>>) {add = true}
        %dma_wait3A_292 = arith.constant 0 : i32
        %dma_wait3A_293 = tpu.memref_slice %arg6[%rem3A_116, %run_scoped3A_233, %dma_wait3A_292] : memref<2x6x128xi32, #tpu.memory_space<vmem>> -> memref<1x1x128xi32, #tpu.memory_space<vmem>>
        %dma_wait3A_294 = tpu.memref_squeeze %dma_wait3A_293 : memref<1x1x128xi32, #tpu.memory_space<vmem>> -> memref<128xi32, #tpu.memory_space<vmem>>
        %dma_wait3A_295 = arith.constant 0 : i32
        %dma_wait3A_296 = arith.constant 0 : i32
        %dma_wait3A_297 = tpu.memref_slice %arg9[%dma_wait3A_295, %dma_wait3A_296] : memref<10240x64xf32, #tpu.memory_space<vmem_shared>> -> memref<10240x64xf32, #tpu.memory_space<vmem_shared>>
        tpu.wait_indirect_dma semaphore(%run_scoped3A_285 : memref<!tpu.dma_semaphore, #tpu.memory_space<semaphore_mem>>) src(%arg7 : memref<128x64xf32, #tpu.memory_space<vmem>>) dst(%dma_wait3A_297 : memref<10240x64xf32, #tpu.memory_space<vmem_shared>>)
        tpu.yield
      }) : () -> ()
      %dma_wait3A_234 = arith.constant 0 : i32
      %dma_wait3A_235 = arith.constant 0 : i32
      %dma_wait3A_236 = arith.constant 0 : i32
      %dma_wait3A_237 = tpu.memref_slice %arg5[%sub3A_117, %dma_wait3A_235, %dma_wait3A_236] : memref<2x6x128xi32, #tpu.memory_space<vmem>> -> memref<1x6x128xi32, #tpu.memory_space<vmem>>
      %dma_wait3A_238 = tpu.memref_squeeze %dma_wait3A_237 : memref<1x6x128xi32, #tpu.memory_space<vmem>> -> memref<6x128xi32, #tpu.memory_space<vmem>>
      %dma_wait3A_239 = arith.constant 0 : i32
      %dma_wait3A_240 = arith.constant 0 : i32
      %dma_wait3A_241 = tpu.memref_slice %arg3[%dma_wait3A_234, %dma_wait3A_239, %dma_wait3A_240] : memref<2x2500x128xi32, #tpu.memory_space<hbm>> -> memref<1x6x128xi32, #tpu.memory_space<hbm>>
      %dma_wait3A_242 = tpu.memref_squeeze %dma_wait3A_241 : memref<1x6x128xi32, #tpu.memory_space<hbm>> -> memref<6x128xi32, #tpu.memory_space<hbm>>
      %dma_wait3A_243 = arith.constant 0 : i32
      %dma_wait3A_244 = arith.constant 0 : i32
      %dma_wait3A_245 = tpu.memref_slice %arg5[%sub3A_117, %dma_wait3A_243, %dma_wait3A_244] : memref<2x6x128xi32, #tpu.memory_space<vmem>> -> memref<1x6x128xi32, #tpu.memory_space<vmem>>
      %dma_wait3A_246 = tpu.memref_squeeze %dma_wait3A_245 : memref<1x6x128xi32, #tpu.memory_space<vmem>> -> memref<6x128xi32, #tpu.memory_space<vmem>>
      %dma_wait3A_247 = arith.constant 0 : i32
      %dma_wait3A_248 = arith.constant 0 : i32
      %dma_wait3A_249 = tpu.memref_slice %arg3[%dma_wait3A_234, %dma_wait3A_247, %dma_wait3A_248] : memref<2x2500x128xi32, #tpu.memory_space<hbm>> -> memref<1x6x128xi32, #tpu.memory_space<hbm>>
      %dma_wait3A_250 = tpu.memref_squeeze %dma_wait3A_249 : memref<1x6x128xi32, #tpu.memory_space<hbm>> -> memref<6x128xi32, #tpu.memory_space<hbm>>
      tpu.wait_dma2 semaphore(%arg12 : memref<!tpu.dma_semaphore, #tpu.memory_space<semaphore_mem>>) src(%dma_wait3A_250 : memref<6x128xi32, #tpu.memory_space<hbm>>) dst(%dma_wait3A_246 : memref<6x128xi32, #tpu.memory_space<vmem>>)
      %dma_wait3A_251 = arith.constant 0 : i32
      %dma_wait3A_252 = arith.constant 0 : i32
      %dma_wait3A_253 = arith.constant 0 : i32
      %dma_wait3A_254 = tpu.memref_slice %arg6[%sub3A_117, %dma_wait3A_252, %dma_wait3A_253] : memref<2x6x128xi32, #tpu.memory_space<vmem>> -> memref<1x6x128xi32, #tpu.memory_space<vmem>>
      %dma_wait3A_255 = tpu.memref_squeeze %dma_wait3A_254 : memref<1x6x128xi32, #tpu.memory_space<vmem>> -> memref<6x128xi32, #tpu.memory_space<vmem>>
      %dma_wait3A_256 = arith.constant 0 : i32
      %dma_wait3A_257 = arith.constant 0 : i32
      %dma_wait3A_258 = tpu.memref_slice %arg3[%dma_wait3A_251, %dma_wait3A_256, %dma_wait3A_257] : memref<2x2500x128xi32, #tpu.memory_space<hbm>> -> memref<1x6x128xi32, #tpu.memory_space<hbm>>
      %dma_wait3A_259 = tpu.memref_squeeze %dma_wait3A_258 : memref<1x6x128xi32, #tpu.memory_space<hbm>> -> memref<6x128xi32, #tpu.memory_space<hbm>>
      %dma_wait3A_260 = arith.constant 0 : i32
      %dma_wait3A_261 = arith.constant 0 : i32
      %dma_wait3A_262 = tpu.memref_slice %arg6[%sub3A_117, %dma_wait3A_260, %dma_wait3A_261] : memref<2x6x128xi32, #tpu.memory_space<vmem>> -> memref<1x6x128xi32, #tpu.memory_space<vmem>>
      %dma_wait3A_263 = tpu.memref_squeeze %dma_wait3A_262 : memref<1x6x128xi32, #tpu.memory_space<vmem>> -> memref<6x128xi32, #tpu.memory_space<vmem>>
      %dma_wait3A_264 = arith.constant 0 : i32
      %dma_wait3A_265 = arith.constant 0 : i32
      %dma_wait3A_266 = tpu.memref_slice %arg3[%dma_wait3A_251, %dma_wait3A_264, %dma_wait3A_265] : memref<2x2500x128xi32, #tpu.memory_space<hbm>> -> memref<1x6x128xi32, #tpu.memory_space<hbm>>
      %dma_wait3A_267 = tpu.memref_squeeze %dma_wait3A_266 : memref<1x6x128xi32, #tpu.memory_space<hbm>> -> memref<6x128xi32, #tpu.memory_space<hbm>>
      tpu.wait_dma2 semaphore(%arg12 : memref<!tpu.dma_semaphore, #tpu.memory_space<semaphore_mem>>) src(%dma_wait3A_267 : memref<6x128xi32, #tpu.memory_space<hbm>>) dst(%dma_wait3A_263 : memref<6x128xi32, #tpu.memory_space<vmem>>)
      %dma_start3A_268 = arith.constant 0 : i32
      %dma_start3A_269 = arith.constant 0 : i32
      %dma_start3A_270 = tpu.memref_slice %arg5[%sub3A_117, %dma_start3A_268, %dma_start3A_269] : memref<2x6x128xi32, #tpu.memory_space<vmem>> -> memref<1x1x128xi32, #tpu.memory_space<vmem>>
      %dma_start3A_271 = tpu.memref_squeeze %dma_start3A_270 : memref<1x1x128xi32, #tpu.memory_space<vmem>> -> memref<128xi32, #tpu.memory_space<vmem>>
      %dma_start3A_272 = arith.constant 0 : i32
      %dma_start3A_273 = arith.constant 0 : i32
      %dma_start3A_274 = tpu.memref_slice %arg2[%dma_start3A_272, %dma_start3A_273] : memref<10240x64xf32, #tpu.memory_space<hbm>> -> memref<10240x64xf32, #tpu.memory_space<hbm>>
      tpu.enqueue_indirect_dma source(%dma_start3A_274 : memref<10240x64xf32, #tpu.memory_space<hbm>>) target(%arg7 : memref<128x64xf32, #tpu.memory_space<vmem>>) offsets(%dma_start3A_271 : memref<128xi32, #tpu.memory_space<vmem>>) semaphore(%arg10 : memref<!tpu.dma_semaphore, #tpu.memory_space<semaphore_mem>>)
      %dma_wait3A_275 = arith.constant 0 : i32
      %dma_wait3A_276 = arith.constant 0 : i32
      %dma_wait3A_277 = arith.constant 0 : i32
      %dma_wait3A_278 = tpu.memref_slice %arg5[%dma_wait3A_275, %dma_wait3A_276, %dma_wait3A_277] : memref<2x6x128xi32, #tpu.memory_space<vmem>> -> memref<1x1x128xi32, #tpu.memory_space<vmem>>
      %dma_wait3A_279 = tpu.memref_squeeze %dma_wait3A_278 : memref<1x1x128xi32, #tpu.memory_space<vmem>> -> memref<128xi32, #tpu.memory_space<vmem>>
      %dma_wait3A_280 = arith.constant 0 : i32
      %dma_wait3A_281 = arith.constant 0 : i32
      %dma_wait3A_282 = tpu.memref_slice %arg2[%dma_wait3A_280, %dma_wait3A_281] : memref<10240x64xf32, #tpu.memory_space<hbm>> -> memref<10240x64xf32, #tpu.memory_space<hbm>>
      tpu.wait_indirect_dma semaphore(%arg11 : memref<!tpu.dma_semaphore, #tpu.memory_space<semaphore_mem>>) src(%dma_wait3A_282 : memref<10240x64xf32, #tpu.memory_space<hbm>>) dst(%arg8 : memref<128x64xf32, #tpu.memory_space<vmem>>)
      %run_scoped3A_283 = arith.constant 5 : i32
      "tpu.region"() ({
        %run_scoped3A_285 = tpu.sem_alloc : memref<!tpu.dma_semaphore, #tpu.memory_space<semaphore_mem>>
        %dma_start3A_286 = arith.constant 0 : i32
        %dma_start3A_287 = tpu.memref_slice %arg6[%rem3A_116, %run_scoped3A_283, %dma_start3A_286] : memref<2x6x128xi32, #tpu.memory_space<vmem>> -> memref<1x1x128xi32, #tpu.memory_space<vmem>>
        %dma_start3A_288 = tpu.memref_squeeze %dma_start3A_287 : memref<1x1x128xi32, #tpu.memory_space<vmem>> -> memref<128xi32, #tpu.memory_space<vmem>>
        %dma_start3A_289 = arith.constant 0 : i32
        %dma_start3A_290 = arith.constant 0 : i32
        %dma_start3A_291 = tpu.memref_slice %arg9[%dma_start3A_289, %dma_start3A_290] : memref<10240x64xf32, #tpu.memory_space<vmem_shared>> -> memref<10240x64xf32, #tpu.memory_space<vmem_shared>>
        tpu.enqueue_indirect_dma source(%arg8 : memref<128x64xf32, #tpu.memory_space<vmem>>) target(%dma_start3A_291 : memref<10240x64xf32, #tpu.memory_space<vmem_shared>>) offsets(%dma_start3A_288 : memref<128xi32, #tpu.memory_space<vmem>>) semaphore(%run_scoped3A_285 : memref<!tpu.dma_semaphore, #tpu.memory_space<semaphore_mem>>) {add = true}
        %dma_wait3A_292 = arith.constant 0 : i32
        %dma_wait3A_293 = tpu.memref_slice %arg6[%rem3A_116, %run_scoped3A_283, %dma_wait3A_292] : memref<2x6x128xi32, #tpu.memory_space<vmem>> -> memref<1x1x128xi32, #tpu.memory_space<vmem>>
        %dma_wait3A_294 = tpu.memref_squeeze %dma_wait3A_293 : memref<1x1x128xi32, #tpu.memory_space<vmem>> -> memref<128xi32, #tpu.memory_space<vmem>>
        %dma_wait3A_295 = arith.constant 0 : i32
        %dma_wait3A_296 = arith.constant 0 : i32
        %dma_wait3A_297 = tpu.memref_slice %arg9[%dma_wait3A_295, %dma_wait3A_296] : memref<10240x64xf32, #tpu.memory_space<vmem_shared>> -> memref<10240x64xf32, #tpu.memory_space<vmem_shared>>
        tpu.wait_indirect_dma semaphore(%run_scoped3A_285 : memref<!tpu.dma_semaphore, #tpu.memory_space<semaphore_mem>>) src(%arg8 : memref<128x64xf32, #tpu.memory_space<vmem>>) dst(%dma_wait3A_297 : memref<10240x64xf32, #tpu.memory_space<vmem_shared>>)
        tpu.yield
      }) : () -> ()
      %scan3A_284 = arith.constant 0 : i32
      scf.yield %scan3A_284 : i32
    }
    %scan3A_102 = arith.constant 13 : i32
    %dma_wait3A_103 = arith.constant 0 : i32
    %dma_wait3A_104 = arith.constant 0 : i32
    %dma_wait3A_105 = arith.constant 0 : i32
    %dma_wait3A_106 = tpu.memref_slice %arg5[%dma_wait3A_103, %dma_wait3A_104, %dma_wait3A_105] : memref<2x6x128xi32, #tpu.memory_space<vmem>> -> memref<1x1x128xi32, #tpu.memory_space<vmem>>
    %dma_wait3A_107 = tpu.memref_squeeze %dma_wait3A_106 : memref<1x1x128xi32, #tpu.memory_space<vmem>> -> memref<128xi32, #tpu.memory_space<vmem>>
    %dma_wait3A_108 = arith.constant 0 : i32
    %dma_wait3A_109 = arith.constant 0 : i32
    %dma_wait3A_110 = tpu.memref_slice %arg2[%dma_wait3A_108, %dma_wait3A_109] : memref<10240x64xf32, #tpu.memory_space<hbm>> -> memref<10240x64xf32, #tpu.memory_space<hbm>>
    tpu.wait_indirect_dma semaphore(%arg10 : memref<!tpu.dma_semaphore, #tpu.memory_space<semaphore_mem>>) src(%dma_wait3A_110 : memref<10240x64xf32, #tpu.memory_space<hbm>>) dst(%arg7 : memref<128x64xf32, #tpu.memory_space<vmem>>)
    %lt3A = arith.constant 4 : i32
    %lt3A_111 = arith.cmpi slt, %add3A, %lt3A : i32
    %convert_element_type3A = arith.extui %lt3A_111 : i1 to i32
    %cond3A = arith.constant 0 : i32
    %cond3A_112 = arith.cmpi ne, %convert_element_type3A, %cond3A : i32
    scf.if %cond3A_112 {
      %add3A_114 = arith.constant 78 : i32
      %add3A_115 = arith.addi %add3A_4, %add3A_114 : i32
      %dma_start3A_116 = arith.constant 0 : i32
      %dma_start3A_117 = arith.constant 0 : i32
      %dma_start3A_118 = arith.constant 0 : i32
      %dma_start3A_119 = arith.constant 0 : i32
      %dma_start3A_120 = tpu.memref_slice %arg5[%dma_start3A_117, %dma_start3A_118, %dma_start3A_119] : memref<2x6x128xi32, #tpu.memory_space<vmem>> -> memref<1x1x128xi32, #tpu.memory_space<vmem>>
      %dma_start3A_121 = tpu.memref_squeeze %dma_start3A_120 : memref<1x1x128xi32, #tpu.memory_space<vmem>> -> memref<1x128xi32, #tpu.memory_space<vmem>>
      %dma_start3A_122 = arith.constant 0 : i32
      %dma_start3A_123 = tpu.memref_slice %arg3[%dma_start3A_116, %add3A_115, %dma_start3A_122] : memref<2x2500x128xi32, #tpu.memory_space<hbm>> -> memref<1x1x128xi32, #tpu.memory_space<hbm>>
      %dma_start3A_124 = tpu.memref_squeeze %dma_start3A_123 : memref<1x1x128xi32, #tpu.memory_space<hbm>> -> memref<1x128xi32, #tpu.memory_space<hbm>>
      %dma_start3A_125 = arith.constant 0 : i32
      %dma_start3A_126 = arith.constant 0 : i32
      %dma_start3A_127 = tpu.memref_slice %arg5[%dma_start3A_117, %dma_start3A_125, %dma_start3A_126] : memref<2x6x128xi32, #tpu.memory_space<vmem>> -> memref<1x1x128xi32, #tpu.memory_space<vmem>>
      %dma_start3A_128 = tpu.memref_squeeze %dma_start3A_127 : memref<1x1x128xi32, #tpu.memory_space<vmem>> -> memref<1x128xi32, #tpu.memory_space<vmem>>
      %dma_start3A_129 = arith.constant 0 : i32
      %dma_start3A_130 = tpu.memref_slice %arg3[%dma_start3A_116, %add3A_115, %dma_start3A_129] : memref<2x2500x128xi32, #tpu.memory_space<hbm>> -> memref<1x1x128xi32, #tpu.memory_space<hbm>>
      %dma_start3A_131 = tpu.memref_squeeze %dma_start3A_130 : memref<1x1x128xi32, #tpu.memory_space<hbm>> -> memref<1x128xi32, #tpu.memory_space<hbm>>
      tpu.enqueue_dma source(%dma_start3A_131 : memref<1x128xi32, #tpu.memory_space<hbm>>) target(%dma_start3A_128 : memref<1x128xi32, #tpu.memory_space<vmem>>) target_semaphore(%arg12 : memref<!tpu.dma_semaphore, #tpu.memory_space<semaphore_mem>>)
      %dma_start3A_132 = arith.constant 1 : i32
      %dma_start3A_133 = arith.constant 0 : i32
      %dma_start3A_134 = arith.constant 0 : i32
      %dma_start3A_135 = arith.constant 0 : i32
      %dma_start3A_136 = tpu.memref_slice %arg6[%dma_start3A_133, %dma_start3A_134, %dma_start3A_135] : memref<2x6x128xi32, #tpu.memory_space<vmem>> -> memref<1x1x128xi32, #tpu.memory_space<vmem>>
      %dma_start3A_137 = tpu.memref_squeeze %dma_start3A_136 : memref<1x1x128xi32, #tpu.memory_space<vmem>> -> memref<1x128xi32, #tpu.memory_space<vmem>>
      %dma_start3A_138 = arith.constant 0 : i32
      %dma_start3A_139 = tpu.memref_slice %arg3[%dma_start3A_132, %add3A_115, %dma_start3A_138] : memref<2x2500x128xi32, #tpu.memory_space<hbm>> -> memref<1x1x128xi32, #tpu.memory_space<hbm>>
      %dma_start3A_140 = tpu.memref_squeeze %dma_start3A_139 : memref<1x1x128xi32, #tpu.memory_space<hbm>> -> memref<1x128xi32, #tpu.memory_space<hbm>>
      %dma_start3A_141 = arith.constant 0 : i32
      %dma_start3A_142 = arith.constant 0 : i32
      %dma_start3A_143 = tpu.memref_slice %arg6[%dma_start3A_133, %dma_start3A_141, %dma_start3A_142] : memref<2x6x128xi32, #tpu.memory_space<vmem>> -> memref<1x1x128xi32, #tpu.memory_space<vmem>>
      %dma_start3A_144 = tpu.memref_squeeze %dma_start3A_143 : memref<1x1x128xi32, #tpu.memory_space<vmem>> -> memref<1x128xi32, #tpu.memory_space<vmem>>
      %dma_start3A_145 = arith.constant 0 : i32
      %dma_start3A_146 = tpu.memref_slice %arg3[%dma_start3A_132, %add3A_115, %dma_start3A_145] : memref<2x2500x128xi32, #tpu.memory_space<hbm>> -> memref<1x1x128xi32, #tpu.memory_space<hbm>>
      %dma_start3A_147 = tpu.memref_squeeze %dma_start3A_146 : memref<1x1x128xi32, #tpu.memory_space<hbm>> -> memref<1x128xi32, #tpu.memory_space<hbm>>
      tpu.enqueue_dma source(%dma_start3A_147 : memref<1x128xi32, #tpu.memory_space<hbm>>) target(%dma_start3A_144 : memref<1x128xi32, #tpu.memory_space<vmem>>) target_semaphore(%arg12 : memref<!tpu.dma_semaphore, #tpu.memory_space<semaphore_mem>>)
      %dma_wait3A_148 = arith.constant 0 : i32
      %dma_wait3A_149 = arith.constant 0 : i32
      %dma_wait3A_150 = arith.constant 0 : i32
      %dma_wait3A_151 = arith.constant 0 : i32
      %dma_wait3A_152 = tpu.memref_slice %arg5[%dma_wait3A_149, %dma_wait3A_150, %dma_wait3A_151] : memref<2x6x128xi32, #tpu.memory_space<vmem>> -> memref<1x1x128xi32, #tpu.memory_space<vmem>>
      %dma_wait3A_153 = tpu.memref_squeeze %dma_wait3A_152 : memref<1x1x128xi32, #tpu.memory_space<vmem>> -> memref<1x128xi32, #tpu.memory_space<vmem>>
      %dma_wait3A_154 = arith.constant 0 : i32
      %dma_wait3A_155 = arith.constant 0 : i32
      %dma_wait3A_156 = tpu.memref_slice %arg3[%dma_wait3A_148, %dma_wait3A_154, %dma_wait3A_155] : memref<2x2500x128xi32, #tpu.memory_space<hbm>> -> memref<1x1x128xi32, #tpu.memory_space<hbm>>
      %dma_wait3A_157 = tpu.memref_squeeze %dma_wait3A_156 : memref<1x1x128xi32, #tpu.memory_space<hbm>> -> memref<1x128xi32, #tpu.memory_space<hbm>>
      %dma_wait3A_158 = arith.constant 0 : i32
      %dma_wait3A_159 = arith.constant 0 : i32
      %dma_wait3A_160 = tpu.memref_slice %arg5[%dma_wait3A_149, %dma_wait3A_158, %dma_wait3A_159] : memref<2x6x128xi32, #tpu.memory_space<vmem>> -> memref<1x1x128xi32, #tpu.memory_space<vmem>>
      %dma_wait3A_161 = tpu.memref_squeeze %dma_wait3A_160 : memref<1x1x128xi32, #tpu.memory_space<vmem>> -> memref<1x128xi32, #tpu.memory_space<vmem>>
      %dma_wait3A_162 = arith.constant 0 : i32
      %dma_wait3A_163 = arith.constant 0 : i32
      %dma_wait3A_164 = tpu.memref_slice %arg3[%dma_wait3A_148, %dma_wait3A_162, %dma_wait3A_163] : memref<2x2500x128xi32, #tpu.memory_space<hbm>> -> memref<1x1x128xi32, #tpu.memory_space<hbm>>
      %dma_wait3A_165 = tpu.memref_squeeze %dma_wait3A_164 : memref<1x1x128xi32, #tpu.memory_space<hbm>> -> memref<1x128xi32, #tpu.memory_space<hbm>>
      tpu.wait_dma2 semaphore(%arg12 : memref<!tpu.dma_semaphore, #tpu.memory_space<semaphore_mem>>) src(%dma_wait3A_165 : memref<1x128xi32, #tpu.memory_space<hbm>>) dst(%dma_wait3A_161 : memref<1x128xi32, #tpu.memory_space<vmem>>)
      %dma_wait3A_166 = arith.constant 0 : i32
      %dma_wait3A_167 = arith.constant 0 : i32
      %dma_wait3A_168 = arith.constant 0 : i32
      %dma_wait3A_169 = arith.constant 0 : i32
      %dma_wait3A_170 = tpu.memref_slice %arg6[%dma_wait3A_167, %dma_wait3A_168, %dma_wait3A_169] : memref<2x6x128xi32, #tpu.memory_space<vmem>> -> memref<1x1x128xi32, #tpu.memory_space<vmem>>
      %dma_wait3A_171 = tpu.memref_squeeze %dma_wait3A_170 : memref<1x1x128xi32, #tpu.memory_space<vmem>> -> memref<1x128xi32, #tpu.memory_space<vmem>>
      %dma_wait3A_172 = arith.constant 0 : i32
      %dma_wait3A_173 = arith.constant 0 : i32
      %dma_wait3A_174 = tpu.memref_slice %arg3[%dma_wait3A_166, %dma_wait3A_172, %dma_wait3A_173] : memref<2x2500x128xi32, #tpu.memory_space<hbm>> -> memref<1x1x128xi32, #tpu.memory_space<hbm>>
      %dma_wait3A_175 = tpu.memref_squeeze %dma_wait3A_174 : memref<1x1x128xi32, #tpu.memory_space<hbm>> -> memref<1x128xi32, #tpu.memory_space<hbm>>
      %dma_wait3A_176 = arith.constant 0 : i32
      %dma_wait3A_177 = arith.constant 0 : i32
      %dma_wait3A_178 = tpu.memref_slice %arg6[%dma_wait3A_167, %dma_wait3A_176, %dma_wait3A_177] : memref<2x6x128xi32, #tpu.memory_space<vmem>> -> memref<1x1x128xi32, #tpu.memory_space<vmem>>
      %dma_wait3A_179 = tpu.memref_squeeze %dma_wait3A_178 : memref<1x1x128xi32, #tpu.memory_space<vmem>> -> memref<1x128xi32, #tpu.memory_space<vmem>>
      %dma_wait3A_180 = arith.constant 0 : i32
      %dma_wait3A_181 = arith.constant 0 : i32
      %dma_wait3A_182 = tpu.memref_slice %arg3[%dma_wait3A_166, %dma_wait3A_180, %dma_wait3A_181] : memref<2x2500x128xi32, #tpu.memory_space<hbm>> -> memref<1x1x128xi32, #tpu.memory_space<hbm>>
      %dma_wait3A_183 = tpu.memref_squeeze %dma_wait3A_182 : memref<1x1x128xi32, #tpu.memory_space<hbm>> -> memref<1x128xi32, #tpu.memory_space<hbm>>
      tpu.wait_dma2 semaphore(%arg12 : memref<!tpu.dma_semaphore, #tpu.memory_space<semaphore_mem>>) src(%dma_wait3A_183 : memref<1x128xi32, #tpu.memory_space<hbm>>) dst(%dma_wait3A_179 : memref<1x128xi32, #tpu.memory_space<vmem>>)
      %dma_start3A_184 = arith.constant 0 : i32
      %dma_start3A_185 = arith.constant 0 : i32
      %dma_start3A_186 = arith.constant 0 : i32
      %dma_start3A_187 = tpu.memref_slice %arg5[%dma_start3A_184, %dma_start3A_185, %dma_start3A_186] : memref<2x6x128xi32, #tpu.memory_space<vmem>> -> memref<1x1x128xi32, #tpu.memory_space<vmem>>
      %dma_start3A_188 = tpu.memref_squeeze %dma_start3A_187 : memref<1x1x128xi32, #tpu.memory_space<vmem>> -> memref<128xi32, #tpu.memory_space<vmem>>
      %dma_start3A_189 = arith.constant 0 : i32
      %dma_start3A_190 = arith.constant 0 : i32
      %dma_start3A_191 = tpu.memref_slice %arg2[%dma_start3A_189, %dma_start3A_190] : memref<10240x64xf32, #tpu.memory_space<hbm>> -> memref<10240x64xf32, #tpu.memory_space<hbm>>
      tpu.enqueue_indirect_dma source(%dma_start3A_191 : memref<10240x64xf32, #tpu.memory_space<hbm>>) target(%arg7 : memref<128x64xf32, #tpu.memory_space<vmem>>) offsets(%dma_start3A_188 : memref<128xi32, #tpu.memory_space<vmem>>) semaphore(%arg10 : memref<!tpu.dma_semaphore, #tpu.memory_space<semaphore_mem>>)
      %dma_wait3A_192 = arith.constant 0 : i32
      %dma_wait3A_193 = arith.constant 0 : i32
      %dma_wait3A_194 = arith.constant 0 : i32
      %dma_wait3A_195 = tpu.memref_slice %arg5[%dma_wait3A_192, %dma_wait3A_193, %dma_wait3A_194] : memref<2x6x128xi32, #tpu.memory_space<vmem>> -> memref<1x1x128xi32, #tpu.memory_space<vmem>>
      %dma_wait3A_196 = tpu.memref_squeeze %dma_wait3A_195 : memref<1x1x128xi32, #tpu.memory_space<vmem>> -> memref<128xi32, #tpu.memory_space<vmem>>
      %dma_wait3A_197 = arith.constant 0 : i32
      %dma_wait3A_198 = arith.constant 0 : i32
      %dma_wait3A_199 = tpu.memref_slice %arg2[%dma_wait3A_197, %dma_wait3A_198] : memref<10240x64xf32, #tpu.memory_space<hbm>> -> memref<10240x64xf32, #tpu.memory_space<hbm>>
      tpu.wait_indirect_dma semaphore(%arg10 : memref<!tpu.dma_semaphore, #tpu.memory_space<semaphore_mem>>) src(%dma_wait3A_199 : memref<10240x64xf32, #tpu.memory_space<hbm>>) dst(%arg7 : memref<128x64xf32, #tpu.memory_space<vmem>>)
      %run_scoped3A = arith.constant 0 : i32
      %run_scoped3A_200 = arith.constant 0 : i32
      "tpu.region"() ({
        %run_scoped3A_201 = tpu.sem_alloc : memref<!tpu.dma_semaphore, #tpu.memory_space<semaphore_mem>>
        %dma_start3A_202 = arith.constant 0 : i32
        %dma_start3A_203 = tpu.memref_slice %arg6[%run_scoped3A, %run_scoped3A_200, %dma_start3A_202] : memref<2x6x128xi32, #tpu.memory_space<vmem>> -> memref<1x1x128xi32, #tpu.memory_space<vmem>>
        %dma_start3A_204 = tpu.memref_squeeze %dma_start3A_203 : memref<1x1x128xi32, #tpu.memory_space<vmem>> -> memref<128xi32, #tpu.memory_space<vmem>>
        %dma_start3A_205 = arith.constant 0 : i32
        %dma_start3A_206 = arith.constant 0 : i32
        %dma_start3A_207 = tpu.memref_slice %arg9[%dma_start3A_205, %dma_start3A_206] : memref<10240x64xf32, #tpu.memory_space<vmem_shared>> -> memref<10240x64xf32, #tpu.memory_space<vmem_shared>>
        tpu.enqueue_indirect_dma source(%arg7 : memref<128x64xf32, #tpu.memory_space<vmem>>) target(%dma_start3A_207 : memref<10240x64xf32, #tpu.memory_space<vmem_shared>>) offsets(%dma_start3A_204 : memref<128xi32, #tpu.memory_space<vmem>>) semaphore(%run_scoped3A_201 : memref<!tpu.dma_semaphore, #tpu.memory_space<semaphore_mem>>) {add = true}
        %dma_wait3A_208 = arith.constant 0 : i32
        %dma_wait3A_209 = tpu.memref_slice %arg6[%run_scoped3A, %run_scoped3A_200, %dma_wait3A_208] : memref<2x6x128xi32, #tpu.memory_space<vmem>> -> memref<1x1x128xi32, #tpu.memory_space<vmem>>
        %dma_wait3A_210 = tpu.memref_squeeze %dma_wait3A_209 : memref<1x1x128xi32, #tpu.memory_space<vmem>> -> memref<128xi32, #tpu.memory_space<vmem>>
        %dma_wait3A_211 = arith.constant 0 : i32
        %dma_wait3A_212 = arith.constant 0 : i32
        %dma_wait3A_213 = tpu.memref_slice %arg9[%dma_wait3A_211, %dma_wait3A_212] : memref<10240x64xf32, #tpu.memory_space<vmem_shared>> -> memref<10240x64xf32, #tpu.memory_space<vmem_shared>>
        tpu.wait_indirect_dma semaphore(%run_scoped3A_201 : memref<!tpu.dma_semaphore, #tpu.memory_space<semaphore_mem>>) src(%arg7 : memref<128x64xf32, #tpu.memory_space<vmem>>) dst(%dma_wait3A_213 : memref<10240x64xf32, #tpu.memory_space<vmem_shared>>)
        tpu.yield
      }) : () -> ()
    } else {
    }
    %barrier3A_113 = arith.constant 0 : index
    tpu.barrier barrier_id(%barrier3A_113)
    "tpu.region"() ({
      %run_scoped3A = tpu.sem_alloc : memref<!tpu.dma_semaphore, #tpu.memory_space<semaphore_mem>>
      %dma_start3A_114 = arith.constant 0 : i32
      %dma_start3A_115 = tpu.memref_slice %arg4[%arg0, %mul3A_12, %dma_start3A_114] : memref<2x10240x64xf32, #tpu.memory_space<hbm>> -> memref<1x640x64xf32, #tpu.memory_space<hbm>>
      %dma_start3A_116 = tpu.memref_squeeze %dma_start3A_115 : memref<1x640x64xf32, #tpu.memory_space<hbm>> -> memref<640x64xf32, #tpu.memory_space<hbm>>
      %dma_start3A_117 = arith.constant 0 : i32
      %dma_start3A_118 = tpu.memref_slice %arg9[%mul3A_12, %dma_start3A_117] : memref<10240x64xf32, #tpu.memory_space<vmem_shared>> -> memref<640x64xf32, #tpu.memory_space<vmem_shared>>
      tpu.enqueue_dma source(%dma_start3A_118 : memref<640x64xf32, #tpu.memory_space<vmem_shared>>) target(%dma_start3A_116 : memref<640x64xf32, #tpu.memory_space<hbm>>) target_semaphore(%run_scoped3A : memref<!tpu.dma_semaphore, #tpu.memory_space<semaphore_mem>>)
      %dma_wait3A_119 = arith.constant 0 : i32
      %dma_wait3A_120 = tpu.memref_slice %arg4[%arg0, %mul3A_12, %dma_wait3A_119] : memref<2x10240x64xf32, #tpu.memory_space<hbm>> -> memref<1x640x64xf32, #tpu.memory_space<hbm>>
      %dma_wait3A_121 = tpu.memref_squeeze %dma_wait3A_120 : memref<1x640x64xf32, #tpu.memory_space<hbm>> -> memref<640x64xf32, #tpu.memory_space<hbm>>
      %dma_wait3A_122 = arith.constant 0 : i32
      %dma_wait3A_123 = tpu.memref_slice %arg9[%mul3A_12, %dma_wait3A_122] : memref<10240x64xf32, #tpu.memory_space<vmem_shared>> -> memref<640x64xf32, #tpu.memory_space<vmem_shared>>
      tpu.wait_dma2 semaphore(%run_scoped3A : memref<!tpu.dma_semaphore, #tpu.memory_space<semaphore_mem>>) src(%dma_wait3A_123 : memref<640x64xf32, #tpu.memory_space<vmem_shared>>) dst(%dma_wait3A_121 : memref<640x64xf32, #tpu.memory_space<hbm>>)
      tpu.yield
    }) : () -> ()
    return
  }
}

#map = affine_map<(d0, d1) -> (0, 0, 0)>
#map1 = affine_map<(d0, d1) -> (0, 0)>
module attributes {stable_mosaic.version = 14 : i64} {
  func.func @deg_kernel(%arg0: i32, %arg1: i32, %arg2: memref<2x2500x128xi32, #tpu.memory_space<hbm>>, %arg3: memref<32x10240xf32, #tpu.memory_space<hbm>>, %arg4: memref<79x128xi32, #tpu.memory_space<vmem>>, %arg5: memref<10240xf32, #tpu.memory_space<vmem>>) attributes {dimension_semantics = [#tpu.dimension_semantics<core_parallel>, #tpu.dimension_semantics<subcore_parallel>], iteration_bounds = array<i64: 2, 16>, scalar_prefetch = 0 : i64, scratch_operands = 2 : i64, tpu.core_type = #tpu.core_type<sc_vector_subcore>, window_params = [{transform_indices = #map}, {transform_indices = #map1}]} {
    %mul3A = arith.constant 16 : i32
    %mul3A_0 = arith.muli %arg0, %mul3A : i32
    %add3A = arith.addi %mul3A_0, %arg1 : i32
    %mul3A_1 = arith.constant 78 : i32
    %mul3A_2 = arith.muli %mul3A_1, %add3A : i32
    %min3A = arith.constant 4 : i32
    %min3A_3 = arith.minsi %add3A, %min3A : i32
    %add3A_4 = arith.addi %mul3A_2, %min3A_3 : i32
    %scan3A = arith.constant 0 : i32
    %scan3A_5 = arith.constant 0 : i32
    %scan3A_6 = arith.constant 640 : i32
    %scan3A_7 = arith.addi %scan3A_5, %scan3A_6 : i32
    %scan3A_8 = arith.constant 1 : i32
    %scan3A_9 = scf.for %scan3A_21 = %scan3A_5 to %scan3A_7 step %scan3A_8 iter_args(%scan3A_22 = %scan3A) -> (i32)  : i32 {
      %broadcast_in_dim3A_23 = arith.constant 0.000000e+00 : f32
      %broadcast_in_dim3A_24 = vector.broadcast %broadcast_in_dim3A_23 : f32 to vector<16xf32>
      %mul3A_25 = arith.constant 16 : i32
      %mul3A_26 = arith.muli %scan3A_21, %mul3A_25 : i32
      %swap3A = arith.index_cast %mul3A_26 : i32 to index
      %swap3A_27 = tpu.vector_load %arg5[%swap3A] {strides = array<i32>} : memref<10240xf32, #tpu.memory_space<vmem>>, vector<16xf32>,
      tpu.vector_store %arg5[%swap3A], %broadcast_in_dim3A_24 {strides = array<i32>} : memref<10240xf32, #tpu.memory_space<vmem>>, vector<16xf32>,
      %scan3A_28 = arith.constant 0 : i32
      scf.yield %scan3A_28 : i32
    }
    %scan3A_10 = arith.constant 640 : i32
    %run_scoped3A = arith.constant 1 : i32
    "tpu.region"() ({
      %run_scoped3A_21 = tpu.sem_alloc : memref<!tpu.dma_semaphore, #tpu.memory_space<semaphore_mem>>
      %dma_start3A = arith.constant 0 : i32
      %dma_start3A_22 = arith.constant 0 : i32
      %dma_start3A_23 = tpu.memref_slice %arg4[%dma_start3A, %dma_start3A_22] : memref<79x128xi32, #tpu.memory_space<vmem>> -> memref<78x128xi32, #tpu.memory_space<vmem>>
      %dma_start3A_24 = arith.constant 0 : i32
      %dma_start3A_25 = tpu.memref_slice %arg2[%run_scoped3A, %add3A_4, %dma_start3A_24] : memref<2x2500x128xi32, #tpu.memory_space<hbm>> -> memref<1x78x128xi32, #tpu.memory_space<hbm>>
      %dma_start3A_26 = tpu.memref_squeeze %dma_start3A_25 : memref<1x78x128xi32, #tpu.memory_space<hbm>> -> memref<78x128xi32, #tpu.memory_space<hbm>>
      %dma_start3A_27 = arith.constant 0 : i32
      %dma_start3A_28 = arith.constant 0 : i32
      %dma_start3A_29 = tpu.memref_slice %arg4[%dma_start3A_27, %dma_start3A_28] : memref<79x128xi32, #tpu.memory_space<vmem>> -> memref<78x128xi32, #tpu.memory_space<vmem>>
      %dma_start3A_30 = arith.constant 0 : i32
      %dma_start3A_31 = tpu.memref_slice %arg2[%run_scoped3A, %add3A_4, %dma_start3A_30] : memref<2x2500x128xi32, #tpu.memory_space<hbm>> -> memref<1x78x128xi32, #tpu.memory_space<hbm>>
      %dma_start3A_32 = tpu.memref_squeeze %dma_start3A_31 : memref<1x78x128xi32, #tpu.memory_space<hbm>> -> memref<78x128xi32, #tpu.memory_space<hbm>>
      tpu.enqueue_dma source(%dma_start3A_32 : memref<78x128xi32, #tpu.memory_space<hbm>>) target(%dma_start3A_29 : memref<78x128xi32, #tpu.memory_space<vmem>>) target_semaphore(%run_scoped3A_21 : memref<!tpu.dma_semaphore, #tpu.memory_space<semaphore_mem>>)
      %dma_wait3A = arith.constant 0 : i32
      %dma_wait3A_33 = arith.constant 0 : i32
      %dma_wait3A_34 = tpu.memref_slice %arg4[%dma_wait3A, %dma_wait3A_33] : memref<79x128xi32, #tpu.memory_space<vmem>> -> memref<78x128xi32, #tpu.memory_space<vmem>>
      %dma_wait3A_35 = arith.constant 0 : i32
      %dma_wait3A_36 = tpu.memref_slice %arg2[%run_scoped3A, %add3A_4, %dma_wait3A_35] : memref<2x2500x128xi32, #tpu.memory_space<hbm>> -> memref<1x78x128xi32, #tpu.memory_space<hbm>>
      %dma_wait3A_37 = tpu.memref_squeeze %dma_wait3A_36 : memref<1x78x128xi32, #tpu.memory_space<hbm>> -> memref<78x128xi32, #tpu.memory_space<hbm>>
      %dma_wait3A_38 = arith.constant 0 : i32
      %dma_wait3A_39 = arith.constant 0 : i32
      %dma_wait3A_40 = tpu.memref_slice %arg4[%dma_wait3A_38, %dma_wait3A_39] : memref<79x128xi32, #tpu.memory_space<vmem>> -> memref<78x128xi32, #tpu.memory_space<vmem>>
      %dma_wait3A_41 = arith.constant 0 : i32
      %dma_wait3A_42 = tpu.memref_slice %arg2[%run_scoped3A, %add3A_4, %dma_wait3A_41] : memref<2x2500x128xi32, #tpu.memory_space<hbm>> -> memref<1x78x128xi32, #tpu.memory_space<hbm>>
      %dma_wait3A_43 = tpu.memref_squeeze %dma_wait3A_42 : memref<1x78x128xi32, #tpu.memory_space<hbm>> -> memref<78x128xi32, #tpu.memory_space<hbm>>
      tpu.wait_dma2 semaphore(%run_scoped3A_21 : memref<!tpu.dma_semaphore, #tpu.memory_space<semaphore_mem>>) src(%dma_wait3A_43 : memref<78x128xi32, #tpu.memory_space<hbm>>) dst(%dma_wait3A_40 : memref<78x128xi32, #tpu.memory_space<vmem>>)
      tpu.yield
    }) : () -> ()
    %broadcast_in_dim3A = arith.constant 1.000000e+00 : f32
    %broadcast_in_dim3A_11 = vector.broadcast %broadcast_in_dim3A : f32 to vector<16xf32>
    %scan3A_12 = arith.constant 0 : i32
    %scan3A_13 = arith.constant 0 : i32
    %scan3A_14 = arith.constant 78 : i32
    %scan3A_15 = arith.addi %scan3A_13, %scan3A_14 : i32
    %scan3A_16 = arith.constant 1 : i32
    %scan3A_17 = scf.for %scan3A_21 = %scan3A_13 to %scan3A_15 step %scan3A_16 iter_args(%scan3A_22 = %scan3A_12) -> (i32)  : i32 {
      %get3A = arith.index_cast %scan3A_21 : i32 to index
      %get3A_23 = arith.constant 0 : index
      %get3A_24 = tpu.vector_load %arg4[%get3A, %get3A_23] {strides = array<i32>} : memref<79x128xi32, #tpu.memory_space<vmem>>, vector<16xi32>,
      tpu.vector_store_idx %arg5[%get3A_24], %broadcast_in_dim3A_11 {add = true} : memref<10240xf32, #tpu.memory_space<vmem>>[vector<16xi32>], vector<16xf32>,
      %get3A_25 = arith.index_cast %scan3A_21 : i32 to index
      %get3A_26 = arith.constant 16 : index
      %get3A_27 = tpu.vector_load %arg4[%get3A_25, %get3A_26] {strides = array<i32>} : memref<79x128xi32, #tpu.memory_space<vmem>>, vector<16xi32>,
      tpu.vector_store_idx %arg5[%get3A_27], %broadcast_in_dim3A_11 {add = true} : memref<10240xf32, #tpu.memory_space<vmem>>[vector<16xi32>], vector<16xf32>,
      %get3A_28 = arith.index_cast %scan3A_21 : i32 to index
      %get3A_29 = arith.constant 32 : index
      %get3A_30 = tpu.vector_load %arg4[%get3A_28, %get3A_29] {strides = array<i32>} : memref<79x128xi32, #tpu.memory_space<vmem>>, vector<16xi32>,
      tpu.vector_store_idx %arg5[%get3A_30], %broadcast_in_dim3A_11 {add = true} : memref<10240xf32, #tpu.memory_space<vmem>>[vector<16xi32>], vector<16xf32>,
      %get3A_31 = arith.index_cast %scan3A_21 : i32 to index
      %get3A_32 = arith.constant 48 : index
      %get3A_33 = tpu.vector_load %arg4[%get3A_31, %get3A_32] {strides = array<i32>} : memref<79x128xi32, #tpu.memory_space<vmem>>, vector<16xi32>,
      tpu.vector_store_idx %arg5[%get3A_33], %broadcast_in_dim3A_11 {add = true} : memref<10240xf32, #tpu.memory_space<vmem>>[vector<16xi32>], vector<16xf32>,
      %get3A_34 = arith.index_cast %scan3A_21 : i32 to index
      %get3A_35 = arith.constant 64 : index
      %get3A_36 = tpu.vector_load %arg4[%get3A_34, %get3A_35] {strides = array<i32>} : memref<79x128xi32, #tpu.memory_space<vmem>>, vector<16xi32>,
      tpu.vector_store_idx %arg5[%get3A_36], %broadcast_in_dim3A_11 {add = true} : memref<10240xf32, #tpu.memory_space<vmem>>[vector<16xi32>], vector<16xf32>,
      %get3A_37 = arith.index_cast %scan3A_21 : i32 to index
      %get3A_38 = arith.constant 80 : index
      %get3A_39 = tpu.vector_load %arg4[%get3A_37, %get3A_38] {strides = array<i32>} : memref<79x128xi32, #tpu.memory_space<vmem>>, vector<16xi32>,
      tpu.vector_store_idx %arg5[%get3A_39], %broadcast_in_dim3A_11 {add = true} : memref<10240xf32, #tpu.memory_space<vmem>>[vector<16xi32>], vector<16xf32>,
      %get3A_40 = arith.index_cast %scan3A_21 : i32 to index
      %get3A_41 = arith.constant 96 : index
      %get3A_42 = tpu.vector_load %arg4[%get3A_40, %get3A_41] {strides = array<i32>} : memref<79x128xi32, #tpu.memory_space<vmem>>, vector<16xi32>,
      tpu.vector_store_idx %arg5[%get3A_42], %broadcast_in_dim3A_11 {add = true} : memref<10240xf32, #tpu.memory_space<vmem>>[vector<16xi32>], vector<16xf32>,
      %get3A_43 = arith.index_cast %scan3A_21 : i32 to index
      %get3A_44 = arith.constant 112 : index
      %get3A_45 = tpu.vector_load %arg4[%get3A_43, %get3A_44] {strides = array<i32>} : memref<79x128xi32, #tpu.memory_space<vmem>>, vector<16xi32>,
      tpu.vector_store_idx %arg5[%get3A_45], %broadcast_in_dim3A_11 {add = true} : memref<10240xf32, #tpu.memory_space<vmem>>[vector<16xi32>], vector<16xf32>,
      %scan3A_46 = arith.constant 0 : i32
      scf.yield %scan3A_46 : i32
    }
    %scan3A_18 = arith.constant 78 : i32
    %lt3A = arith.constant 4 : i32
    %lt3A_19 = arith.cmpi slt, %add3A, %lt3A : i32
    %convert_element_type3A = arith.extui %lt3A_19 : i1 to i32
    %cond3A = arith.constant 0 : i32
    %cond3A_20 = arith.cmpi ne, %convert_element_type3A, %cond3A : i32
    scf.if %cond3A_20 {
      %add3A_21 = arith.constant 78 : i32
      %add3A_22 = arith.addi %add3A_4, %add3A_21 : i32
      %run_scoped3A_23 = arith.constant 1 : i32
      "tpu.region"() ({
        %run_scoped3A_55 = tpu.sem_alloc : memref<!tpu.dma_semaphore, #tpu.memory_space<semaphore_mem>>
        %dma_start3A = arith.constant 78 : i32
        %dma_start3A_56 = arith.constant 0 : i32
        %dma_start3A_57 = tpu.memref_slice %arg4[%dma_start3A, %dma_start3A_56] : memref<79x128xi32, #tpu.memory_space<vmem>> -> memref<1x128xi32, #tpu.memory_space<vmem>>
        %dma_start3A_58 = arith.constant 0 : i32
        %dma_start3A_59 = tpu.memref_slice %arg2[%run_scoped3A_23, %add3A_22, %dma_start3A_58] : memref<2x2500x128xi32, #tpu.memory_space<hbm>> -> memref<1x1x128xi32, #tpu.memory_space<hbm>>
        %dma_start3A_60 = tpu.memref_squeeze %dma_start3A_59 : memref<1x1x128xi32, #tpu.memory_space<hbm>> -> memref<1x128xi32, #tpu.memory_space<hbm>>
        %dma_start3A_61 = arith.constant 78 : i32
        %dma_start3A_62 = arith.constant 0 : i32
        %dma_start3A_63 = tpu.memref_slice %arg4[%dma_start3A_61, %dma_start3A_62] : memref<79x128xi32, #tpu.memory_space<vmem>> -> memref<1x128xi32, #tpu.memory_space<vmem>>
        %dma_start3A_64 = arith.constant 0 : i32
        %dma_start3A_65 = tpu.memref_slice %arg2[%run_scoped3A_23, %add3A_22, %dma_start3A_64] : memref<2x2500x128xi32, #tpu.memory_space<hbm>> -> memref<1x1x128xi32, #tpu.memory_space<hbm>>
        %dma_start3A_66 = tpu.memref_squeeze %dma_start3A_65 : memref<1x1x128xi32, #tpu.memory_space<hbm>> -> memref<1x128xi32, #tpu.memory_space<hbm>>
        tpu.enqueue_dma source(%dma_start3A_66 : memref<1x128xi32, #tpu.memory_space<hbm>>) target(%dma_start3A_63 : memref<1x128xi32, #tpu.memory_space<vmem>>) target_semaphore(%run_scoped3A_55 : memref<!tpu.dma_semaphore, #tpu.memory_space<semaphore_mem>>)
        %dma_wait3A = arith.constant 78 : i32
        %dma_wait3A_67 = arith.constant 0 : i32
        %dma_wait3A_68 = tpu.memref_slice %arg4[%dma_wait3A, %dma_wait3A_67] : memref<79x128xi32, #tpu.memory_space<vmem>> -> memref<1x128xi32, #tpu.memory_space<vmem>>
        %dma_wait3A_69 = arith.constant 0 : i32
        %dma_wait3A_70 = tpu.memref_slice %arg2[%run_scoped3A_23, %add3A_22, %dma_wait3A_69] : memref<2x2500x128xi32, #tpu.memory_space<hbm>> -> memref<1x1x128xi32, #tpu.memory_space<hbm>>
        %dma_wait3A_71 = tpu.memref_squeeze %dma_wait3A_70 : memref<1x1x128xi32, #tpu.memory_space<hbm>> -> memref<1x128xi32, #tpu.memory_space<hbm>>
        %dma_wait3A_72 = arith.constant 78 : i32
        %dma_wait3A_73 = arith.constant 0 : i32
        %dma_wait3A_74 = tpu.memref_slice %arg4[%dma_wait3A_72, %dma_wait3A_73] : memref<79x128xi32, #tpu.memory_space<vmem>> -> memref<1x128xi32, #tpu.memory_space<vmem>>
        %dma_wait3A_75 = arith.constant 0 : i32
        %dma_wait3A_76 = tpu.memref_slice %arg2[%run_scoped3A_23, %add3A_22, %dma_wait3A_75] : memref<2x2500x128xi32, #tpu.memory_space<hbm>> -> memref<1x1x128xi32, #tpu.memory_space<hbm>>
        %dma_wait3A_77 = tpu.memref_squeeze %dma_wait3A_76 : memref<1x1x128xi32, #tpu.memory_space<hbm>> -> memref<1x128xi32, #tpu.memory_space<hbm>>
        tpu.wait_dma2 semaphore(%run_scoped3A_55 : memref<!tpu.dma_semaphore, #tpu.memory_space<semaphore_mem>>) src(%dma_wait3A_77 : memref<1x128xi32, #tpu.memory_space<hbm>>) dst(%dma_wait3A_74 : memref<1x128xi32, #tpu.memory_space<vmem>>)
        tpu.yield
      }) : () -> ()
      %get3A = arith.constant 78 : i32
      %get3A_24 = arith.index_cast %get3A : i32 to index
      %get3A_25 = arith.constant 0 : index
      %get3A_26 = tpu.vector_load %arg4[%get3A_24, %get3A_25] {strides = array<i32>} : memref<79x128xi32, #tpu.memory_space<vmem>>, vector<16xi32>,
      tpu.vector_store_idx %arg5[%get3A_26], %broadcast_in_dim3A_11 {add = true} : memref<10240xf32, #tpu.memory_space<vmem>>[vector<16xi32>], vector<16xf32>,
      %get3A_27 = arith.constant 78 : i32
      %get3A_28 = arith.index_cast %get3A_27 : i32 to index
      %get3A_29 = arith.constant 16 : index
      %get3A_30 = tpu.vector_load %arg4[%get3A_28, %get3A_29] {strides = array<i32>} : memref<79x128xi32, #tpu.memory_space<vmem>>, vector<16xi32>,
      tpu.vector_store_idx %arg5[%get3A_30], %broadcast_in_dim3A_11 {add = true} : memref<10240xf32, #tpu.memory_space<vmem>>[vector<16xi32>], vector<16xf32>,
      %get3A_31 = arith.constant 78 : i32
      %get3A_32 = arith.index_cast %get3A_31 : i32 to index
      %get3A_33 = arith.constant 32 : index
      %get3A_34 = tpu.vector_load %arg4[%get3A_32, %get3A_33] {strides = array<i32>} : memref<79x128xi32, #tpu.memory_space<vmem>>, vector<16xi32>,
      tpu.vector_store_idx %arg5[%get3A_34], %broadcast_in_dim3A_11 {add = true} : memref<10240xf32, #tpu.memory_space<vmem>>[vector<16xi32>], vector<16xf32>,
      %get3A_35 = arith.constant 78 : i32
      %get3A_36 = arith.index_cast %get3A_35 : i32 to index
      %get3A_37 = arith.constant 48 : index
      %get3A_38 = tpu.vector_load %arg4[%get3A_36, %get3A_37] {strides = array<i32>} : memref<79x128xi32, #tpu.memory_space<vmem>>, vector<16xi32>,
      tpu.vector_store_idx %arg5[%get3A_38], %broadcast_in_dim3A_11 {add = true} : memref<10240xf32, #tpu.memory_space<vmem>>[vector<16xi32>], vector<16xf32>,
      %get3A_39 = arith.constant 78 : i32
      %get3A_40 = arith.index_cast %get3A_39 : i32 to index
      %get3A_41 = arith.constant 64 : index
      %get3A_42 = tpu.vector_load %arg4[%get3A_40, %get3A_41] {strides = array<i32>} : memref<79x128xi32, #tpu.memory_space<vmem>>, vector<16xi32>,
      tpu.vector_store_idx %arg5[%get3A_42], %broadcast_in_dim3A_11 {add = true} : memref<10240xf32, #tpu.memory_space<vmem>>[vector<16xi32>], vector<16xf32>,
      %get3A_43 = arith.constant 78 : i32
      %get3A_44 = arith.index_cast %get3A_43 : i32 to index
      %get3A_45 = arith.constant 80 : index
      %get3A_46 = tpu.vector_load %arg4[%get3A_44, %get3A_45] {strides = array<i32>} : memref<79x128xi32, #tpu.memory_space<vmem>>, vector<16xi32>,
      tpu.vector_store_idx %arg5[%get3A_46], %broadcast_in_dim3A_11 {add = true} : memref<10240xf32, #tpu.memory_space<vmem>>[vector<16xi32>], vector<16xf32>,
      %get3A_47 = arith.constant 78 : i32
      %get3A_48 = arith.index_cast %get3A_47 : i32 to index
      %get3A_49 = arith.constant 96 : index
      %get3A_50 = tpu.vector_load %arg4[%get3A_48, %get3A_49] {strides = array<i32>} : memref<79x128xi32, #tpu.memory_space<vmem>>, vector<16xi32>,
      tpu.vector_store_idx %arg5[%get3A_50], %broadcast_in_dim3A_11 {add = true} : memref<10240xf32, #tpu.memory_space<vmem>>[vector<16xi32>], vector<16xf32>,
      %get3A_51 = arith.constant 78 : i32
      %get3A_52 = arith.index_cast %get3A_51 : i32 to index
      %get3A_53 = arith.constant 112 : index
      %get3A_54 = tpu.vector_load %arg4[%get3A_52, %get3A_53] {strides = array<i32>} : memref<79x128xi32, #tpu.memory_space<vmem>>, vector<16xi32>,
      tpu.vector_store_idx %arg5[%get3A_54], %broadcast_in_dim3A_11 {add = true} : memref<10240xf32, #tpu.memory_space<vmem>>[vector<16xi32>], vector<16xf32>,
    } else {
    }
    "tpu.region"() ({
      %run_scoped3A_21 = tpu.sem_alloc : memref<!tpu.dma_semaphore, #tpu.memory_space<semaphore_mem>>
      %dma_start3A = arith.constant 0 : i32
      %dma_start3A_22 = tpu.memref_slice %arg3[%add3A, %dma_start3A] : memref<32x10240xf32, #tpu.memory_space<hbm>> -> memref<1x10240xf32, #tpu.memory_space<hbm>>
      %dma_start3A_23 = tpu.memref_squeeze %dma_start3A_22 : memref<1x10240xf32, #tpu.memory_space<hbm>> -> memref<10240xf32, #tpu.memory_space<hbm>>
      %dma_start3A_24 = arith.constant 0 : i32
      %dma_start3A_25 = tpu.memref_slice %arg3[%add3A, %dma_start3A_24] : memref<32x10240xf32, #tpu.memory_space<hbm>> -> memref<1x10240xf32, #tpu.memory_space<hbm>>
      %dma_start3A_26 = tpu.memref_squeeze %dma_start3A_25 : memref<1x10240xf32, #tpu.memory_space<hbm>> -> memref<10240xf32, #tpu.memory_space<hbm>>
      tpu.enqueue_dma source(%arg5 : memref<10240xf32, #tpu.memory_space<vmem>>) target(%dma_start3A_26 : memref<10240xf32, #tpu.memory_space<hbm>>) target_semaphore(%run_scoped3A_21 : memref<!tpu.dma_semaphore, #tpu.memory_space<semaphore_mem>>)
      %dma_wait3A = arith.constant 0 : i32
      %dma_wait3A_27 = tpu.memref_slice %arg3[%add3A, %dma_wait3A] : memref<32x10240xf32, #tpu.memory_space<hbm>> -> memref<1x10240xf32, #tpu.memory_space<hbm>>
      %dma_wait3A_28 = tpu.memref_squeeze %dma_wait3A_27 : memref<1x10240xf32, #tpu.memory_space<hbm>> -> memref<10240xf32, #tpu.memory_space<hbm>>
      %dma_wait3A_29 = arith.constant 0 : i32
      %dma_wait3A_30 = tpu.memref_slice %arg3[%add3A, %dma_wait3A_29] : memref<32x10240xf32, #tpu.memory_space<hbm>> -> memref<1x10240xf32, #tpu.memory_space<hbm>>
      %dma_wait3A_31 = tpu.memref_squeeze %dma_wait3A_30 : memref<1x10240xf32, #tpu.memory_space<hbm>> -> memref<10240xf32, #tpu.memory_space<hbm>>
      tpu.wait_dma2 semaphore(%run_scoped3A_21 : memref<!tpu.dma_semaphore, #tpu.memory_space<semaphore_mem>>) src(%arg5 : memref<10240xf32, #tpu.memory_space<vmem>>) dst(%dma_wait3A_31 : memref<10240xf32, #tpu.memory_space<hbm>>)
      tpu.yield
    }) : () -> ()
    return
  }
}

#map = affine_map<(d0, d1) -> (0, 0)>
#map1 = affine_map<(d0, d1) -> (0, 0, 0)>
module attributes {stable_mosaic.version = 14 : i64} {
  func.func @prop_kernel(%arg0: i32, %arg1: i32, %arg2: memref<10240x128xf32, #tpu.memory_space<hbm>>, %arg3: memref<2x2500x128xi32, #tpu.memory_space<hbm>>, %arg4: memref<2x10240x128xf32, #tpu.memory_space<hbm>>, %arg5: memref<2x6x128xi32, #tpu.memory_space<vmem>>, %arg6: memref<2x6x128xi32, #tpu.memory_space<vmem>>, %arg7: memref<128x128xf32, #tpu.memory_space<vmem>>, %arg8: memref<128x128xf32, #tpu.memory_space<vmem>>, %arg9: memref<10240x128xf32, #tpu.memory_space<vmem_shared>>, %arg10: memref<!tpu.dma_semaphore, #tpu.memory_space<semaphore_mem>>, %arg11: memref<!tpu.dma_semaphore, #tpu.memory_space<semaphore_mem>>, %arg12: memref<!tpu.dma_semaphore, #tpu.memory_space<semaphore_mem>>) attributes {dimension_semantics = [#tpu.dimension_semantics<core_parallel>, #tpu.dimension_semantics<subcore_parallel>], iteration_bounds = array<i64: 2, 16>, scalar_prefetch = 0 : i64, scratch_operands = 8 : i64, tpu.core_type = #tpu.core_type<sc_vector_subcore>, window_params = [{transform_indices = #map}, {transform_indices = #map1}, {transform_indices = #map1}]} {
    %mul3A = arith.constant 16 : i32
    %mul3A_0 = arith.muli %arg0, %mul3A : i32
    %add3A = arith.addi %mul3A_0, %arg1 : i32
    %mul3A_1 = arith.constant 78 : i32
    %mul3A_2 = arith.muli %mul3A_1, %add3A : i32
    %min3A = arith.constant 4 : i32
    %min3A_3 = arith.minsi %add3A, %min3A : i32
    %add3A_4 = arith.addi %mul3A_2, %min3A_3 : i32
    %scan3A = arith.constant 0 : i32
    %scan3A_5 = arith.constant 0 : i32
    %scan3A_6 = arith.constant 80 : i32
    %scan3A_7 = arith.addi %scan3A_5, %scan3A_6 : i32
    %scan3A_8 = arith.constant 1 : i32
    %scan3A_9 = scf.for %scan3A_114 = %scan3A_5 to %scan3A_7 step %scan3A_8 iter_args(%scan3A_115 = %scan3A) -> (i32)  : i32 {
      %broadcast_in_dim3A = arith.constant 0.000000e+00 : f32
      %broadcast_in_dim3A_116 = vector.broadcast %broadcast_in_dim3A : f32 to vector<128xf32>
      %swap3A = arith.index_cast %scan3A_114 : i32 to index
      %swap3A_117 = arith.constant 0 : index
      %swap3A_118 = tpu.vector_load %arg7[%swap3A, %swap3A_117] {strides = array<i32>} : memref<128x128xf32, #tpu.memory_space<vmem>>, vector<1x128xf32>,
      %swap3A_119 = vector.shape_cast %swap3A_118 : vector<1x128xf32> to vector<128xf32>
      %swap3A_120 = vector.shape_cast %broadcast_in_dim3A_116 : vector<128xf32> to vector<1x128xf32>
      tpu.vector_store %arg7[%swap3A, %swap3A_117], %swap3A_120 {strides = array<i32>} : memref<128x128xf32, #tpu.memory_space<vmem>>, vector<1x128xf32>,
      %scan3A_121 = arith.constant 0 : i32
      scf.yield %scan3A_121 : i32
    }
    %scan3A_10 = arith.constant 80 : i32
    %mul3A_11 = arith.constant 640 : i32
    %mul3A_12 = arith.muli %arg1, %mul3A_11 : i32
    %scan3A_13 = arith.constant 0 : i32
    %scan3A_14 = arith.constant 0 : i32
    %scan3A_15 = arith.constant 8 : i32
    %scan3A_16 = arith.addi %scan3A_14, %scan3A_15 : i32
    %scan3A_17 = arith.constant 1 : i32
    %scan3A_18 = scf.for %scan3A_114 = %scan3A_14 to %scan3A_16 step %scan3A_17 iter_args(%scan3A_115 = %scan3A_13) -> (i32)  : i32 {
      %mul3A_116 = arith.constant 80 : i32
      %mul3A_117 = arith.muli %scan3A_114, %mul3A_116 : i32
      %add3A_118 = arith.addi %mul3A_12, %mul3A_117 : i32
      "tpu.region"() ({
        %run_scoped3A = tpu.sem_alloc : memref<!tpu.dma_semaphore, #tpu.memory_space<semaphore_mem>>
        %dma_start3A_120 = arith.constant 0 : i32
        %dma_start3A_121 = arith.constant 0 : i32
        %dma_start3A_122 = tpu.memref_slice %arg7[%dma_start3A_120, %dma_start3A_121] : memref<128x128xf32, #tpu.memory_space<vmem>> -> memref<80x128xf32, #tpu.memory_space<vmem>>
        %dma_start3A_123 = arith.constant 0 : i32
        %dma_start3A_124 = tpu.memref_slice %arg9[%add3A_118, %dma_start3A_123] : memref<10240x128xf32, #tpu.memory_space<vmem_shared>> -> memref<80x128xf32, #tpu.memory_space<vmem_shared>>
        %dma_start3A_125 = arith.constant 0 : i32
        %dma_start3A_126 = tpu.memref_slice %arg9[%add3A_118, %dma_start3A_125] : memref<10240x128xf32, #tpu.memory_space<vmem_shared>> -> memref<80x128xf32, #tpu.memory_space<vmem_shared>>
        %dma_start3A_127 = arith.constant 0 : i32
        %dma_start3A_128 = arith.constant 0 : i32
        %dma_start3A_129 = tpu.memref_slice %arg7[%dma_start3A_127, %dma_start3A_128] : memref<128x128xf32, #tpu.memory_space<vmem>> -> memref<80x128xf32, #tpu.memory_space<vmem>>
        tpu.enqueue_dma source(%dma_start3A_129 : memref<80x128xf32, #tpu.memory_space<vmem>>) target(%dma_start3A_126 : memref<80x128xf32, #tpu.memory_space<vmem_shared>>) target_semaphore(%run_scoped3A : memref<!tpu.dma_semaphore, #tpu.memory_space<semaphore_mem>>)
        %dma_wait3A_130 = arith.constant 0 : i32
        %dma_wait3A_131 = arith.constant 0 : i32
        %dma_wait3A_132 = tpu.memref_slice %arg7[%dma_wait3A_130, %dma_wait3A_131] : memref<128x128xf32, #tpu.memory_space<vmem>> -> memref<80x128xf32, #tpu.memory_space<vmem>>
        %dma_wait3A_133 = arith.constant 0 : i32
        %dma_wait3A_134 = tpu.memref_slice %arg9[%add3A_118, %dma_wait3A_133] : memref<10240x128xf32, #tpu.memory_space<vmem_shared>> -> memref<80x128xf32, #tpu.memory_space<vmem_shared>>
        %dma_wait3A_135 = arith.constant 0 : i32
        %dma_wait3A_136 = tpu.memref_slice %arg9[%add3A_118, %dma_wait3A_135] : memref<10240x128xf32, #tpu.memory_space<vmem_shared>> -> memref<80x128xf32, #tpu.memory_space<vmem_shared>>
        %dma_wait3A_137 = arith.constant 0 : i32
        %dma_wait3A_138 = arith.constant 0 : i32
        %dma_wait3A_139 = tpu.memref_slice %arg7[%dma_wait3A_137, %dma_wait3A_138] : memref<128x128xf32, #tpu.memory_space<vmem>> -> memref<80x128xf32, #tpu.memory_space<vmem>>
        tpu.wait_dma2 semaphore(%run_scoped3A : memref<!tpu.dma_semaphore, #tpu.memory_space<semaphore_mem>>) src(%dma_wait3A_139 : memref<80x128xf32, #tpu.memory_space<vmem>>) dst(%dma_wait3A_136 : memref<80x128xf32, #tpu.memory_space<vmem_shared>>)
        tpu.yield
      }) : () -> ()
      %scan3A_119 = arith.constant 0 : i32
      scf.yield %scan3A_119 : i32
    }
    %scan3A_19 = arith.constant 8 : i32
    %barrier3A = arith.constant 0 : index
    tpu.barrier barrier_id(%barrier3A)
    %add3A_20 = arith.constant 0 : i32
    %add3A_21 = arith.addi %add3A_4, %add3A_20 : i32
    %dma_start3A = arith.constant 0 : i32
    %dma_start3A_22 = arith.constant 0 : i32
    %dma_start3A_23 = arith.constant 0 : i32
    %dma_start3A_24 = arith.constant 0 : i32
    %dma_start3A_25 = tpu.memref_slice %arg5[%dma_start3A_22, %dma_start3A_23, %dma_start3A_24] : memref<2x6x128xi32, #tpu.memory_space<vmem>> -> memref<1x6x128xi32, #tpu.memory_space<vmem>>
    %dma_start3A_26 = tpu.memref_squeeze %dma_start3A_25 : memref<1x6x128xi32, #tpu.memory_space<vmem>> -> memref<6x128xi32, #tpu.memory_space<vmem>>
    %dma_start3A_27 = arith.constant 0 : i32
    %dma_start3A_28 = tpu.memref_slice %arg3[%dma_start3A, %add3A_21, %dma_start3A_27] : memref<2x2500x128xi32, #tpu.memory_space<hbm>> -> memref<1x6x128xi32, #tpu.memory_space<hbm>>
    %dma_start3A_29 = tpu.memref_squeeze %dma_start3A_28 : memref<1x6x128xi32, #tpu.memory_space<hbm>> -> memref<6x128xi32, #tpu.memory_space<hbm>>
    %dma_start3A_30 = arith.constant 0 : i32
    %dma_start3A_31 = arith.constant 0 : i32
    %dma_start3A_32 = tpu.memref_slice %arg5[%dma_start3A_22, %dma_start3A_30, %dma_start3A_31] : memref<2x6x128xi32, #tpu.memory_space<vmem>> -> memref<1x6x128xi32, #tpu.memory_space<vmem>>
    %dma_start3A_33 = tpu.memref_squeeze %dma_start3A_32 : memref<1x6x128xi32, #tpu.memory_space<vmem>> -> memref<6x128xi32, #tpu.memory_space<vmem>>
    %dma_start3A_34 = arith.constant 0 : i32
    %dma_start3A_35 = tpu.memref_slice %arg3[%dma_start3A, %add3A_21, %dma_start3A_34] : memref<2x2500x128xi32, #tpu.memory_space<hbm>> -> memref<1x6x128xi32, #tpu.memory_space<hbm>>
    %dma_start3A_36 = tpu.memref_squeeze %dma_start3A_35 : memref<1x6x128xi32, #tpu.memory_space<hbm>> -> memref<6x128xi32, #tpu.memory_space<hbm>>
    tpu.enqueue_dma source(%dma_start3A_36 : memref<6x128xi32, #tpu.memory_space<hbm>>) target(%dma_start3A_33 : memref<6x128xi32, #tpu.memory_space<vmem>>) target_semaphore(%arg12 : memref<!tpu.dma_semaphore, #tpu.memory_space<semaphore_mem>>)
    %dma_start3A_37 = arith.constant 1 : i32
    %dma_start3A_38 = arith.constant 0 : i32
    %dma_start3A_39 = arith.constant 0 : i32
    %dma_start3A_40 = arith.constant 0 : i32
    %dma_start3A_41 = tpu.memref_slice %arg6[%dma_start3A_38, %dma_start3A_39, %dma_start3A_40] : memref<2x6x128xi32, #tpu.memory_space<vmem>> -> memref<1x6x128xi32, #tpu.memory_space<vmem>>
    %dma_start3A_42 = tpu.memref_squeeze %dma_start3A_41 : memref<1x6x128xi32, #tpu.memory_space<vmem>> -> memref<6x128xi32, #tpu.memory_space<vmem>>
    %dma_start3A_43 = arith.constant 0 : i32
    %dma_start3A_44 = tpu.memref_slice %arg3[%dma_start3A_37, %add3A_21, %dma_start3A_43] : memref<2x2500x128xi32, #tpu.memory_space<hbm>> -> memref<1x6x128xi32, #tpu.memory_space<hbm>>
    %dma_start3A_45 = tpu.memref_squeeze %dma_start3A_44 : memref<1x6x128xi32, #tpu.memory_space<hbm>> -> memref<6x128xi32, #tpu.memory_space<hbm>>
    %dma_start3A_46 = arith.constant 0 : i32
    %dma_start3A_47 = arith.constant 0 : i32
    %dma_start3A_48 = tpu.memref_slice %arg6[%dma_start3A_38, %dma_start3A_46, %dma_start3A_47] : memref<2x6x128xi32, #tpu.memory_space<vmem>> -> memref<1x6x128xi32, #tpu.memory_space<vmem>>
    %dma_start3A_49 = tpu.memref_squeeze %dma_start3A_48 : memref<1x6x128xi32, #tpu.memory_space<vmem>> -> memref<6x128xi32, #tpu.memory_space<vmem>>
    %dma_start3A_50 = arith.constant 0 : i32
    %dma_start3A_51 = tpu.memref_slice %arg3[%dma_start3A_37, %add3A_21, %dma_start3A_50] : memref<2x2500x128xi32, #tpu.memory_space<hbm>> -> memref<1x6x128xi32, #tpu.memory_space<hbm>>
    %dma_start3A_52 = tpu.memref_squeeze %dma_start3A_51 : memref<1x6x128xi32, #tpu.memory_space<hbm>> -> memref<6x128xi32, #tpu.memory_space<hbm>>
    tpu.enqueue_dma source(%dma_start3A_52 : memref<6x128xi32, #tpu.memory_space<hbm>>) target(%dma_start3A_49 : memref<6x128xi32, #tpu.memory_space<vmem>>) target_semaphore(%arg12 : memref<!tpu.dma_semaphore, #tpu.memory_space<semaphore_mem>>)
    %dma_wait3A = arith.constant 0 : i32
    %dma_wait3A_53 = arith.constant 0 : i32
    %dma_wait3A_54 = arith.constant 0 : i32
    %dma_wait3A_55 = arith.constant 0 : i32
    %dma_wait3A_56 = tpu.memref_slice %arg5[%dma_wait3A_53, %dma_wait3A_54, %dma_wait3A_55] : memref<2x6x128xi32, #tpu.memory_space<vmem>> -> memref<1x6x128xi32, #tpu.memory_space<vmem>>
    %dma_wait3A_57 = tpu.memref_squeeze %dma_wait3A_56 : memref<1x6x128xi32, #tpu.memory_space<vmem>> -> memref<6x128xi32, #tpu.memory_space<vmem>>
    %dma_wait3A_58 = arith.constant 0 : i32
    %dma_wait3A_59 = arith.constant 0 : i32
    %dma_wait3A_60 = tpu.memref_slice %arg3[%dma_wait3A, %dma_wait3A_58, %dma_wait3A_59] : memref<2x2500x128xi32, #tpu.memory_space<hbm>> -> memref<1x6x128xi32, #tpu.memory_space<hbm>>
    %dma_wait3A_61 = tpu.memref_squeeze %dma_wait3A_60 : memref<1x6x128xi32, #tpu.memory_space<hbm>> -> memref<6x128xi32, #tpu.memory_space<hbm>>
    %dma_wait3A_62 = arith.constant 0 : i32
    %dma_wait3A_63 = arith.constant 0 : i32
    %dma_wait3A_64 = tpu.memref_slice %arg5[%dma_wait3A_53, %dma_wait3A_62, %dma_wait3A_63] : memref<2x6x128xi32, #tpu.memory_space<vmem>> -> memref<1x6x128xi32, #tpu.memory_space<vmem>>
    %dma_wait3A_65 = tpu.memref_squeeze %dma_wait3A_64 : memref<1x6x128xi32, #tpu.memory_space<vmem>> -> memref<6x128xi32, #tpu.memory_space<vmem>>
    %dma_wait3A_66 = arith.constant 0 : i32
    %dma_wait3A_67 = arith.constant 0 : i32
    %dma_wait3A_68 = tpu.memref_slice %arg3[%dma_wait3A, %dma_wait3A_66, %dma_wait3A_67] : memref<2x2500x128xi32, #tpu.memory_space<hbm>> -> memref<1x6x128xi32, #tpu.memory_space<hbm>>
    %dma_wait3A_69 = tpu.memref_squeeze %dma_wait3A_68 : memref<1x6x128xi32, #tpu.memory_space<hbm>> -> memref<6x128xi32, #tpu.memory_space<hbm>>
    tpu.wait_dma2 semaphore(%arg12 : memref<!tpu.dma_semaphore, #tpu.memory_space<semaphore_mem>>) src(%dma_wait3A_69 : memref<6x128xi32, #tpu.memory_space<hbm>>) dst(%dma_wait3A_65 : memref<6x128xi32, #tpu.memory_space<vmem>>)
    %dma_wait3A_70 = arith.constant 0 : i32
    %dma_wait3A_71 = arith.constant 0 : i32
    %dma_wait3A_72 = arith.constant 0 : i32
    %dma_wait3A_73 = arith.constant 0 : i32
    %dma_wait3A_74 = tpu.memref_slice %arg6[%dma_wait3A_71, %dma_wait3A_72, %dma_wait3A_73] : memref<2x6x128xi32, #tpu.memory_space<vmem>> -> memref<1x6x128xi32, #tpu.memory_space<vmem>>
    %dma_wait3A_75 = tpu.memref_squeeze %dma_wait3A_74 : memref<1x6x128xi32, #tpu.memory_space<vmem>> -> memref<6x128xi32, #tpu.memory_space<vmem>>
    %dma_wait3A_76 = arith.constant 0 : i32
    %dma_wait3A_77 = arith.constant 0 : i32
    %dma_wait3A_78 = tpu.memref_slice %arg3[%dma_wait3A_70, %dma_wait3A_76, %dma_wait3A_77] : memref<2x2500x128xi32, #tpu.memory_space<hbm>> -> memref<1x6x128xi32, #tpu.memory_space<hbm>>
    %dma_wait3A_79 = tpu.memref_squeeze %dma_wait3A_78 : memref<1x6x128xi32, #tpu.memory_space<hbm>> -> memref<6x128xi32, #tpu.memory_space<hbm>>
    %dma_wait3A_80 = arith.constant 0 : i32
    %dma_wait3A_81 = arith.constant 0 : i32
    %dma_wait3A_82 = tpu.memref_slice %arg6[%dma_wait3A_71, %dma_wait3A_80, %dma_wait3A_81] : memref<2x6x128xi32, #tpu.memory_space<vmem>> -> memref<1x6x128xi32, #tpu.memory_space<vmem>>
    %dma_wait3A_83 = tpu.memref_squeeze %dma_wait3A_82 : memref<1x6x128xi32, #tpu.memory_space<vmem>> -> memref<6x128xi32, #tpu.memory_space<vmem>>
    %dma_wait3A_84 = arith.constant 0 : i32
    %dma_wait3A_85 = arith.constant 0 : i32
    %dma_wait3A_86 = tpu.memref_slice %arg3[%dma_wait3A_70, %dma_wait3A_84, %dma_wait3A_85] : memref<2x2500x128xi32, #tpu.memory_space<hbm>> -> memref<1x6x128xi32, #tpu.memory_space<hbm>>
    %dma_wait3A_87 = tpu.memref_squeeze %dma_wait3A_86 : memref<1x6x128xi32, #tpu.memory_space<hbm>> -> memref<6x128xi32, #tpu.memory_space<hbm>>
    tpu.wait_dma2 semaphore(%arg12 : memref<!tpu.dma_semaphore, #tpu.memory_space<semaphore_mem>>) src(%dma_wait3A_87 : memref<6x128xi32, #tpu.memory_space<hbm>>) dst(%dma_wait3A_83 : memref<6x128xi32, #tpu.memory_space<vmem>>)
    %dma_start3A_88 = arith.constant 0 : i32
    %dma_start3A_89 = arith.constant 0 : i32
    %dma_start3A_90 = arith.constant 0 : i32
    %dma_start3A_91 = tpu.memref_slice %arg5[%dma_start3A_88, %dma_start3A_89, %dma_start3A_90] : memref<2x6x128xi32, #tpu.memory_space<vmem>> -> memref<1x1x128xi32, #tpu.memory_space<vmem>>
    %dma_start3A_92 = tpu.memref_squeeze %dma_start3A_91 : memref<1x1x128xi32, #tpu.memory_space<vmem>> -> memref<128xi32, #tpu.memory_space<vmem>>
    %dma_start3A_93 = arith.constant 0 : i32
    %dma_start3A_94 = arith.constant 0 : i32
    %dma_start3A_95 = tpu.memref_slice %arg2[%dma_start3A_93, %dma_start3A_94] : memref<10240x128xf32, #tpu.memory_space<hbm>> -> memref<10240x128xf32, #tpu.memory_space<hbm>>
    tpu.enqueue_indirect_dma source(%dma_start3A_95 : memref<10240x128xf32, #tpu.memory_space<hbm>>) target(%arg7 : memref<128x128xf32, #tpu.memory_space<vmem>>) offsets(%dma_start3A_92 : memref<128xi32, #tpu.memory_space<vmem>>) semaphore(%arg10 : memref<!tpu.dma_semaphore, #tpu.memory_space<semaphore_mem>>)
    %scan3A_96 = arith.constant 0 : i32
    %scan3A_97 = arith.constant 0 : i32
    %scan3A_98 = arith.constant 13 : i32
    %scan3A_99 = arith.addi %scan3A_97, %scan3A_98 : i32
    %scan3A_100 = arith.constant 1 : i32
    %scan3A_101 = scf.for %scan3A_114 = %scan3A_97 to %scan3A_99 step %scan3A_100 iter_args(%scan3A_115 = %scan3A_96) -> (i32)  : i32 {
      %rem3A = arith.constant 2 : i32
      %rem3A_116 = arith.remsi %scan3A_114, %rem3A : i32
      %sub3A = arith.constant 1 : i32
      %sub3A_117 = arith.subi %sub3A, %rem3A_116 : i32
      %add3A_118 = arith.constant 1 : i32
      %add3A_119 = arith.addi %scan3A_114, %add3A_118 : i32
      %rem3A_120 = arith.constant 13 : i32
      %rem3A_121 = arith.remsi %add3A_119, %rem3A_120 : i32
      %mul3A_122 = arith.constant 6 : i32
      %mul3A_123 = arith.muli %rem3A_121, %mul3A_122 : i32
      %add3A_124 = arith.addi %add3A_4, %mul3A_123 : i32
      %dma_start3A_125 = arith.constant 0 : i32
      %dma_start3A_126 = arith.constant 0 : i32
      %dma_start3A_127 = arith.constant 0 : i32
      %dma_start3A_128 = tpu.memref_slice %arg5[%sub3A_117, %dma_start3A_126, %dma_start3A_127] : memref<2x6x128xi32, #tpu.memory_space<vmem>> -> memref<1x6x128xi32, #tpu.memory_space<vmem>>
      %dma_start3A_129 = tpu.memref_squeeze %dma_start3A_128 : memref<1x6x128xi32, #tpu.memory_space<vmem>> -> memref<6x128xi32, #tpu.memory_space<vmem>>
      %dma_start3A_130 = arith.constant 0 : i32
      %dma_start3A_131 = tpu.memref_slice %arg3[%dma_start3A_125, %add3A_124, %dma_start3A_130] : memref<2x2500x128xi32, #tpu.memory_space<hbm>> -> memref<1x6x128xi32, #tpu.memory_space<hbm>>
      %dma_start3A_132 = tpu.memref_squeeze %dma_start3A_131 : memref<1x6x128xi32, #tpu.memory_space<hbm>> -> memref<6x128xi32, #tpu.memory_space<hbm>>
      %dma_start3A_133 = arith.constant 0 : i32
      %dma_start3A_134 = arith.constant 0 : i32
      %dma_start3A_135 = tpu.memref_slice %arg5[%sub3A_117, %dma_start3A_133, %dma_start3A_134] : memref<2x6x128xi32, #tpu.memory_space<vmem>> -> memref<1x6x128xi32, #tpu.memory_space<vmem>>
      %dma_start3A_136 = tpu.memref_squeeze %dma_start3A_135 : memref<1x6x128xi32, #tpu.memory_space<vmem>> -> memref<6x128xi32, #tpu.memory_space<vmem>>
      %dma_start3A_137 = arith.constant 0 : i32
      %dma_start3A_138 = tpu.memref_slice %arg3[%dma_start3A_125, %add3A_124, %dma_start3A_137] : memref<2x2500x128xi32, #tpu.memory_space<hbm>> -> memref<1x6x128xi32, #tpu.memory_space<hbm>>
      %dma_start3A_139 = tpu.memref_squeeze %dma_start3A_138 : memref<1x6x128xi32, #tpu.memory_space<hbm>> -> memref<6x128xi32, #tpu.memory_space<hbm>>
      tpu.enqueue_dma source(%dma_start3A_139 : memref<6x128xi32, #tpu.memory_space<hbm>>) target(%dma_start3A_136 : memref<6x128xi32, #tpu.memory_space<vmem>>) target_semaphore(%arg12 : memref<!tpu.dma_semaphore, #tpu.memory_space<semaphore_mem>>)
      %dma_start3A_140 = arith.constant 1 : i32
      %dma_start3A_141 = arith.constant 0 : i32
      %dma_start3A_142 = arith.constant 0 : i32
      %dma_start3A_143 = tpu.memref_slice %arg6[%sub3A_117, %dma_start3A_141, %dma_start3A_142] : memref<2x6x128xi32, #tpu.memory_space<vmem>> -> memref<1x6x128xi32, #tpu.memory_space<vmem>>
      %dma_start3A_144 = tpu.memref_squeeze %dma_start3A_143 : memref<1x6x128xi32, #tpu.memory_space<vmem>> -> memref<6x128xi32, #tpu.memory_space<vmem>>
      %dma_start3A_145 = arith.constant 0 : i32
      %dma_start3A_146 = tpu.memref_slice %arg3[%dma_start3A_140, %add3A_124, %dma_start3A_145] : memref<2x2500x128xi32, #tpu.memory_space<hbm>> -> memref<1x6x128xi32, #tpu.memory_space<hbm>>
      %dma_start3A_147 = tpu.memref_squeeze %dma_start3A_146 : memref<1x6x128xi32, #tpu.memory_space<hbm>> -> memref<6x128xi32, #tpu.memory_space<hbm>>
      %dma_start3A_148 = arith.constant 0 : i32
      %dma_start3A_149 = arith.constant 0 : i32
      %dma_start3A_150 = tpu.memref_slice %arg6[%sub3A_117, %dma_start3A_148, %dma_start3A_149] : memref<2x6x128xi32, #tpu.memory_space<vmem>> -> memref<1x6x128xi32, #tpu.memory_space<vmem>>
      %dma_start3A_151 = tpu.memref_squeeze %dma_start3A_150 : memref<1x6x128xi32, #tpu.memory_space<vmem>> -> memref<6x128xi32, #tpu.memory_space<vmem>>
      %dma_start3A_152 = arith.constant 0 : i32
      %dma_start3A_153 = tpu.memref_slice %arg3[%dma_start3A_140, %add3A_124, %dma_start3A_152] : memref<2x2500x128xi32, #tpu.memory_space<hbm>> -> memref<1x6x128xi32, #tpu.memory_space<hbm>>
      %dma_start3A_154 = tpu.memref_squeeze %dma_start3A_153 : memref<1x6x128xi32, #tpu.memory_space<hbm>> -> memref<6x128xi32, #tpu.memory_space<hbm>>
      tpu.enqueue_dma source(%dma_start3A_154 : memref<6x128xi32, #tpu.memory_space<hbm>>) target(%dma_start3A_151 : memref<6x128xi32, #tpu.memory_space<vmem>>) target_semaphore(%arg12 : memref<!tpu.dma_semaphore, #tpu.memory_space<semaphore_mem>>)
      %dma_start3A_155 = arith.constant 1 : i32
      %dma_start3A_156 = arith.constant 0 : i32
      %dma_start3A_157 = tpu.memref_slice %arg5[%rem3A_116, %dma_start3A_155, %dma_start3A_156] : memref<2x6x128xi32, #tpu.memory_space<vmem>> -> memref<1x1x128xi32, #tpu.memory_space<vmem>>
      %dma_start3A_158 = tpu.memref_squeeze %dma_start3A_157 : memref<1x1x128xi32, #tpu.memory_space<vmem>> -> memref<128xi32, #tpu.memory_space<vmem>>
      %dma_start3A_159 = arith.constant 0 : i32
      %dma_start3A_160 = arith.constant 0 : i32
      %dma_start3A_161 = tpu.memref_slice %arg2[%dma_start3A_159, %dma_start3A_160] : memref<10240x128xf32, #tpu.memory_space<hbm>> -> memref<10240x128xf32, #tpu.memory_space<hbm>>
      tpu.enqueue_indirect_dma source(%dma_start3A_161 : memref<10240x128xf32, #tpu.memory_space<hbm>>) target(%arg8 : memref<128x128xf32, #tpu.memory_space<vmem>>) offsets(%dma_start3A_158 : memref<128xi32, #tpu.memory_space<vmem>>) semaphore(%arg11 : memref<!tpu.dma_semaphore, #tpu.memory_space<semaphore_mem>>)
      %dma_wait3A_162 = arith.constant 0 : i32
      %dma_wait3A_163 = arith.constant 0 : i32
      %dma_wait3A_164 = arith.constant 0 : i32
      %dma_wait3A_165 = tpu.memref_slice %arg5[%dma_wait3A_162, %dma_wait3A_163, %dma_wait3A_164] : memref<2x6x128xi32, #tpu.memory_space<vmem>> -> memref<1x1x128xi32, #tpu.memory_space<vmem>>
      %dma_wait3A_166 = tpu.memref_squeeze %dma_wait3A_165 : memref<1x1x128xi32, #tpu.memory_space<vmem>> -> memref<128xi32, #tpu.memory_space<vmem>>
      %dma_wait3A_167 = arith.constant 0 : i32
      %dma_wait3A_168 = arith.constant 0 : i32
      %dma_wait3A_169 = tpu.memref_slice %arg2[%dma_wait3A_167, %dma_wait3A_168] : memref<10240x128xf32, #tpu.memory_space<hbm>> -> memref<10240x128xf32, #tpu.memory_space<hbm>>
      tpu.wait_indirect_dma semaphore(%arg10 : memref<!tpu.dma_semaphore, #tpu.memory_space<semaphore_mem>>) src(%dma_wait3A_169 : memref<10240x128xf32, #tpu.memory_space<hbm>>) dst(%arg7 : memref<128x128xf32, #tpu.memory_space<vmem>>)
      %run_scoped3A = arith.constant 0 : i32
      "tpu.region"() ({
        %run_scoped3A_285 = tpu.sem_alloc : memref<!tpu.dma_semaphore, #tpu.memory_space<semaphore_mem>>
        %dma_start3A_286 = arith.constant 0 : i32
        %dma_start3A_287 = tpu.memref_slice %arg6[%rem3A_116, %run_scoped3A, %dma_start3A_286] : memref<2x6x128xi32, #tpu.memory_space<vmem>> -> memref<1x1x128xi32, #tpu.memory_space<vmem>>
        %dma_start3A_288 = tpu.memref_squeeze %dma_start3A_287 : memref<1x1x128xi32, #tpu.memory_space<vmem>> -> memref<128xi32, #tpu.memory_space<vmem>>
        %dma_start3A_289 = arith.constant 0 : i32
        %dma_start3A_290 = arith.constant 0 : i32
        %dma_start3A_291 = tpu.memref_slice %arg9[%dma_start3A_289, %dma_start3A_290] : memref<10240x128xf32, #tpu.memory_space<vmem_shared>> -> memref<10240x128xf32, #tpu.memory_space<vmem_shared>>
        tpu.enqueue_indirect_dma source(%arg7 : memref<128x128xf32, #tpu.memory_space<vmem>>) target(%dma_start3A_291 : memref<10240x128xf32, #tpu.memory_space<vmem_shared>>) offsets(%dma_start3A_288 : memref<128xi32, #tpu.memory_space<vmem>>) semaphore(%run_scoped3A_285 : memref<!tpu.dma_semaphore, #tpu.memory_space<semaphore_mem>>) {add = true}
        %dma_wait3A_292 = arith.constant 0 : i32
        %dma_wait3A_293 = tpu.memref_slice %arg6[%rem3A_116, %run_scoped3A, %dma_wait3A_292] : memref<2x6x128xi32, #tpu.memory_space<vmem>> -> memref<1x1x128xi32, #tpu.memory_space<vmem>>
        %dma_wait3A_294 = tpu.memref_squeeze %dma_wait3A_293 : memref<1x1x128xi32, #tpu.memory_space<vmem>> -> memref<128xi32, #tpu.memory_space<vmem>>
        %dma_wait3A_295 = arith.constant 0 : i32
        %dma_wait3A_296 = arith.constant 0 : i32
        %dma_wait3A_297 = tpu.memref_slice %arg9[%dma_wait3A_295, %dma_wait3A_296] : memref<10240x128xf32, #tpu.memory_space<vmem_shared>> -> memref<10240x128xf32, #tpu.memory_space<vmem_shared>>
        tpu.wait_indirect_dma semaphore(%run_scoped3A_285 : memref<!tpu.dma_semaphore, #tpu.memory_space<semaphore_mem>>) src(%arg7 : memref<128x128xf32, #tpu.memory_space<vmem>>) dst(%dma_wait3A_297 : memref<10240x128xf32, #tpu.memory_space<vmem_shared>>)
        tpu.yield
      }) : () -> ()
      %dma_start3A_170 = arith.constant 2 : i32
      %dma_start3A_171 = arith.constant 0 : i32
      %dma_start3A_172 = tpu.memref_slice %arg5[%rem3A_116, %dma_start3A_170, %dma_start3A_171] : memref<2x6x128xi32, #tpu.memory_space<vmem>> -> memref<1x1x128xi32, #tpu.memory_space<vmem>>
      %dma_start3A_173 = tpu.memref_squeeze %dma_start3A_172 : memref<1x1x128xi32, #tpu.memory_space<vmem>> -> memref<128xi32, #tpu.memory_space<vmem>>
      %dma_start3A_174 = arith.constant 0 : i32
      %dma_start3A_175 = arith.constant 0 : i32
      %dma_start3A_176 = tpu.memref_slice %arg2[%dma_start3A_174, %dma_start3A_175] : memref<10240x128xf32, #tpu.memory_space<hbm>> -> memref<10240x128xf32, #tpu.memory_space<hbm>>
      tpu.enqueue_indirect_dma source(%dma_start3A_176 : memref<10240x128xf32, #tpu.memory_space<hbm>>) target(%arg7 : memref<128x128xf32, #tpu.memory_space<vmem>>) offsets(%dma_start3A_173 : memref<128xi32, #tpu.memory_space<vmem>>) semaphore(%arg10 : memref<!tpu.dma_semaphore, #tpu.memory_space<semaphore_mem>>)
      %dma_wait3A_177 = arith.constant 0 : i32
      %dma_wait3A_178 = arith.constant 0 : i32
      %dma_wait3A_179 = arith.constant 0 : i32
      %dma_wait3A_180 = tpu.memref_slice %arg5[%dma_wait3A_177, %dma_wait3A_178, %dma_wait3A_179] : memref<2x6x128xi32, #tpu.memory_space<vmem>> -> memref<1x1x128xi32, #tpu.memory_space<vmem>>
      %dma_wait3A_181 = tpu.memref_squeeze %dma_wait3A_180 : memref<1x1x128xi32, #tpu.memory_space<vmem>> -> memref<128xi32, #tpu.memory_space<vmem>>
      %dma_wait3A_182 = arith.constant 0 : i32
      %dma_wait3A_183 = arith.constant 0 : i32
      %dma_wait3A_184 = tpu.memref_slice %arg2[%dma_wait3A_182, %dma_wait3A_183] : memref<10240x128xf32, #tpu.memory_space<hbm>> -> memref<10240x128xf32, #tpu.memory_space<hbm>>
      tpu.wait_indirect_dma semaphore(%arg11 : memref<!tpu.dma_semaphore, #tpu.memory_space<semaphore_mem>>) src(%dma_wait3A_184 : memref<10240x128xf32, #tpu.memory_space<hbm>>) dst(%arg8 : memref<128x128xf32, #tpu.memory_space<vmem>>)
      %run_scoped3A_185 = arith.constant 1 : i32
      "tpu.region"() ({
        %run_scoped3A_285 = tpu.sem_alloc : memref<!tpu.dma_semaphore, #tpu.memory_space<semaphore_mem>>
        %dma_start3A_286 = arith.constant 0 : i32
        %dma_start3A_287 = tpu.memref_slice %arg6[%rem3A_116, %run_scoped3A_185, %dma_start3A_286] : memref<2x6x128xi32, #tpu.memory_space<vmem>> -> memref<1x1x128xi32, #tpu.memory_space<vmem>>
        %dma_start3A_288 = tpu.memref_squeeze %dma_start3A_287 : memref<1x1x128xi32, #tpu.memory_space<vmem>> -> memref<128xi32, #tpu.memory_space<vmem>>
        %dma_start3A_289 = arith.constant 0 : i32
        %dma_start3A_290 = arith.constant 0 : i32
        %dma_start3A_291 = tpu.memref_slice %arg9[%dma_start3A_289, %dma_start3A_290] : memref<10240x128xf32, #tpu.memory_space<vmem_shared>> -> memref<10240x128xf32, #tpu.memory_space<vmem_shared>>
        tpu.enqueue_indirect_dma source(%arg8 : memref<128x128xf32, #tpu.memory_space<vmem>>) target(%dma_start3A_291 : memref<10240x128xf32, #tpu.memory_space<vmem_shared>>) offsets(%dma_start3A_288 : memref<128xi32, #tpu.memory_space<vmem>>) semaphore(%run_scoped3A_285 : memref<!tpu.dma_semaphore, #tpu.memory_space<semaphore_mem>>) {add = true}
        %dma_wait3A_292 = arith.constant 0 : i32
        %dma_wait3A_293 = tpu.memref_slice %arg6[%rem3A_116, %run_scoped3A_185, %dma_wait3A_292] : memref<2x6x128xi32, #tpu.memory_space<vmem>> -> memref<1x1x128xi32, #tpu.memory_space<vmem>>
        %dma_wait3A_294 = tpu.memref_squeeze %dma_wait3A_293 : memref<1x1x128xi32, #tpu.memory_space<vmem>> -> memref<128xi32, #tpu.memory_space<vmem>>
        %dma_wait3A_295 = arith.constant 0 : i32
        %dma_wait3A_296 = arith.constant 0 : i32
        %dma_wait3A_297 = tpu.memref_slice %arg9[%dma_wait3A_295, %dma_wait3A_296] : memref<10240x128xf32, #tpu.memory_space<vmem_shared>> -> memref<10240x128xf32, #tpu.memory_space<vmem_shared>>
        tpu.wait_indirect_dma semaphore(%run_scoped3A_285 : memref<!tpu.dma_semaphore, #tpu.memory_space<semaphore_mem>>) src(%arg8 : memref<128x128xf32, #tpu.memory_space<vmem>>) dst(%dma_wait3A_297 : memref<10240x128xf32, #tpu.memory_space<vmem_shared>>)
        tpu.yield
      }) : () -> ()
      %dma_start3A_186 = arith.constant 3 : i32
      %dma_start3A_187 = arith.constant 0 : i32
      %dma_start3A_188 = tpu.memref_slice %arg5[%rem3A_116, %dma_start3A_186, %dma_start3A_187] : memref<2x6x128xi32, #tpu.memory_space<vmem>> -> memref<1x1x128xi32, #tpu.memory_space<vmem>>
      %dma_start3A_189 = tpu.memref_squeeze %dma_start3A_188 : memref<1x1x128xi32, #tpu.memory_space<vmem>> -> memref<128xi32, #tpu.memory_space<vmem>>
      %dma_start3A_190 = arith.constant 0 : i32
      %dma_start3A_191 = arith.constant 0 : i32
      %dma_start3A_192 = tpu.memref_slice %arg2[%dma_start3A_190, %dma_start3A_191] : memref<10240x128xf32, #tpu.memory_space<hbm>> -> memref<10240x128xf32, #tpu.memory_space<hbm>>
      tpu.enqueue_indirect_dma source(%dma_start3A_192 : memref<10240x128xf32, #tpu.memory_space<hbm>>) target(%arg8 : memref<128x128xf32, #tpu.memory_space<vmem>>) offsets(%dma_start3A_189 : memref<128xi32, #tpu.memory_space<vmem>>) semaphore(%arg11 : memref<!tpu.dma_semaphore, #tpu.memory_space<semaphore_mem>>)
      %dma_wait3A_193 = arith.constant 0 : i32
      %dma_wait3A_194 = arith.constant 0 : i32
      %dma_wait3A_195 = arith.constant 0 : i32
      %dma_wait3A_196 = tpu.memref_slice %arg5[%dma_wait3A_193, %dma_wait3A_194, %dma_wait3A_195] : memref<2x6x128xi32, #tpu.memory_space<vmem>> -> memref<1x1x128xi32, #tpu.memory_space<vmem>>
      %dma_wait3A_197 = tpu.memref_squeeze %dma_wait3A_196 : memref<1x1x128xi32, #tpu.memory_space<vmem>> -> memref<128xi32, #tpu.memory_space<vmem>>
      %dma_wait3A_198 = arith.constant 0 : i32
      %dma_wait3A_199 = arith.constant 0 : i32
      %dma_wait3A_200 = tpu.memref_slice %arg2[%dma_wait3A_198, %dma_wait3A_199] : memref<10240x128xf32, #tpu.memory_space<hbm>> -> memref<10240x128xf32, #tpu.memory_space<hbm>>
      tpu.wait_indirect_dma semaphore(%arg10 : memref<!tpu.dma_semaphore, #tpu.memory_space<semaphore_mem>>) src(%dma_wait3A_200 : memref<10240x128xf32, #tpu.memory_space<hbm>>) dst(%arg7 : memref<128x128xf32, #tpu.memory_space<vmem>>)
      %run_scoped3A_201 = arith.constant 2 : i32
      "tpu.region"() ({
        %run_scoped3A_285 = tpu.sem_alloc : memref<!tpu.dma_semaphore, #tpu.memory_space<semaphore_mem>>
        %dma_start3A_286 = arith.constant 0 : i32
        %dma_start3A_287 = tpu.memref_slice %arg6[%rem3A_116, %run_scoped3A_201, %dma_start3A_286] : memref<2x6x128xi32, #tpu.memory_space<vmem>> -> memref<1x1x128xi32, #tpu.memory_space<vmem>>
        %dma_start3A_288 = tpu.memref_squeeze %dma_start3A_287 : memref<1x1x128xi32, #tpu.memory_space<vmem>> -> memref<128xi32, #tpu.memory_space<vmem>>
        %dma_start3A_289 = arith.constant 0 : i32
        %dma_start3A_290 = arith.constant 0 : i32
        %dma_start3A_291 = tpu.memref_slice %arg9[%dma_start3A_289, %dma_start3A_290] : memref<10240x128xf32, #tpu.memory_space<vmem_shared>> -> memref<10240x128xf32, #tpu.memory_space<vmem_shared>>
        tpu.enqueue_indirect_dma source(%arg7 : memref<128x128xf32, #tpu.memory_space<vmem>>) target(%dma_start3A_291 : memref<10240x128xf32, #tpu.memory_space<vmem_shared>>) offsets(%dma_start3A_288 : memref<128xi32, #tpu.memory_space<vmem>>) semaphore(%run_scoped3A_285 : memref<!tpu.dma_semaphore, #tpu.memory_space<semaphore_mem>>) {add = true}
        %dma_wait3A_292 = arith.constant 0 : i32
        %dma_wait3A_293 = tpu.memref_slice %arg6[%rem3A_116, %run_scoped3A_201, %dma_wait3A_292] : memref<2x6x128xi32, #tpu.memory_space<vmem>> -> memref<1x1x128xi32, #tpu.memory_space<vmem>>
        %dma_wait3A_294 = tpu.memref_squeeze %dma_wait3A_293 : memref<1x1x128xi32, #tpu.memory_space<vmem>> -> memref<128xi32, #tpu.memory_space<vmem>>
        %dma_wait3A_295 = arith.constant 0 : i32
        %dma_wait3A_296 = arith.constant 0 : i32
        %dma_wait3A_297 = tpu.memref_slice %arg9[%dma_wait3A_295, %dma_wait3A_296] : memref<10240x128xf32, #tpu.memory_space<vmem_shared>> -> memref<10240x128xf32, #tpu.memory_space<vmem_shared>>
        tpu.wait_indirect_dma semaphore(%run_scoped3A_285 : memref<!tpu.dma_semaphore, #tpu.memory_space<semaphore_mem>>) src(%arg7 : memref<128x128xf32, #tpu.memory_space<vmem>>) dst(%dma_wait3A_297 : memref<10240x128xf32, #tpu.memory_space<vmem_shared>>)
        tpu.yield
      }) : () -> ()
      %dma_start3A_202 = arith.constant 4 : i32
      %dma_start3A_203 = arith.constant 0 : i32
      %dma_start3A_204 = tpu.memref_slice %arg5[%rem3A_116, %dma_start3A_202, %dma_start3A_203] : memref<2x6x128xi32, #tpu.memory_space<vmem>> -> memref<1x1x128xi32, #tpu.memory_space<vmem>>
      %dma_start3A_205 = tpu.memref_squeeze %dma_start3A_204 : memref<1x1x128xi32, #tpu.memory_space<vmem>> -> memref<128xi32, #tpu.memory_space<vmem>>
      %dma_start3A_206 = arith.constant 0 : i32
      %dma_start3A_207 = arith.constant 0 : i32
      %dma_start3A_208 = tpu.memref_slice %arg2[%dma_start3A_206, %dma_start3A_207] : memref<10240x128xf32, #tpu.memory_space<hbm>> -> memref<10240x128xf32, #tpu.memory_space<hbm>>
      tpu.enqueue_indirect_dma source(%dma_start3A_208 : memref<10240x128xf32, #tpu.memory_space<hbm>>) target(%arg7 : memref<128x128xf32, #tpu.memory_space<vmem>>) offsets(%dma_start3A_205 : memref<128xi32, #tpu.memory_space<vmem>>) semaphore(%arg10 : memref<!tpu.dma_semaphore, #tpu.memory_space<semaphore_mem>>)
      %dma_wait3A_209 = arith.constant 0 : i32
      %dma_wait3A_210 = arith.constant 0 : i32
      %dma_wait3A_211 = arith.constant 0 : i32
      %dma_wait3A_212 = tpu.memref_slice %arg5[%dma_wait3A_209, %dma_wait3A_210, %dma_wait3A_211] : memref<2x6x128xi32, #tpu.memory_space<vmem>> -> memref<1x1x128xi32, #tpu.memory_space<vmem>>
      %dma_wait3A_213 = tpu.memref_squeeze %dma_wait3A_212 : memref<1x1x128xi32, #tpu.memory_space<vmem>> -> memref<128xi32, #tpu.memory_space<vmem>>
      %dma_wait3A_214 = arith.constant 0 : i32
      %dma_wait3A_215 = arith.constant 0 : i32
      %dma_wait3A_216 = tpu.memref_slice %arg2[%dma_wait3A_214, %dma_wait3A_215] : memref<10240x128xf32, #tpu.memory_space<hbm>> -> memref<10240x128xf32, #tpu.memory_space<hbm>>
      tpu.wait_indirect_dma semaphore(%arg11 : memref<!tpu.dma_semaphore, #tpu.memory_space<semaphore_mem>>) src(%dma_wait3A_216 : memref<10240x128xf32, #tpu.memory_space<hbm>>) dst(%arg8 : memref<128x128xf32, #tpu.memory_space<vmem>>)
      %run_scoped3A_217 = arith.constant 3 : i32
      "tpu.region"() ({
        %run_scoped3A_285 = tpu.sem_alloc : memref<!tpu.dma_semaphore, #tpu.memory_space<semaphore_mem>>
        %dma_start3A_286 = arith.constant 0 : i32
        %dma_start3A_287 = tpu.memref_slice %arg6[%rem3A_116, %run_scoped3A_217, %dma_start3A_286] : memref<2x6x128xi32, #tpu.memory_space<vmem>> -> memref<1x1x128xi32, #tpu.memory_space<vmem>>
        %dma_start3A_288 = tpu.memref_squeeze %dma_start3A_287 : memref<1x1x128xi32, #tpu.memory_space<vmem>> -> memref<128xi32, #tpu.memory_space<vmem>>
        %dma_start3A_289 = arith.constant 0 : i32
        %dma_start3A_290 = arith.constant 0 : i32
        %dma_start3A_291 = tpu.memref_slice %arg9[%dma_start3A_289, %dma_start3A_290] : memref<10240x128xf32, #tpu.memory_space<vmem_shared>> -> memref<10240x128xf32, #tpu.memory_space<vmem_shared>>
        tpu.enqueue_indirect_dma source(%arg8 : memref<128x128xf32, #tpu.memory_space<vmem>>) target(%dma_start3A_291 : memref<10240x128xf32, #tpu.memory_space<vmem_shared>>) offsets(%dma_start3A_288 : memref<128xi32, #tpu.memory_space<vmem>>) semaphore(%run_scoped3A_285 : memref<!tpu.dma_semaphore, #tpu.memory_space<semaphore_mem>>) {add = true}
        %dma_wait3A_292 = arith.constant 0 : i32
        %dma_wait3A_293 = tpu.memref_slice %arg6[%rem3A_116, %run_scoped3A_217, %dma_wait3A_292] : memref<2x6x128xi32, #tpu.memory_space<vmem>> -> memref<1x1x128xi32, #tpu.memory_space<vmem>>
        %dma_wait3A_294 = tpu.memref_squeeze %dma_wait3A_293 : memref<1x1x128xi32, #tpu.memory_space<vmem>> -> memref<128xi32, #tpu.memory_space<vmem>>
        %dma_wait3A_295 = arith.constant 0 : i32
        %dma_wait3A_296 = arith.constant 0 : i32
        %dma_wait3A_297 = tpu.memref_slice %arg9[%dma_wait3A_295, %dma_wait3A_296] : memref<10240x128xf32, #tpu.memory_space<vmem_shared>> -> memref<10240x128xf32, #tpu.memory_space<vmem_shared>>
        tpu.wait_indirect_dma semaphore(%run_scoped3A_285 : memref<!tpu.dma_semaphore, #tpu.memory_space<semaphore_mem>>) src(%arg8 : memref<128x128xf32, #tpu.memory_space<vmem>>) dst(%dma_wait3A_297 : memref<10240x128xf32, #tpu.memory_space<vmem_shared>>)
        tpu.yield
      }) : () -> ()
      %dma_start3A_218 = arith.constant 5 : i32
      %dma_start3A_219 = arith.constant 0 : i32
      %dma_start3A_220 = tpu.memref_slice %arg5[%rem3A_116, %dma_start3A_218, %dma_start3A_219] : memref<2x6x128xi32, #tpu.memory_space<vmem>> -> memref<1x1x128xi32, #tpu.memory_space<vmem>>
      %dma_start3A_221 = tpu.memref_squeeze %dma_start3A_220 : memref<1x1x128xi32, #tpu.memory_space<vmem>> -> memref<128xi32, #tpu.memory_space<vmem>>
      %dma_start3A_222 = arith.constant 0 : i32
      %dma_start3A_223 = arith.constant 0 : i32
      %dma_start3A_224 = tpu.memref_slice %arg2[%dma_start3A_222, %dma_start3A_223] : memref<10240x128xf32, #tpu.memory_space<hbm>> -> memref<10240x128xf32, #tpu.memory_space<hbm>>
      tpu.enqueue_indirect_dma source(%dma_start3A_224 : memref<10240x128xf32, #tpu.memory_space<hbm>>) target(%arg8 : memref<128x128xf32, #tpu.memory_space<vmem>>) offsets(%dma_start3A_221 : memref<128xi32, #tpu.memory_space<vmem>>) semaphore(%arg11 : memref<!tpu.dma_semaphore, #tpu.memory_space<semaphore_mem>>)
      %dma_wait3A_225 = arith.constant 0 : i32
      %dma_wait3A_226 = arith.constant 0 : i32
      %dma_wait3A_227 = arith.constant 0 : i32
      %dma_wait3A_228 = tpu.memref_slice %arg5[%dma_wait3A_225, %dma_wait3A_226, %dma_wait3A_227] : memref<2x6x128xi32, #tpu.memory_space<vmem>> -> memref<1x1x128xi32, #tpu.memory_space<vmem>>
      %dma_wait3A_229 = tpu.memref_squeeze %dma_wait3A_228 : memref<1x1x128xi32, #tpu.memory_space<vmem>> -> memref<128xi32, #tpu.memory_space<vmem>>
      %dma_wait3A_230 = arith.constant 0 : i32
      %dma_wait3A_231 = arith.constant 0 : i32
      %dma_wait3A_232 = tpu.memref_slice %arg2[%dma_wait3A_230, %dma_wait3A_231] : memref<10240x128xf32, #tpu.memory_space<hbm>> -> memref<10240x128xf32, #tpu.memory_space<hbm>>
      tpu.wait_indirect_dma semaphore(%arg10 : memref<!tpu.dma_semaphore, #tpu.memory_space<semaphore_mem>>) src(%dma_wait3A_232 : memref<10240x128xf32, #tpu.memory_space<hbm>>) dst(%arg7 : memref<128x128xf32, #tpu.memory_space<vmem>>)
      %run_scoped3A_233 = arith.constant 4 : i32
      "tpu.region"() ({
        %run_scoped3A_285 = tpu.sem_alloc : memref<!tpu.dma_semaphore, #tpu.memory_space<semaphore_mem>>
        %dma_start3A_286 = arith.constant 0 : i32
        %dma_start3A_287 = tpu.memref_slice %arg6[%rem3A_116, %run_scoped3A_233, %dma_start3A_286] : memref<2x6x128xi32, #tpu.memory_space<vmem>> -> memref<1x1x128xi32, #tpu.memory_space<vmem>>
        %dma_start3A_288 = tpu.memref_squeeze %dma_start3A_287 : memref<1x1x128xi32, #tpu.memory_space<vmem>> -> memref<128xi32, #tpu.memory_space<vmem>>
        %dma_start3A_289 = arith.constant 0 : i32
        %dma_start3A_290 = arith.constant 0 : i32
        %dma_start3A_291 = tpu.memref_slice %arg9[%dma_start3A_289, %dma_start3A_290] : memref<10240x128xf32, #tpu.memory_space<vmem_shared>> -> memref<10240x128xf32, #tpu.memory_space<vmem_shared>>
        tpu.enqueue_indirect_dma source(%arg7 : memref<128x128xf32, #tpu.memory_space<vmem>>) target(%dma_start3A_291 : memref<10240x128xf32, #tpu.memory_space<vmem_shared>>) offsets(%dma_start3A_288 : memref<128xi32, #tpu.memory_space<vmem>>) semaphore(%run_scoped3A_285 : memref<!tpu.dma_semaphore, #tpu.memory_space<semaphore_mem>>) {add = true}
        %dma_wait3A_292 = arith.constant 0 : i32
        %dma_wait3A_293 = tpu.memref_slice %arg6[%rem3A_116, %run_scoped3A_233, %dma_wait3A_292] : memref<2x6x128xi32, #tpu.memory_space<vmem>> -> memref<1x1x128xi32, #tpu.memory_space<vmem>>
        %dma_wait3A_294 = tpu.memref_squeeze %dma_wait3A_293 : memref<1x1x128xi32, #tpu.memory_space<vmem>> -> memref<128xi32, #tpu.memory_space<vmem>>
        %dma_wait3A_295 = arith.constant 0 : i32
        %dma_wait3A_296 = arith.constant 0 : i32
        %dma_wait3A_297 = tpu.memref_slice %arg9[%dma_wait3A_295, %dma_wait3A_296] : memref<10240x128xf32, #tpu.memory_space<vmem_shared>> -> memref<10240x128xf32, #tpu.memory_space<vmem_shared>>
        tpu.wait_indirect_dma semaphore(%run_scoped3A_285 : memref<!tpu.dma_semaphore, #tpu.memory_space<semaphore_mem>>) src(%arg7 : memref<128x128xf32, #tpu.memory_space<vmem>>) dst(%dma_wait3A_297 : memref<10240x128xf32, #tpu.memory_space<vmem_shared>>)
        tpu.yield
      }) : () -> ()
      %dma_wait3A_234 = arith.constant 0 : i32
      %dma_wait3A_235 = arith.constant 0 : i32
      %dma_wait3A_236 = arith.constant 0 : i32
      %dma_wait3A_237 = tpu.memref_slice %arg5[%sub3A_117, %dma_wait3A_235, %dma_wait3A_236] : memref<2x6x128xi32, #tpu.memory_space<vmem>> -> memref<1x6x128xi32, #tpu.memory_space<vmem>>
      %dma_wait3A_238 = tpu.memref_squeeze %dma_wait3A_237 : memref<1x6x128xi32, #tpu.memory_space<vmem>> -> memref<6x128xi32, #tpu.memory_space<vmem>>
      %dma_wait3A_239 = arith.constant 0 : i32
      %dma_wait3A_240 = arith.constant 0 : i32
      %dma_wait3A_241 = tpu.memref_slice %arg3[%dma_wait3A_234, %dma_wait3A_239, %dma_wait3A_240] : memref<2x2500x128xi32, #tpu.memory_space<hbm>> -> memref<1x6x128xi32, #tpu.memory_space<hbm>>
      %dma_wait3A_242 = tpu.memref_squeeze %dma_wait3A_241 : memref<1x6x128xi32, #tpu.memory_space<hbm>> -> memref<6x128xi32, #tpu.memory_space<hbm>>
      %dma_wait3A_243 = arith.constant 0 : i32
      %dma_wait3A_244 = arith.constant 0 : i32
      %dma_wait3A_245 = tpu.memref_slice %arg5[%sub3A_117, %dma_wait3A_243, %dma_wait3A_244] : memref<2x6x128xi32, #tpu.memory_space<vmem>> -> memref<1x6x128xi32, #tpu.memory_space<vmem>>
      %dma_wait3A_246 = tpu.memref_squeeze %dma_wait3A_245 : memref<1x6x128xi32, #tpu.memory_space<vmem>> -> memref<6x128xi32, #tpu.memory_space<vmem>>
      %dma_wait3A_247 = arith.constant 0 : i32
      %dma_wait3A_248 = arith.constant 0 : i32
      %dma_wait3A_249 = tpu.memref_slice %arg3[%dma_wait3A_234, %dma_wait3A_247, %dma_wait3A_248] : memref<2x2500x128xi32, #tpu.memory_space<hbm>> -> memref<1x6x128xi32, #tpu.memory_space<hbm>>
      %dma_wait3A_250 = tpu.memref_squeeze %dma_wait3A_249 : memref<1x6x128xi32, #tpu.memory_space<hbm>> -> memref<6x128xi32, #tpu.memory_space<hbm>>
      tpu.wait_dma2 semaphore(%arg12 : memref<!tpu.dma_semaphore, #tpu.memory_space<semaphore_mem>>) src(%dma_wait3A_250 : memref<6x128xi32, #tpu.memory_space<hbm>>) dst(%dma_wait3A_246 : memref<6x128xi32, #tpu.memory_space<vmem>>)
      %dma_wait3A_251 = arith.constant 0 : i32
      %dma_wait3A_252 = arith.constant 0 : i32
      %dma_wait3A_253 = arith.constant 0 : i32
      %dma_wait3A_254 = tpu.memref_slice %arg6[%sub3A_117, %dma_wait3A_252, %dma_wait3A_253] : memref<2x6x128xi32, #tpu.memory_space<vmem>> -> memref<1x6x128xi32, #tpu.memory_space<vmem>>
      %dma_wait3A_255 = tpu.memref_squeeze %dma_wait3A_254 : memref<1x6x128xi32, #tpu.memory_space<vmem>> -> memref<6x128xi32, #tpu.memory_space<vmem>>
      %dma_wait3A_256 = arith.constant 0 : i32
      %dma_wait3A_257 = arith.constant 0 : i32
      %dma_wait3A_258 = tpu.memref_slice %arg3[%dma_wait3A_251, %dma_wait3A_256, %dma_wait3A_257] : memref<2x2500x128xi32, #tpu.memory_space<hbm>> -> memref<1x6x128xi32, #tpu.memory_space<hbm>>
      %dma_wait3A_259 = tpu.memref_squeeze %dma_wait3A_258 : memref<1x6x128xi32, #tpu.memory_space<hbm>> -> memref<6x128xi32, #tpu.memory_space<hbm>>
      %dma_wait3A_260 = arith.constant 0 : i32
      %dma_wait3A_261 = arith.constant 0 : i32
      %dma_wait3A_262 = tpu.memref_slice %arg6[%sub3A_117, %dma_wait3A_260, %dma_wait3A_261] : memref<2x6x128xi32, #tpu.memory_space<vmem>> -> memref<1x6x128xi32, #tpu.memory_space<vmem>>
      %dma_wait3A_263 = tpu.memref_squeeze %dma_wait3A_262 : memref<1x6x128xi32, #tpu.memory_space<vmem>> -> memref<6x128xi32, #tpu.memory_space<vmem>>
      %dma_wait3A_264 = arith.constant 0 : i32
      %dma_wait3A_265 = arith.constant 0 : i32
      %dma_wait3A_266 = tpu.memref_slice %arg3[%dma_wait3A_251, %dma_wait3A_264, %dma_wait3A_265] : memref<2x2500x128xi32, #tpu.memory_space<hbm>> -> memref<1x6x128xi32, #tpu.memory_space<hbm>>
      %dma_wait3A_267 = tpu.memref_squeeze %dma_wait3A_266 : memref<1x6x128xi32, #tpu.memory_space<hbm>> -> memref<6x128xi32, #tpu.memory_space<hbm>>
      tpu.wait_dma2 semaphore(%arg12 : memref<!tpu.dma_semaphore, #tpu.memory_space<semaphore_mem>>) src(%dma_wait3A_267 : memref<6x128xi32, #tpu.memory_space<hbm>>) dst(%dma_wait3A_263 : memref<6x128xi32, #tpu.memory_space<vmem>>)
      %dma_start3A_268 = arith.constant 0 : i32
      %dma_start3A_269 = arith.constant 0 : i32
      %dma_start3A_270 = tpu.memref_slice %arg5[%sub3A_117, %dma_start3A_268, %dma_start3A_269] : memref<2x6x128xi32, #tpu.memory_space<vmem>> -> memref<1x1x128xi32, #tpu.memory_space<vmem>>
      %dma_start3A_271 = tpu.memref_squeeze %dma_start3A_270 : memref<1x1x128xi32, #tpu.memory_space<vmem>> -> memref<128xi32, #tpu.memory_space<vmem>>
      %dma_start3A_272 = arith.constant 0 : i32
      %dma_start3A_273 = arith.constant 0 : i32
      %dma_start3A_274 = tpu.memref_slice %arg2[%dma_start3A_272, %dma_start3A_273] : memref<10240x128xf32, #tpu.memory_space<hbm>> -> memref<10240x128xf32, #tpu.memory_space<hbm>>
      tpu.enqueue_indirect_dma source(%dma_start3A_274 : memref<10240x128xf32, #tpu.memory_space<hbm>>) target(%arg7 : memref<128x128xf32, #tpu.memory_space<vmem>>) offsets(%dma_start3A_271 : memref<128xi32, #tpu.memory_space<vmem>>) semaphore(%arg10 : memref<!tpu.dma_semaphore, #tpu.memory_space<semaphore_mem>>)
      %dma_wait3A_275 = arith.constant 0 : i32
      %dma_wait3A_276 = arith.constant 0 : i32
      %dma_wait3A_277 = arith.constant 0 : i32
      %dma_wait3A_278 = tpu.memref_slice %arg5[%dma_wait3A_275, %dma_wait3A_276, %dma_wait3A_277] : memref<2x6x128xi32, #tpu.memory_space<vmem>> -> memref<1x1x128xi32, #tpu.memory_space<vmem>>
      %dma_wait3A_279 = tpu.memref_squeeze %dma_wait3A_278 : memref<1x1x128xi32, #tpu.memory_space<vmem>> -> memref<128xi32, #tpu.memory_space<vmem>>
      %dma_wait3A_280 = arith.constant 0 : i32
      %dma_wait3A_281 = arith.constant 0 : i32
      %dma_wait3A_282 = tpu.memref_slice %arg2[%dma_wait3A_280, %dma_wait3A_281] : memref<10240x128xf32, #tpu.memory_space<hbm>> -> memref<10240x128xf32, #tpu.memory_space<hbm>>
      tpu.wait_indirect_dma semaphore(%arg11 : memref<!tpu.dma_semaphore, #tpu.memory_space<semaphore_mem>>) src(%dma_wait3A_282 : memref<10240x128xf32, #tpu.memory_space<hbm>>) dst(%arg8 : memref<128x128xf32, #tpu.memory_space<vmem>>)
      %run_scoped3A_283 = arith.constant 5 : i32
      "tpu.region"() ({
        %run_scoped3A_285 = tpu.sem_alloc : memref<!tpu.dma_semaphore, #tpu.memory_space<semaphore_mem>>
        %dma_start3A_286 = arith.constant 0 : i32
        %dma_start3A_287 = tpu.memref_slice %arg6[%rem3A_116, %run_scoped3A_283, %dma_start3A_286] : memref<2x6x128xi32, #tpu.memory_space<vmem>> -> memref<1x1x128xi32, #tpu.memory_space<vmem>>
        %dma_start3A_288 = tpu.memref_squeeze %dma_start3A_287 : memref<1x1x128xi32, #tpu.memory_space<vmem>> -> memref<128xi32, #tpu.memory_space<vmem>>
        %dma_start3A_289 = arith.constant 0 : i32
        %dma_start3A_290 = arith.constant 0 : i32
        %dma_start3A_291 = tpu.memref_slice %arg9[%dma_start3A_289, %dma_start3A_290] : memref<10240x128xf32, #tpu.memory_space<vmem_shared>> -> memref<10240x128xf32, #tpu.memory_space<vmem_shared>>
        tpu.enqueue_indirect_dma source(%arg8 : memref<128x128xf32, #tpu.memory_space<vmem>>) target(%dma_start3A_291 : memref<10240x128xf32, #tpu.memory_space<vmem_shared>>) offsets(%dma_start3A_288 : memref<128xi32, #tpu.memory_space<vmem>>) semaphore(%run_scoped3A_285 : memref<!tpu.dma_semaphore, #tpu.memory_space<semaphore_mem>>) {add = true}
        %dma_wait3A_292 = arith.constant 0 : i32
        %dma_wait3A_293 = tpu.memref_slice %arg6[%rem3A_116, %run_scoped3A_283, %dma_wait3A_292] : memref<2x6x128xi32, #tpu.memory_space<vmem>> -> memref<1x1x128xi32, #tpu.memory_space<vmem>>
        %dma_wait3A_294 = tpu.memref_squeeze %dma_wait3A_293 : memref<1x1x128xi32, #tpu.memory_space<vmem>> -> memref<128xi32, #tpu.memory_space<vmem>>
        %dma_wait3A_295 = arith.constant 0 : i32
        %dma_wait3A_296 = arith.constant 0 : i32
        %dma_wait3A_297 = tpu.memref_slice %arg9[%dma_wait3A_295, %dma_wait3A_296] : memref<10240x128xf32, #tpu.memory_space<vmem_shared>> -> memref<10240x128xf32, #tpu.memory_space<vmem_shared>>
        tpu.wait_indirect_dma semaphore(%run_scoped3A_285 : memref<!tpu.dma_semaphore, #tpu.memory_space<semaphore_mem>>) src(%arg8 : memref<128x128xf32, #tpu.memory_space<vmem>>) dst(%dma_wait3A_297 : memref<10240x128xf32, #tpu.memory_space<vmem_shared>>)
        tpu.yield
      }) : () -> ()
      %scan3A_284 = arith.constant 0 : i32
      scf.yield %scan3A_284 : i32
    }
    %scan3A_102 = arith.constant 13 : i32
    %dma_wait3A_103 = arith.constant 0 : i32
    %dma_wait3A_104 = arith.constant 0 : i32
    %dma_wait3A_105 = arith.constant 0 : i32
    %dma_wait3A_106 = tpu.memref_slice %arg5[%dma_wait3A_103, %dma_wait3A_104, %dma_wait3A_105] : memref<2x6x128xi32, #tpu.memory_space<vmem>> -> memref<1x1x128xi32, #tpu.memory_space<vmem>>
    %dma_wait3A_107 = tpu.memref_squeeze %dma_wait3A_106 : memref<1x1x128xi32, #tpu.memory_space<vmem>> -> memref<128xi32, #tpu.memory_space<vmem>>
    %dma_wait3A_108 = arith.constant 0 : i32
    %dma_wait3A_109 = arith.constant 0 : i32
    %dma_wait3A_110 = tpu.memref_slice %arg2[%dma_wait3A_108, %dma_wait3A_109] : memref<10240x128xf32, #tpu.memory_space<hbm>> -> memref<10240x128xf32, #tpu.memory_space<hbm>>
    tpu.wait_indirect_dma semaphore(%arg10 : memref<!tpu.dma_semaphore, #tpu.memory_space<semaphore_mem>>) src(%dma_wait3A_110 : memref<10240x128xf32, #tpu.memory_space<hbm>>) dst(%arg7 : memref<128x128xf32, #tpu.memory_space<vmem>>)
    %lt3A = arith.constant 4 : i32
    %lt3A_111 = arith.cmpi slt, %add3A, %lt3A : i32
    %convert_element_type3A = arith.extui %lt3A_111 : i1 to i32
    %cond3A = arith.constant 0 : i32
    %cond3A_112 = arith.cmpi ne, %convert_element_type3A, %cond3A : i32
    scf.if %cond3A_112 {
      %add3A_114 = arith.constant 78 : i32
      %add3A_115 = arith.addi %add3A_4, %add3A_114 : i32
      %dma_start3A_116 = arith.constant 0 : i32
      %dma_start3A_117 = arith.constant 0 : i32
      %dma_start3A_118 = arith.constant 0 : i32
      %dma_start3A_119 = arith.constant 0 : i32
      %dma_start3A_120 = tpu.memref_slice %arg5[%dma_start3A_117, %dma_start3A_118, %dma_start3A_119] : memref<2x6x128xi32, #tpu.memory_space<vmem>> -> memref<1x1x128xi32, #tpu.memory_space<vmem>>
      %dma_start3A_121 = tpu.memref_squeeze %dma_start3A_120 : memref<1x1x128xi32, #tpu.memory_space<vmem>> -> memref<1x128xi32, #tpu.memory_space<vmem>>
      %dma_start3A_122 = arith.constant 0 : i32
      %dma_start3A_123 = tpu.memref_slice %arg3[%dma_start3A_116, %add3A_115, %dma_start3A_122] : memref<2x2500x128xi32, #tpu.memory_space<hbm>> -> memref<1x1x128xi32, #tpu.memory_space<hbm>>
      %dma_start3A_124 = tpu.memref_squeeze %dma_start3A_123 : memref<1x1x128xi32, #tpu.memory_space<hbm>> -> memref<1x128xi32, #tpu.memory_space<hbm>>
      %dma_start3A_125 = arith.constant 0 : i32
      %dma_start3A_126 = arith.constant 0 : i32
      %dma_start3A_127 = tpu.memref_slice %arg5[%dma_start3A_117, %dma_start3A_125, %dma_start3A_126] : memref<2x6x128xi32, #tpu.memory_space<vmem>> -> memref<1x1x128xi32, #tpu.memory_space<vmem>>
      %dma_start3A_128 = tpu.memref_squeeze %dma_start3A_127 : memref<1x1x128xi32, #tpu.memory_space<vmem>> -> memref<1x128xi32, #tpu.memory_space<vmem>>
      %dma_start3A_129 = arith.constant 0 : i32
      %dma_start3A_130 = tpu.memref_slice %arg3[%dma_start3A_116, %add3A_115, %dma_start3A_129] : memref<2x2500x128xi32, #tpu.memory_space<hbm>> -> memref<1x1x128xi32, #tpu.memory_space<hbm>>
      %dma_start3A_131 = tpu.memref_squeeze %dma_start3A_130 : memref<1x1x128xi32, #tpu.memory_space<hbm>> -> memref<1x128xi32, #tpu.memory_space<hbm>>
      tpu.enqueue_dma source(%dma_start3A_131 : memref<1x128xi32, #tpu.memory_space<hbm>>) target(%dma_start3A_128 : memref<1x128xi32, #tpu.memory_space<vmem>>) target_semaphore(%arg12 : memref<!tpu.dma_semaphore, #tpu.memory_space<semaphore_mem>>)
      %dma_start3A_132 = arith.constant 1 : i32
      %dma_start3A_133 = arith.constant 0 : i32
      %dma_start3A_134 = arith.constant 0 : i32
      %dma_start3A_135 = arith.constant 0 : i32
      %dma_start3A_136 = tpu.memref_slice %arg6[%dma_start3A_133, %dma_start3A_134, %dma_start3A_135] : memref<2x6x128xi32, #tpu.memory_space<vmem>> -> memref<1x1x128xi32, #tpu.memory_space<vmem>>
      %dma_start3A_137 = tpu.memref_squeeze %dma_start3A_136 : memref<1x1x128xi32, #tpu.memory_space<vmem>> -> memref<1x128xi32, #tpu.memory_space<vmem>>
      %dma_start3A_138 = arith.constant 0 : i32
      %dma_start3A_139 = tpu.memref_slice %arg3[%dma_start3A_132, %add3A_115, %dma_start3A_138] : memref<2x2500x128xi32, #tpu.memory_space<hbm>> -> memref<1x1x128xi32, #tpu.memory_space<hbm>>
      %dma_start3A_140 = tpu.memref_squeeze %dma_start3A_139 : memref<1x1x128xi32, #tpu.memory_space<hbm>> -> memref<1x128xi32, #tpu.memory_space<hbm>>
      %dma_start3A_141 = arith.constant 0 : i32
      %dma_start3A_142 = arith.constant 0 : i32
      %dma_start3A_143 = tpu.memref_slice %arg6[%dma_start3A_133, %dma_start3A_141, %dma_start3A_142] : memref<2x6x128xi32, #tpu.memory_space<vmem>> -> memref<1x1x128xi32, #tpu.memory_space<vmem>>
      %dma_start3A_144 = tpu.memref_squeeze %dma_start3A_143 : memref<1x1x128xi32, #tpu.memory_space<vmem>> -> memref<1x128xi32, #tpu.memory_space<vmem>>
      %dma_start3A_145 = arith.constant 0 : i32
      %dma_start3A_146 = tpu.memref_slice %arg3[%dma_start3A_132, %add3A_115, %dma_start3A_145] : memref<2x2500x128xi32, #tpu.memory_space<hbm>> -> memref<1x1x128xi32, #tpu.memory_space<hbm>>
      %dma_start3A_147 = tpu.memref_squeeze %dma_start3A_146 : memref<1x1x128xi32, #tpu.memory_space<hbm>> -> memref<1x128xi32, #tpu.memory_space<hbm>>
      tpu.enqueue_dma source(%dma_start3A_147 : memref<1x128xi32, #tpu.memory_space<hbm>>) target(%dma_start3A_144 : memref<1x128xi32, #tpu.memory_space<vmem>>) target_semaphore(%arg12 : memref<!tpu.dma_semaphore, #tpu.memory_space<semaphore_mem>>)
      %dma_wait3A_148 = arith.constant 0 : i32
      %dma_wait3A_149 = arith.constant 0 : i32
      %dma_wait3A_150 = arith.constant 0 : i32
      %dma_wait3A_151 = arith.constant 0 : i32
      %dma_wait3A_152 = tpu.memref_slice %arg5[%dma_wait3A_149, %dma_wait3A_150, %dma_wait3A_151] : memref<2x6x128xi32, #tpu.memory_space<vmem>> -> memref<1x1x128xi32, #tpu.memory_space<vmem>>
      %dma_wait3A_153 = tpu.memref_squeeze %dma_wait3A_152 : memref<1x1x128xi32, #tpu.memory_space<vmem>> -> memref<1x128xi32, #tpu.memory_space<vmem>>
      %dma_wait3A_154 = arith.constant 0 : i32
      %dma_wait3A_155 = arith.constant 0 : i32
      %dma_wait3A_156 = tpu.memref_slice %arg3[%dma_wait3A_148, %dma_wait3A_154, %dma_wait3A_155] : memref<2x2500x128xi32, #tpu.memory_space<hbm>> -> memref<1x1x128xi32, #tpu.memory_space<hbm>>
      %dma_wait3A_157 = tpu.memref_squeeze %dma_wait3A_156 : memref<1x1x128xi32, #tpu.memory_space<hbm>> -> memref<1x128xi32, #tpu.memory_space<hbm>>
      %dma_wait3A_158 = arith.constant 0 : i32
      %dma_wait3A_159 = arith.constant 0 : i32
      %dma_wait3A_160 = tpu.memref_slice %arg5[%dma_wait3A_149, %dma_wait3A_158, %dma_wait3A_159] : memref<2x6x128xi32, #tpu.memory_space<vmem>> -> memref<1x1x128xi32, #tpu.memory_space<vmem>>
      %dma_wait3A_161 = tpu.memref_squeeze %dma_wait3A_160 : memref<1x1x128xi32, #tpu.memory_space<vmem>> -> memref<1x128xi32, #tpu.memory_space<vmem>>
      %dma_wait3A_162 = arith.constant 0 : i32
      %dma_wait3A_163 = arith.constant 0 : i32
      %dma_wait3A_164 = tpu.memref_slice %arg3[%dma_wait3A_148, %dma_wait3A_162, %dma_wait3A_163] : memref<2x2500x128xi32, #tpu.memory_space<hbm>> -> memref<1x1x128xi32, #tpu.memory_space<hbm>>
      %dma_wait3A_165 = tpu.memref_squeeze %dma_wait3A_164 : memref<1x1x128xi32, #tpu.memory_space<hbm>> -> memref<1x128xi32, #tpu.memory_space<hbm>>
      tpu.wait_dma2 semaphore(%arg12 : memref<!tpu.dma_semaphore, #tpu.memory_space<semaphore_mem>>) src(%dma_wait3A_165 : memref<1x128xi32, #tpu.memory_space<hbm>>) dst(%dma_wait3A_161 : memref<1x128xi32, #tpu.memory_space<vmem>>)
      %dma_wait3A_166 = arith.constant 0 : i32
      %dma_wait3A_167 = arith.constant 0 : i32
      %dma_wait3A_168 = arith.constant 0 : i32
      %dma_wait3A_169 = arith.constant 0 : i32
      %dma_wait3A_170 = tpu.memref_slice %arg6[%dma_wait3A_167, %dma_wait3A_168, %dma_wait3A_169] : memref<2x6x128xi32, #tpu.memory_space<vmem>> -> memref<1x1x128xi32, #tpu.memory_space<vmem>>
      %dma_wait3A_171 = tpu.memref_squeeze %dma_wait3A_170 : memref<1x1x128xi32, #tpu.memory_space<vmem>> -> memref<1x128xi32, #tpu.memory_space<vmem>>
      %dma_wait3A_172 = arith.constant 0 : i32
      %dma_wait3A_173 = arith.constant 0 : i32
      %dma_wait3A_174 = tpu.memref_slice %arg3[%dma_wait3A_166, %dma_wait3A_172, %dma_wait3A_173] : memref<2x2500x128xi32, #tpu.memory_space<hbm>> -> memref<1x1x128xi32, #tpu.memory_space<hbm>>
      %dma_wait3A_175 = tpu.memref_squeeze %dma_wait3A_174 : memref<1x1x128xi32, #tpu.memory_space<hbm>> -> memref<1x128xi32, #tpu.memory_space<hbm>>
      %dma_wait3A_176 = arith.constant 0 : i32
      %dma_wait3A_177 = arith.constant 0 : i32
      %dma_wait3A_178 = tpu.memref_slice %arg6[%dma_wait3A_167, %dma_wait3A_176, %dma_wait3A_177] : memref<2x6x128xi32, #tpu.memory_space<vmem>> -> memref<1x1x128xi32, #tpu.memory_space<vmem>>
      %dma_wait3A_179 = tpu.memref_squeeze %dma_wait3A_178 : memref<1x1x128xi32, #tpu.memory_space<vmem>> -> memref<1x128xi32, #tpu.memory_space<vmem>>
      %dma_wait3A_180 = arith.constant 0 : i32
      %dma_wait3A_181 = arith.constant 0 : i32
      %dma_wait3A_182 = tpu.memref_slice %arg3[%dma_wait3A_166, %dma_wait3A_180, %dma_wait3A_181] : memref<2x2500x128xi32, #tpu.memory_space<hbm>> -> memref<1x1x128xi32, #tpu.memory_space<hbm>>
      %dma_wait3A_183 = tpu.memref_squeeze %dma_wait3A_182 : memref<1x1x128xi32, #tpu.memory_space<hbm>> -> memref<1x128xi32, #tpu.memory_space<hbm>>
      tpu.wait_dma2 semaphore(%arg12 : memref<!tpu.dma_semaphore, #tpu.memory_space<semaphore_mem>>) src(%dma_wait3A_183 : memref<1x128xi32, #tpu.memory_space<hbm>>) dst(%dma_wait3A_179 : memref<1x128xi32, #tpu.memory_space<vmem>>)
      %dma_start3A_184 = arith.constant 0 : i32
      %dma_start3A_185 = arith.constant 0 : i32
      %dma_start3A_186 = arith.constant 0 : i32
      %dma_start3A_187 = tpu.memref_slice %arg5[%dma_start3A_184, %dma_start3A_185, %dma_start3A_186] : memref<2x6x128xi32, #tpu.memory_space<vmem>> -> memref<1x1x128xi32, #tpu.memory_space<vmem>>
      %dma_start3A_188 = tpu.memref_squeeze %dma_start3A_187 : memref<1x1x128xi32, #tpu.memory_space<vmem>> -> memref<128xi32, #tpu.memory_space<vmem>>
      %dma_start3A_189 = arith.constant 0 : i32
      %dma_start3A_190 = arith.constant 0 : i32
      %dma_start3A_191 = tpu.memref_slice %arg2[%dma_start3A_189, %dma_start3A_190] : memref<10240x128xf32, #tpu.memory_space<hbm>> -> memref<10240x128xf32, #tpu.memory_space<hbm>>
      tpu.enqueue_indirect_dma source(%dma_start3A_191 : memref<10240x128xf32, #tpu.memory_space<hbm>>) target(%arg7 : memref<128x128xf32, #tpu.memory_space<vmem>>) offsets(%dma_start3A_188 : memref<128xi32, #tpu.memory_space<vmem>>) semaphore(%arg10 : memref<!tpu.dma_semaphore, #tpu.memory_space<semaphore_mem>>)
      %dma_wait3A_192 = arith.constant 0 : i32
      %dma_wait3A_193 = arith.constant 0 : i32
      %dma_wait3A_194 = arith.constant 0 : i32
      %dma_wait3A_195 = tpu.memref_slice %arg5[%dma_wait3A_192, %dma_wait3A_193, %dma_wait3A_194] : memref<2x6x128xi32, #tpu.memory_space<vmem>> -> memref<1x1x128xi32, #tpu.memory_space<vmem>>
      %dma_wait3A_196 = tpu.memref_squeeze %dma_wait3A_195 : memref<1x1x128xi32, #tpu.memory_space<vmem>> -> memref<128xi32, #tpu.memory_space<vmem>>
      %dma_wait3A_197 = arith.constant 0 : i32
      %dma_wait3A_198 = arith.constant 0 : i32
      %dma_wait3A_199 = tpu.memref_slice %arg2[%dma_wait3A_197, %dma_wait3A_198] : memref<10240x128xf32, #tpu.memory_space<hbm>> -> memref<10240x128xf32, #tpu.memory_space<hbm>>
      tpu.wait_indirect_dma semaphore(%arg10 : memref<!tpu.dma_semaphore, #tpu.memory_space<semaphore_mem>>) src(%dma_wait3A_199 : memref<10240x128xf32, #tpu.memory_space<hbm>>) dst(%arg7 : memref<128x128xf32, #tpu.memory_space<vmem>>)
      %run_scoped3A = arith.constant 0 : i32
      %run_scoped3A_200 = arith.constant 0 : i32
      "tpu.region"() ({
        %run_scoped3A_201 = tpu.sem_alloc : memref<!tpu.dma_semaphore, #tpu.memory_space<semaphore_mem>>
        %dma_start3A_202 = arith.constant 0 : i32
        %dma_start3A_203 = tpu.memref_slice %arg6[%run_scoped3A, %run_scoped3A_200, %dma_start3A_202] : memref<2x6x128xi32, #tpu.memory_space<vmem>> -> memref<1x1x128xi32, #tpu.memory_space<vmem>>
        %dma_start3A_204 = tpu.memref_squeeze %dma_start3A_203 : memref<1x1x128xi32, #tpu.memory_space<vmem>> -> memref<128xi32, #tpu.memory_space<vmem>>
        %dma_start3A_205 = arith.constant 0 : i32
        %dma_start3A_206 = arith.constant 0 : i32
        %dma_start3A_207 = tpu.memref_slice %arg9[%dma_start3A_205, %dma_start3A_206] : memref<10240x128xf32, #tpu.memory_space<vmem_shared>> -> memref<10240x128xf32, #tpu.memory_space<vmem_shared>>
        tpu.enqueue_indirect_dma source(%arg7 : memref<128x128xf32, #tpu.memory_space<vmem>>) target(%dma_start3A_207 : memref<10240x128xf32, #tpu.memory_space<vmem_shared>>) offsets(%dma_start3A_204 : memref<128xi32, #tpu.memory_space<vmem>>) semaphore(%run_scoped3A_201 : memref<!tpu.dma_semaphore, #tpu.memory_space<semaphore_mem>>) {add = true}
        %dma_wait3A_208 = arith.constant 0 : i32
        %dma_wait3A_209 = tpu.memref_slice %arg6[%run_scoped3A, %run_scoped3A_200, %dma_wait3A_208] : memref<2x6x128xi32, #tpu.memory_space<vmem>> -> memref<1x1x128xi32, #tpu.memory_space<vmem>>
        %dma_wait3A_210 = tpu.memref_squeeze %dma_wait3A_209 : memref<1x1x128xi32, #tpu.memory_space<vmem>> -> memref<128xi32, #tpu.memory_space<vmem>>
        %dma_wait3A_211 = arith.constant 0 : i32
        %dma_wait3A_212 = arith.constant 0 : i32
        %dma_wait3A_213 = tpu.memref_slice %arg9[%dma_wait3A_211, %dma_wait3A_212] : memref<10240x128xf32, #tpu.memory_space<vmem_shared>> -> memref<10240x128xf32, #tpu.memory_space<vmem_shared>>
        tpu.wait_indirect_dma semaphore(%run_scoped3A_201 : memref<!tpu.dma_semaphore, #tpu.memory_space<semaphore_mem>>) src(%arg7 : memref<128x128xf32, #tpu.memory_space<vmem>>) dst(%dma_wait3A_213 : memref<10240x128xf32, #tpu.memory_space<vmem_shared>>)
        tpu.yield
      }) : () -> ()
    } else {
    }
    %barrier3A_113 = arith.constant 0 : index
    tpu.barrier barrier_id(%barrier3A_113)
    "tpu.region"() ({
      %run_scoped3A = tpu.sem_alloc : memref<!tpu.dma_semaphore, #tpu.memory_space<semaphore_mem>>
      %dma_start3A_114 = arith.constant 0 : i32
      %dma_start3A_115 = tpu.memref_slice %arg4[%arg0, %mul3A_12, %dma_start3A_114] : memref<2x10240x128xf32, #tpu.memory_space<hbm>> -> memref<1x640x128xf32, #tpu.memory_space<hbm>>
      %dma_start3A_116 = tpu.memref_squeeze %dma_start3A_115 : memref<1x640x128xf32, #tpu.memory_space<hbm>> -> memref<640x128xf32, #tpu.memory_space<hbm>>
      %dma_start3A_117 = arith.constant 0 : i32
      %dma_start3A_118 = tpu.memref_slice %arg9[%mul3A_12, %dma_start3A_117] : memref<10240x128xf32, #tpu.memory_space<vmem_shared>> -> memref<640x128xf32, #tpu.memory_space<vmem_shared>>
      tpu.enqueue_dma source(%dma_start3A_118 : memref<640x128xf32, #tpu.memory_space<vmem_shared>>) target(%dma_start3A_116 : memref<640x128xf32, #tpu.memory_space<hbm>>) target_semaphore(%run_scoped3A : memref<!tpu.dma_semaphore, #tpu.memory_space<semaphore_mem>>)
      %dma_wait3A_119 = arith.constant 0 : i32
      %dma_wait3A_120 = tpu.memref_slice %arg4[%arg0, %mul3A_12, %dma_wait3A_119] : memref<2x10240x128xf32, #tpu.memory_space<hbm>> -> memref<1x640x128xf32, #tpu.memory_space<hbm>>
      %dma_wait3A_121 = tpu.memref_squeeze %dma_wait3A_120 : memref<1x640x128xf32, #tpu.memory_space<hbm>> -> memref<640x128xf32, #tpu.memory_space<hbm>>
      %dma_wait3A_122 = arith.constant 0 : i32
      %dma_wait3A_123 = tpu.memref_slice %arg9[%mul3A_12, %dma_wait3A_122] : memref<10240x128xf32, #tpu.memory_space<vmem_shared>> -> memref<640x128xf32, #tpu.memory_space<vmem_shared>>
      tpu.wait_dma2 semaphore(%run_scoped3A : memref<!tpu.dma_semaphore, #tpu.memory_space<semaphore_mem>>) src(%dma_wait3A_123 : memref<640x128xf32, #tpu.memory_space<vmem_shared>>) dst(%dma_wait3A_121 : memref<640x128xf32, #tpu.memory_space<hbm>>)
      tpu.yield
    }) : () -> ()
    return
  }
}

module attributes {stable_mosaic.version = 14 : i64} {
  func.func @body(%arg0: i32, %arg1: memref<32x1024xf32, #tpu.memory_space<vmem>>, %arg2: memref<1024x128xf32, #tpu.memory_space<vmem>>, %arg3: memref<1024x8xf32, #tpu.memory_space<vmem>>, %arg4: memref<1024x128xf32, #tpu.memory_space<vmem>>) attributes {dimension_semantics = [#tpu.dimension_semantics<arbitrary>], iteration_bounds = array<i64: 10>, scalar_prefetch = 0 : i64, scratch_operands = 0 : i64, tpu.core_type = #tpu.core_type<tc>, window_params = [{transform_indices = @transform_0, window_bounds = array<i64: 32, 1024>}, {transform_indices = @transform_1, window_bounds = array<i64: 1024, 128>}, {transform_indices = @transform_2, window_bounds = array<i64: 1024, 8>}, {transform_indices = @transform_3, window_bounds = array<i64: 1024, 128>}]} {
    %get3A = arith.constant 0 : index
    %get3A_0 = arith.constant 0 : index
    %get3A_1 = vector.load %arg1[%get3A, %get3A_0] : memref<32x1024xf32, #tpu.memory_space<vmem>>, vector<32x1024xf32>
    %reduce_sum3A = arith.constant dense<0.000000e+00> : vector<1024xf32>
    %reduce_sum3A_2 = vector.multi_reduction <add>, %get3A_1, %reduce_sum3A [0] : vector<32x1024xf32> to vector<1024xf32>
    %broadcast_in_dim3A = vector.shape_cast %reduce_sum3A_2 : vector<1024xf32> to vector<1x1024xf32>
    %add3A = arith.constant 1.000000e+00 : f32
    %add3A_3 = vector.broadcast %add3A : f32 to vector<1x1024xf32>
    %add3A_4 = arith.addf %broadcast_in_dim3A, %add3A_3 : vector<1x1024xf32>
    %rsqrt3A = math.rsqrt %add3A_4 : vector<1x1024xf32>
    %iota3A = tpu.iota {dimensions = array<i32: 0>} : vector<1024x1024xi32>
    %iota3A_5 = tpu.iota {dimensions = array<i32: 1>} : vector<1024x1024xi32>
    %broadcast_in_dim3A_6 = vector.shape_cast %rsqrt3A : vector<1x1024xf32> to vector<1x1024xf32>
    %broadcast_in_dim3A_7 = vector.broadcast %broadcast_in_dim3A_6 : vector<1x1024xf32> to vector<1024x1024xf32>
    %eq3A = arith.cmpi eq, %iota3A, %iota3A_5 : vector<1024x1024xi32>
    %jit3A = arith.constant 0.000000e+00 : f32
    %broadcast_in_dim3A_8 = vector.broadcast %jit3A : f32 to vector<1024x1024xf32>
    %select_n3A = arith.select %eq3A, %broadcast_in_dim3A_7, %broadcast_in_dim3A_8 : vector<1024x1024xi1>, vector<1024x1024xf32>
    %broadcast_in_dim3A_9 = arith.constant 1.000000e+00 : f32
    %broadcast_in_dim3A_10 = vector.broadcast %broadcast_in_dim3A_9 : f32 to vector<1024x8xf32>
    %dot_general3A = arith.constant dense<0.000000e+00> : vector<1024x8xf32>
    %dot_general3A_11 = tpu.matmul %select_n3A, %broadcast_in_dim3A_10, %dot_general3A {dimension_numbers = #tpu.dot_dimension_numbers<[1], [0], [0], [1], [0, 0, 1, 1], [], []>, transpose_lhs_hint = false} : vector<1024x1024xf32>, vector<1024x8xf32>, vector<1024x8xf32> -> vector<1024x8xf32>
    %swap3A = arith.constant 0 : index
    %swap3A_12 = arith.constant 0 : index
    %swap3A_13 = vector.load %arg3[%swap3A, %swap3A_12] : memref<1024x8xf32, #tpu.memory_space<vmem>>, vector<1024x8xf32>
    tpu.vector_store %arg3[%swap3A, %swap3A_12], %dot_general3A_11 {strides = array<i32>} : memref<1024x8xf32, #tpu.memory_space<vmem>>, vector<1024x8xf32>,
    %get3A_14 = arith.constant 0 : index
    %get3A_15 = arith.constant 0 : index
    %get3A_16 = vector.load %arg2[%get3A_14, %get3A_15] : memref<1024x128xf32, #tpu.memory_space<vmem>>, vector<1024x128xf32>
    %slice3A = vector.extract_strided_slice %dot_general3A_11 {offsets = [0, 0], sizes = [1024, 1], strides = [1, 1]} : vector<1024x8xf32> to vector<1024x1xf32>
    %mul3A = vector.broadcast %slice3A : vector<1024x1xf32> to vector<1024x128xf32>
    %mul3A_17 = arith.mulf %get3A_16, %mul3A : vector<1024x128xf32>
    %swap3A_18 = arith.constant 0 : index
    %swap3A_19 = arith.constant 0 : index
    %swap3A_20 = vector.load %arg4[%swap3A_18, %swap3A_19] : memref<1024x128xf32, #tpu.memory_space<vmem>>, vector<1024x128xf32>
    tpu.vector_store %arg4[%swap3A_18, %swap3A_19], %mul3A_17 {strides = array<i32>} : memref<1024x128xf32, #tpu.memory_space<vmem>>, vector<1024x128xf32>,
    return
  }
  func.func @transform_0(%arg0: i32) -> (i32, i32) {
    %c0_i32 = arith.constant 0 : i32
    %c0_i32_0 = arith.constant 0 : i32
    return %c0_i32, %arg0 : i32, i32
  }
  func.func @transform_1(%arg0: i32) -> (i32, i32) {
    %c0_i32 = arith.constant 0 : i32
    %c0_i32_0 = arith.constant 0 : i32
    return %arg0, %c0_i32 : i32, i32
  }
  func.func @transform_2(%arg0: i32) -> (i32, i32) {
    %c0_i32 = arith.constant 0 : i32
    %c0_i32_0 = arith.constant 0 : i32
    return %arg0, %c0_i32 : i32, i32
  }
  func.func @transform_3(%arg0: i32) -> (i32, i32) {
    %c0_i32 = arith.constant 0 : i32
    %c0_i32_0 = arith.constant 0 : i32
    return %arg0, %c0_i32 : i32, i32
  }
}

module attributes {stable_mosaic.version = 14 : i64} {
  func.func @body(%arg0: i32, %arg1: memref<2x1024x128xf32, #tpu.memory_space<vmem>>, %arg2: memref<1024x128xf32, #tpu.memory_space<vmem>>, %arg3: memref<1024x8xf32, #tpu.memory_space<vmem>>, %arg4: memref<128x256xf32, #tpu.memory_space<vmem>>, %arg5: memref<1x256xf32, #tpu.memory_space<vmem>>, %arg6: memref<1x256xf32, #tpu.memory_space<vmem>>, %arg7: memref<1x256xf32, #tpu.memory_space<vmem>>, %arg8: memref<256x64xf32, #tpu.memory_space<vmem>>, %arg9: memref<1024x64xf32, #tpu.memory_space<vmem>>) attributes {dimension_semantics = [#tpu.dimension_semantics<arbitrary>], iteration_bounds = array<i64: 10>, scalar_prefetch = 0 : i64, scratch_operands = 0 : i64, tpu.core_type = #tpu.core_type<tc>, window_params = [{transform_indices = @transform_0, window_bounds = array<i64: 2, 1024, 128>}, {transform_indices = @transform_1, window_bounds = array<i64: 1024, 128>}, {transform_indices = @transform_2, window_bounds = array<i64: 1024, 8>}, {pipeline_mode = #tpu.pipeline_mode<synchronous>, transform_indices = @transform_3, window_bounds = array<i64: 128, 256>}, {pipeline_mode = #tpu.pipeline_mode<synchronous>, transform_indices = @transform_4, window_bounds = array<i64: 1, 256>}, {pipeline_mode = #tpu.pipeline_mode<synchronous>, transform_indices = @transform_5, window_bounds = array<i64: 1, 256>}, {pipeline_mode = #tpu.pipeline_mode<synchronous>, transform_indices = @transform_6, window_bounds = array<i64: 1, 256>}, {pipeline_mode = #tpu.pipeline_mode<synchronous>, transform_indices = @transform_7, window_bounds = array<i64: 256, 64>}, {transform_indices = @transform_8, window_bounds = array<i64: 1024, 64>}]} {
    %get3A = arith.constant 0 : index
    %get3A_0 = arith.constant 0 : index
    %get3A_1 = vector.load %arg3[%get3A, %get3A_0] : memref<1024x8xf32, #tpu.memory_space<vmem>>, vector<1024x1xf32>
    %get3A_2 = arith.constant 0 : index
    %get3A_3 = arith.constant 0 : index
    %get3A_4 = arith.constant 0 : index
    %get3A_5 = vector.load %arg1[%get3A_2, %get3A_3, %get3A_4] : memref<2x1024x128xf32, #tpu.memory_space<vmem>>, vector<1x1024x128xf32>
    %get3A_6 = vector.shape_cast %get3A_5 : vector<1x1024x128xf32> to vector<1024x128xf32>
    %get3A_7 = arith.constant 1 : index
    %get3A_8 = arith.constant 0 : index
    %get3A_9 = arith.constant 0 : index
    %get3A_10 = vector.load %arg1[%get3A_7, %get3A_8, %get3A_9] : memref<2x1024x128xf32, #tpu.memory_space<vmem>>, vector<1x1024x128xf32>
    %get3A_11 = vector.shape_cast %get3A_10 : vector<1x1024x128xf32> to vector<1024x128xf32>
    %add3A = arith.addf %get3A_6, %get3A_11 : vector<1024x128xf32>
    %get3A_12 = arith.constant 0 : index
    %get3A_13 = arith.constant 0 : index
    %get3A_14 = vector.load %arg2[%get3A_12, %get3A_13] : memref<1024x128xf32, #tpu.memory_space<vmem>>, vector<1024x128xf32>
    %add3A_15 = arith.addf %add3A, %get3A_14 : vector<1024x128xf32>
    %mul3A = vector.broadcast %get3A_1 : vector<1024x1xf32> to vector<1024x128xf32>
    %mul3A_16 = arith.mulf %add3A_15, %mul3A : vector<1024x128xf32>
    %get3A_17 = arith.constant 0 : index
    %get3A_18 = arith.constant 0 : index
    %get3A_19 = vector.load %arg4[%get3A_17, %get3A_18] : memref<128x256xf32, #tpu.memory_space<vmem>>, vector<128x256xf32>
    %dot_general3A = arith.constant dense<0.000000e+00> : vector<1024x256xf32>
    %dot_general3A_20 = tpu.matmul %mul3A_16, %get3A_19, %dot_general3A {dimension_numbers = #tpu.dot_dimension_numbers<[1], [0], [0], [1], [0, 0, 1, 1], [], []>, transpose_lhs_hint = false} : vector<1024x128xf32>, vector<128x256xf32>, vector<1024x256xf32> -> vector<1024x256xf32>
    %get3A_21 = arith.constant 0 : index
    %get3A_22 = arith.constant 0 : index
    %get3A_23 = vector.load %arg5[%get3A_21, %get3A_22] : memref<1x256xf32, #tpu.memory_space<vmem>>, vector<1x256xf32>
    %add3A_24 = vector.broadcast %get3A_23 : vector<1x256xf32> to vector<1024x256xf32>
    %add3A_25 = arith.addf %dot_general3A_20, %add3A_24 : vector<1024x256xf32>
    %get3A_26 = arith.constant 0 : index
    %get3A_27 = arith.constant 0 : index
    %get3A_28 = vector.load %arg6[%get3A_26, %get3A_27] : memref<1x256xf32, #tpu.memory_space<vmem>>, vector<1x256xf32>
    %mul3A_29 = arith.constant 0.999994993 : f32
    %mul3A_30 = vector.broadcast %mul3A_29 : f32 to vector<1x256xf32>
    %mul3A_31 = arith.mulf %get3A_28, %mul3A_30 : vector<1x256xf32>
    %mul3A_32 = vector.broadcast %mul3A_31 : vector<1x256xf32> to vector<1024x256xf32>
    %mul3A_33 = arith.mulf %add3A_25, %mul3A_32 : vector<1024x256xf32>
    %get3A_34 = arith.constant 0 : index
    %get3A_35 = arith.constant 0 : index
    %get3A_36 = vector.load %arg7[%get3A_34, %get3A_35] : memref<1x256xf32, #tpu.memory_space<vmem>>, vector<1x256xf32>
    %add3A_37 = vector.broadcast %get3A_36 : vector<1x256xf32> to vector<1024x256xf32>
    %add3A_38 = arith.addf %mul3A_33, %add3A_37 : vector<1024x256xf32>
    %max3A = arith.constant 0.000000e+00 : f32
    %max3A_39 = vector.broadcast %max3A : f32 to vector<1024x256xf32>
    %max3A_40 = arith.maximumf %add3A_38, %max3A_39 : vector<1024x256xf32>
    %get3A_41 = arith.constant 0 : index
    %get3A_42 = arith.constant 0 : index
    %get3A_43 = vector.load %arg8[%get3A_41, %get3A_42] : memref<256x64xf32, #tpu.memory_space<vmem>>, vector<256x64xf32>
    %dot_general3A_44 = arith.constant dense<0.000000e+00> : vector<1024x64xf32>
    %dot_general3A_45 = tpu.matmul %max3A_40, %get3A_43, %dot_general3A_44 {dimension_numbers = #tpu.dot_dimension_numbers<[1], [0], [0], [1], [0, 0, 1, 1], [], []>, transpose_lhs_hint = false} : vector<1024x256xf32>, vector<256x64xf32>, vector<1024x64xf32> -> vector<1024x64xf32>
    %mul3A_46 = vector.broadcast %get3A_1 : vector<1024x1xf32> to vector<1024x64xf32>
    %mul3A_47 = arith.mulf %dot_general3A_45, %mul3A_46 : vector<1024x64xf32>
    %swap3A = arith.constant 0 : index
    %swap3A_48 = arith.constant 0 : index
    %swap3A_49 = vector.load %arg9[%swap3A, %swap3A_48] : memref<1024x64xf32, #tpu.memory_space<vmem>>, vector<1024x64xf32>
    tpu.vector_store %arg9[%swap3A, %swap3A_48], %mul3A_47 {strides = array<i32>} : memref<1024x64xf32, #tpu.memory_space<vmem>>, vector<1024x64xf32>,
    return
  }
  func.func @transform_0(%arg0: i32) -> (i32, i32, i32) {
    %c0_i32 = arith.constant 0 : i32
    %c0_i32_0 = arith.constant 0 : i32
    %c0_i32_1 = arith.constant 0 : i32
    return %c0_i32, %arg0, %c0_i32_0 : i32, i32, i32
  }
  func.func @transform_1(%arg0: i32) -> (i32, i32) {
    %c0_i32 = arith.constant 0 : i32
    %c0_i32_0 = arith.constant 0 : i32
    return %arg0, %c0_i32 : i32, i32
  }
  func.func @transform_2(%arg0: i32) -> (i32, i32) {
    %c0_i32 = arith.constant 0 : i32
    %c0_i32_0 = arith.constant 0 : i32
    return %arg0, %c0_i32 : i32, i32
  }
  func.func @transform_3(%arg0: i32) -> (i32, i32) {
    %c0_i32 = arith.constant 0 : i32
    %c0_i32_0 = arith.constant 0 : i32
    %c0_i32_1 = arith.constant 0 : i32
    return %c0_i32, %c0_i32_0 : i32, i32
  }
  func.func @transform_4(%arg0: i32) -> (i32, i32) {
    %c0_i32 = arith.constant 0 : i32
    %c0_i32_0 = arith.constant 0 : i32
    %c0_i32_1 = arith.constant 0 : i32
    return %c0_i32, %c0_i32_0 : i32, i32
  }
  func.func @transform_5(%arg0: i32) -> (i32, i32) {
    %c0_i32 = arith.constant 0 : i32
    %c0_i32_0 = arith.constant 0 : i32
    %c0_i32_1 = arith.constant 0 : i32
    return %c0_i32, %c0_i32_0 : i32, i32
  }
  func.func @transform_6(%arg0: i32) -> (i32, i32) {
    %c0_i32 = arith.constant 0 : i32
    %c0_i32_0 = arith.constant 0 : i32
    %c0_i32_1 = arith.constant 0 : i32
    return %c0_i32, %c0_i32_0 : i32, i32
  }
  func.func @transform_7(%arg0: i32) -> (i32, i32) {
    %c0_i32 = arith.constant 0 : i32
    %c0_i32_0 = arith.constant 0 : i32
    %c0_i32_1 = arith.constant 0 : i32
    return %c0_i32, %c0_i32_0 : i32, i32
  }
  func.func @transform_8(%arg0: i32) -> (i32, i32) {
    %c0_i32 = arith.constant 0 : i32
    %c0_i32_0 = arith.constant 0 : i32
    return %arg0, %c0_i32 : i32, i32
  }
}

module attributes {stable_mosaic.version = 14 : i64} {
  func.func @body(%arg0: i32, %arg1: memref<2x1000x64xf32, #tpu.memory_space<vmem>>, %arg2: memref<1000x64xf32, #tpu.memory_space<vmem>>, %arg3: memref<1000x8xf32, #tpu.memory_space<vmem>>, %arg4: memref<1x64xf32, #tpu.memory_space<vmem>>, %arg5: memref<1000x40xf32, #tpu.memory_space<vmem>>) attributes {dimension_semantics = [#tpu.dimension_semantics<arbitrary>], iteration_bounds = array<i64: 10>, scalar_prefetch = 0 : i64, scratch_operands = 0 : i64, tpu.core_type = #tpu.core_type<tc>, window_params = [{transform_indices = @transform_0, window_bounds = array<i64: 2, 1000, 64>}, {transform_indices = @transform_1, window_bounds = array<i64: 1000, 64>}, {transform_indices = @transform_2, window_bounds = array<i64: 1000, 8>}, {pipeline_mode = #tpu.pipeline_mode<synchronous>, transform_indices = @transform_3, window_bounds = array<i64: 1, 64>}, {transform_indices = @transform_4, window_bounds = array<i64: 1000, 40>}]} {
    %get3A = arith.constant 0 : index
    %get3A_0 = arith.constant 0 : index
    %get3A_1 = arith.constant 0 : index
    %get3A_2 = vector.load %arg1[%get3A, %get3A_0, %get3A_1] : memref<2x1000x64xf32, #tpu.memory_space<vmem>>, vector<1x1000x64xf32>
    %get3A_3 = vector.shape_cast %get3A_2 : vector<1x1000x64xf32> to vector<1000x64xf32>
    %get3A_4 = arith.constant 1 : index
    %get3A_5 = arith.constant 0 : index
    %get3A_6 = arith.constant 0 : index
    %get3A_7 = vector.load %arg1[%get3A_4, %get3A_5, %get3A_6] : memref<2x1000x64xf32, #tpu.memory_space<vmem>>, vector<1x1000x64xf32>
    %get3A_8 = vector.shape_cast %get3A_7 : vector<1x1000x64xf32> to vector<1000x64xf32>
    %add3A = arith.addf %get3A_3, %get3A_8 : vector<1000x64xf32>
    %get3A_9 = arith.constant 0 : index
    %get3A_10 = arith.constant 0 : index
    %get3A_11 = vector.load %arg2[%get3A_9, %get3A_10] : memref<1000x64xf32, #tpu.memory_space<vmem>>, vector<1000x64xf32>
    %add3A_12 = arith.addf %add3A, %get3A_11 : vector<1000x64xf32>
    %get3A_13 = arith.constant 0 : index
    %get3A_14 = arith.constant 0 : index
    %get3A_15 = vector.load %arg3[%get3A_13, %get3A_14] : memref<1000x8xf32, #tpu.memory_space<vmem>>, vector<1000x1xf32>
    %mul3A = vector.broadcast %get3A_15 : vector<1000x1xf32> to vector<1000x64xf32>
    %mul3A_16 = arith.mulf %add3A_12, %mul3A : vector<1000x64xf32>
    %get3A_17 = arith.constant 0 : index
    %get3A_18 = arith.constant 0 : index
    %get3A_19 = vector.load %arg4[%get3A_17, %get3A_18] : memref<1x64xf32, #tpu.memory_space<vmem>>, vector<1x64xf32>
    %add3A_20 = vector.broadcast %get3A_19 : vector<1x64xf32> to vector<1000x64xf32>
    %add3A_21 = arith.addf %mul3A_16, %add3A_20 : vector<1000x64xf32>
    %slice3A = vector.extract_strided_slice %add3A_21 {offsets = [0, 0], sizes = [1000, 40], strides = [1, 1]} : vector<1000x64xf32> to vector<1000x40xf32>
    %swap3A = arith.constant 0 : index
    %swap3A_22 = arith.constant 0 : index
    %swap3A_23 = vector.load %arg5[%swap3A, %swap3A_22] : memref<1000x40xf32, #tpu.memory_space<vmem>>, vector<1000x40xf32>
    tpu.vector_store %arg5[%swap3A, %swap3A_22], %slice3A {strides = array<i32>} : memref<1000x40xf32, #tpu.memory_space<vmem>>, vector<1000x40xf32>,
    return
  }
  func.func @transform_0(%arg0: i32) -> (i32, i32, i32) {
    %c0_i32 = arith.constant 0 : i32
    %c0_i32_0 = arith.constant 0 : i32
    %c0_i32_1 = arith.constant 0 : i32
    return %c0_i32, %arg0, %c0_i32_0 : i32, i32, i32
  }
  func.func @transform_1(%arg0: i32) -> (i32, i32) {
    %c0_i32 = arith.constant 0 : i32
    %c0_i32_0 = arith.constant 0 : i32
    return %arg0, %c0_i32 : i32, i32
  }
  func.func @transform_2(%arg0: i32) -> (i32, i32) {
    %c0_i32 = arith.constant 0 : i32
    %c0_i32_0 = arith.constant 0 : i32
    return %arg0, %c0_i32 : i32, i32
  }
  func.func @transform_3(%arg0: i32) -> (i32, i32) {
    %c0_i32 = arith.constant 0 : i32
    %c0_i32_0 = arith.constant 0 : i32
    %c0_i32_1 = arith.constant 0 : i32
    return %c0_i32, %c0_i32_0 : i32, i32
  }
  func.func @transform_4(%arg0: i32) -> (i32, i32) {
    %c0_i32 = arith.constant 0 : i32
    %c0_i32_0 = arith.constant 0 : i32
    return %arg0, %c0_i32 : i32, i32
  }
}

</mosaic_0001>

<sc_bundles>
// kernel: kernel.11.cloned.1.call-start
scs
__scs_entry_jumppad:
0x0: {  	(pc) =	sbr.rel $0x88, $3  }
0x1: {  	(tag) =	ssettag $0x0;
	lr =	simm.s32 $0x1  }
0x2: {  	[smem:$0x3F99] =	sst lr;
	_ =	strace $0xD0000000  }
0x3: {  	_ = 	snop  }
0x4: {  	_ = 	snop  }
0x5: {  	_ = 	snop  }
0x6: {  	_ = 	snop  }
0x7: {  	_ = 	snop  }
__scs_overlays_trampoline_lowered:
0x8: {  	[smem:$0x3FA8] =	sst s0  }
0x9: {  	[smem:$0x3FA9] =	sst s1  }
0xa: {  	[smem:$0x3FAA] =	sst s2  }
0xb: {  	[smem:$0x3FAB] =	sst s3  }
0xc: {  	[smem:$0x3FAC] =	sst s4  }
0xd: {  	[smem:$0x3FAD] =	sst s5  }
0xe: {  	[smem:$0x3FAE] =	sst s6  }
0xf: {  	[smem:$0x3FAF] =	sst s7  }
0x10: {  	[smem:$0x3FB0] =	sst s8  }
0x11: {  	[smem:$0x3FB1] =	sst s9;
	s0 =	simm.s32 @!p0 $0x0  }
0x12: {  	s1 =	sld [smem:$0x3F97];
	s0 =	simm.s32 @p0 $0x1  }
0x13: {  	[smem:$0x3FB2] =	sst s0;
	s0 =	simm.s32 @!p1 $0x0  }
0x14: {  	s2 =	sld [smem:$0x3F96];
	s0 =	simm.s32 @p1 $0x1  }
0x15: {  	[smem:$0x3FB3] =	sst s0;
	s0 =	simm.s32 @!p2 $0x0  }
0x16: {  	s3 =	sld [smem:$0x3FDB];
	s0 =	simm.s32 @p2 $0x1  }
0x17: {  	s4 =	simm.s32 $0x1BF5;
	[smem:$0x3FB5] =	sst s0  }
0x18: {  	s0 =	sld [smem:$0x3F98];
	_ =	swait.ge [sflag:s4], $0x0  }
0x19: {  	s7 =	sld [smem:$0x3F99]  }
0x1a: {  	s8 =	sadd.s32 $0xFFFFE003, lr  }
0x1b: {  	s9 =	sadd.s32 $0xFFFFFEF7, lr;
	s5 =	simm.s32 $0xFFFFFFFF;
	p2 =	slt.u32 s8, $0xFFFFF086  }
0x1c: {  	p1 =	slt.u32 s9, $0xF7A;
	s5 =	simm.s32 @!p2 $0x0  }
0x1d: {  	s5 =	simm.s32 @p1 $0x1;
	p0 =	seq.s32 s7, s2  }
0x1e: {  	s7 =	smul.u32 @!p0 $0xF7A, s2;
	p2 =	seq.s32 @!p0 s5, $0x0  }
0x1f: {  	s9 =	smul.u32 $0xF7A, s1;
	s8 =	simm.s32 @!p0 $0x1BF5;
	p2 =	por !p2, p0  }
0x20: {  	[sflag:s8] =	ssyncset.s32 @!p0 $0xFFFFF086;
	s6 =	sadd.s32 @!p0 s3, s7;
	s7 =	simm.s32 @!p0 $0x108  }
0x21: {  	s3 =	sadd.s32 s3, s9;
	s6 =	sadd.s32 @!p0 $0x88, s6;
	s7 =	simm.s32 @p2 $0x1082  }
0x22: {  	[simem:s7], [sflag:s8] =	dma.local @!p0 [hbm:s6], $0xF7A  }
0x23: {  	s9 =	sor.u32 $0xD0000000, s2;
	s6 =	simm.s32 $0x108;
	_ =	swait.ge @!p0 [sflag:s8], $0x0  }
0x24: {  	s3 =	sadd.s32 $0x88, s3;
	s6 =	simm.s32 @!p1 $0x1082;
	[sflag:s4] =	ssyncset.s32 $0xFFFFF086  }
0x25: {  	[simem:s6], [sflag:s4] =	dma.local [hbm:s3], $0xF7A  }
0x26: {  	[smem:$0x3F99] =	sst s1;
	(tag) =	ssettag s2;
	_ =	strace s9  }
0x27: {  	s1 =	sld [smem:$0x3FA9]  }
0x28: {  	s2 =	sld [smem:$0x3FAA]  }
0x29: {  	s4 =	sld [smem:$0x3FAC]  }
0x2a: {  	p0 =	seq.s32 s5, $0x0;
	s5 =	sld [smem:$0x3FAD]  }
0x2b: {  	s6 =	sld [smem:$0x3FAE]  }
0x2c: {  	s7 =	sld [smem:$0x3FAF]  }
0x2d: {  	s3 =	simm.s32 $0x108;
	s8 =	sld [smem:$0x3FB0]  }
0x2e: {  	s3 =	simm.s32 @!p0 $0x1082;
	s9 =	sld [smem:$0x3FB1]  }
0x2f: {  	lr =	sadd.s32 s0, s3;
	s0 =	sld [smem:$0x3FA8]  }
0x30: {  	s3 =	sld [smem:$0x3FAB]  }
0x31: {  	[smem:$0x3FB4] =	sst s10  }
0x32: {  	s10 =	sld [smem:$0x3FB2];
	_ =	sdelay $0x3  }
0x33: {  	p0 =	seq.s32 s10, $0x1;
	s10 =	sld [smem:$0x3FB4];
	_ =	sdelay $0x3  }
0x34: {  	[smem:$0x3FB4] =	sst s10  }
0x35: {  	s10 =	sld [smem:$0x3FB3];
	_ =	sdelay $0x3  }
0x36: {  	p1 =	seq.s32 s10, $0x1;
	s10 =	sld [smem:$0x3FB4];
	_ =	sdelay $0x3  }
0x37: {  	[smem:$0x3FB4] =	sst s10  }
0x38: {  	s10 =	sld [smem:$0x3FB5]  }
0x39: {  	_ = 	snop;
	(pc) =	sbr.ind lr, $3  }
0x3a: {  	_ = 	snop  }
0x3b: {  	_ = 	snop  }
0x3c: {  	p2 =	seq.s32 s10, $0x1;
	s10 =	sld [smem:$0x3FB4]  }
0x3d: {  	_ =	shalt  }
0x3e: {  	_ =	shalt  }
0x3f: {  	_ =	shalt  }
0x40: {  	_ =	shalt  }
0x41: {  	_ =	shalt  }
0x42: {  	_ =	shalt  }
0x43: {  	_ =	shalt  }
0x44: {  	_ =	shalt  }
0x45: {  	_ =	shalt  }
0x46: {  	_ =	shalt  }
0x47: {  	_ =	shalt  }
0x48: {  	_ =	shalt  }
0x49: {  	_ =	shalt  }
0x4a: {  	_ =	shalt  }
0x4b: {  	_ =	shalt  }
0x4c: {  	_ =	shalt  }
0x4d: {  	_ =	shalt  }
0x4e: {  	_ =	shalt  }
0x4f: {  	_ =	shalt  }
0x50: {  	_ =	shalt  }
0x51: {  	_ =	shalt  }
0x52: {  	_ =	shalt  }
0x53: {  	_ =	shalt  }
0x54: {  	_ =	shalt  }
0x55: {  	_ =	shalt  }
0x56: {  	_ =	shalt  }
0x57: {  	_ =	shalt  }
0x58: {  	_ =	shalt  }
0x59: {  	_ =	shalt  }
0x5a: {  	_ =	shalt  }
0x5b: {  	_ =	shalt  }
0x5c: {  	_ =	shalt  }
0x5d: {  	_ =	shalt  }
0x5e: {  	_ =	shalt  }
0x5f: {  	_ =	shalt  }
0x60: {  	_ =	shalt  }
0x61: {  	_ =	shalt  }
0x62: {  	_ =	shalt  }
0x63: {  	_ =	shalt  }
0x64: {  	_ =	shalt  }
0x65: {  	_ =	shalt  }
0x66: {  	_ =	shalt  }
0x67: {  	_ =	shalt  }
0x68: {  	_ =	shalt  }
0x69: {  	_ =	shalt  }
0x6a: {  	_ =	shalt  }
0x6b: {  	_ =	shalt  }
0x6c: {  	_ =	shalt  }
0x6d: {  	_ =	shalt  }
0x6e: {  	_ =	shalt  }
0x6f: {  	_ =	shalt  }
0x70: {  	_ =	shalt  }
0x71: {  	_ =	shalt  }
0x72: {  	_ =	shalt  }
0x73: {  	_ =	shalt  }
0x74: {  	_ =	shalt  }
0x75: {  	_ =	shalt  }
0x76: {  	_ =	shalt  }
0x77: {  	_ =	shalt  }
0x78: {  	_ =	shalt  }
0x79: {  	_ =	shalt  }
0x7a: {  	_ =	shalt  }
0x7b: {  	_ =	shalt  }
0x7c: {  	_ =	shalt  }
0x7d: {  	_ =	shalt  }
0x7e: {  	_ =	shalt  }
0x7f: {  	_ =	shalt  }
0x80: {  	_ =	shalt  }
0x81: {  	_ =	shalt  }
0x82: {  	_ =	shalt  }
0x83: {  	_ =	shalt  }
0x84: {  	_ =	shalt  }
0x85: {  	_ =	shalt  }
0x86: {  	_ =	shalt  }
0x87: {  	_ =	shalt  }
.Lfunc_end0:
.L_simem_size_0:
called_computation.1_lowered:
.L_overlay_start_0:
0x88: {  	s2 =	sld [smem:$0x3FD9]  }
0x89: {  	s3 =	sld [smem:$0x3FFE];
	_ =	sdelay $0x1  }
0x8a: {  	s1 =	srdreg.scid  }
0x8b: {  	s0 =	sand.u32 $0x1, s1  }
0x8c: {  	s16 =	sshll.u32 s0, $0xA;
	s2 =	sadd.s32 s3, s2  }
0x8d: {  	s2 =	sadd.s32 s2, s16  }
0x8e: {  	[smem:$0x3FC0] =	sst s2  }
0x8f: {  	_ = 	snop  }
0x90: {  	(tm) =	ssettm $0x1  }
0x91: {  	s17 =	sld [smem:$0x3FFB];
	_ =	sdelay $0x3  }
0x92: {  	_ =	strace s17  }
0x93: {  	s2 =	sld [smem:$0x3FFC];
	_ =	sdelay $0x3  }
0x94: {  	_ =	strace s2  }
0x95: {  	s2 =	sld [smem:$0x3FFD];
	_ =	sdelay $0x3  }
0x96: {  	_ =	strace s2  }
0x97: {  	_ =	strace $0x8FFFFFFF  }
0x98: {  	s18 =	sld [smem:$0x3FDB];
	_ =	sdelay $0x1  }
0x99: {  	s19 =	simm.s32 $_scs_section_size  }
0x9a: {  	s4 =	simm.s32 $_size__tile_overlayer_lowered;
	s5 =	simm.s32 $_tile_overlayer_lowered  }
0x9b: {  	s22 =	simm.s32 $0x1BFF;
	s21 =	sshll.u32 s5, $0x1;
	s2 =	sadd.s32 s19, s18  }
0x9c: {  	s6 =	simm.s32 $0x0;
	s20 =	sshll.u32 s4, $0x1;
	s4 =	sadd.s32 s21, s2  }
0x9d: {  	[timem:s6], [sflag:s22] =	dma.local [hbm:s4], s20  }
0x9e: {  	_ =	swait.ge [sflag:s22], s20  }
0x9f: {  	s3 =	ssub.s32 $0x0, s20;
	[sflag:s22] =	ssyncset.done $0x0  }
0xa0: {  	[sflag:s22] =	ssyncadd.s32 s3;
	_ =	sdelay $0x1  }
0xa1: {  	s23 =	simm.s32 $0x1B8B  }
0xa2: {  	_ =	swait.ge [sflag:s23], $0x1  }
0xa3: {  	[sflag:s23] =	ssyncset.done $0x0  }
0xa4: {  	s25 =	simm.s32 $0x1B8E;
	s24 =	sld [smem:$0x3FFE];
	[sflag:s23] =	ssyncadd.s32 $0xFFFFFFFF  }
0xa5: {  	s26 =	simm.s32 $execute0_lowered;
	[smem:$0x3FD2] =	sst s25  }
0xa6: {  	s4 =	sshll.u32 s26, $0x1;
	_ =	strace $0x80000049;
	[dreg:$0x1] =	wrdreg $0xFFFFFFFF  }
0xa7: {  	s28 =	simm.s32 $_size_execute0_lowered;
	s2 =	sadd.s32 s2, s4;
	[dreg:$0x0] =	wrdreg $0x0  }
0xa8: {  	s4 =	sshll.u32 s28, $0x1;
	[dreg:$0x2] =	wrdreg s2  }
0xa9: {  	[dreg:$0x3] =	wrdreg s4  }
0xaa: {  	[dreg:$0x4] =	wrdreg $0xC0  }
0xab: {  	_ =	task [dreg:s6], $0x5FFFF  }
0xac: {  	[dreg:$0x1] =	wrdreg $0xFFFFFFFF  }
0xad: {  	[dreg:$0x0] =	wrdreg $0x60  }
0xae: {  	[dreg:$0x2] =	wrdreg s24  }
0xaf: {  	[dreg:$0x3] =	wrdreg $0x8C000  }
0xb0: {  	[dreg:$0x4] =	wrdreg $0x9  }
0xb1: {  	_ =	task.clear_ibuf [dreg:s6], $0x5FFFF;
	_ =	strace $0x90000049  }
0xb2: {  	s29 =	simm.s32 $0x9;
	_ =	strace $0x8000004B  }
0xb3: {  	_ =	swait.ge [sflag:s29], $0x1  }
0xb4: {  	[sflag:s29] =	ssyncadd.s32 $0xFFFFFFFF  }
0xb5: {  	_ =	strace $0x9000004B  }
0xb6: {  	_ =	sfence  }
0xb7: {  	s30 =	sld [smem:$0x0];
	_ =	sdelay $0x2  }
0xb8: {  	s31 =	sshll.u32 s1, $0xD;
	s1 =	sshrl.u32 s1, $0x2  }
0xb9: {  	s3 =	sand.u32 $0x4000, s31;
	s1 =	sadd.s32 s1, s30  }
0xba: {  	s0 =	sor.u32 s3, s0;
	s1 =	sshll.u32 s1, $0x11  }
0xbb: {  	s0 =	sor.u32 s1, s0  }
0xbc: {  	s0 =	sadd.s32 $0x8F2B, s0  }
0xbd: {  	[sflag:s0] =	ssyncadd.remote.s32 $0x1  }
0xbe: {  	_ =	sfence.sel $0xFFFF  }
0xbf: {  	[dreg:$0x0] =	wrdreg $0xFFFFFFFF;
	(pc) =	sbr.abs _section_cstart, $3  }
0xc0: {  	[dreg:$0x1] =	wrdreg $0xFFFFFFFF  }
0xc1: {  	_ =	task.clear_ibuf [dreg:s6], $0x2FFFF;
	_ =	strace $0x9FFFFFFF  }
0xc2: {  	(tm) =	ssettm $0x7FFFFFFF  }
0xc3: {  	_ =	shalt  }
tec
execute0_lowered:
.L_overlay_start_1:
0x0: {  	(tag) =	ssettag $0x1  }
0x1: {  	s0 =	rddreg [dreg:$0x0]  }
0x2: {  	s1 =	rddreg [dreg:$0x1]  }
0x3: {  	s3 =	simm.s32 $0x0;
	s2 =	srdreg.scid;
	s13 =	stileid.u32  }
0x4: {  	s28 =	simm.s32 $0x4C00;
	s29 =	simm.s32 $0x1;
	s30 =	simm.s32 $0x2  }
0x5: {  	s31 =	simm.s32 $0x0;
	[smem:$0x7FF] =	sst s3;
	s8 =	smul.u32 $0x14000, s13  }
0x6: {  	s2 =	sand.u32 $0x1, s2;
	s5 =	sadd.s32 $0x2600, s0;
	s21 =	smul.u32 $0x50000, s13  }
0x7: {  	s6 =	smul.u32 $0x140000, s2;
	s4 =	sshll.u32 s2, $0x4;
	_ =	strace $0x8000004A  }
0x8: {  	s2 =	ssub.s32 $0x2, s2;
	s9 =	sor.u32 s13, s4;
	s4 =	sadd.s32 $0x16000, s0  }
0x9: {  	s12 =	sshrl.u32 s2, $0x1;
	s26 =	sshrl.u32 s21, $0x2;
	s21 =	simm.s32 $0xC00  }
0xa: {  	s7 =	smul.u32 $0x4E, s9;
	s6 =	sadd.s32 s8, s6;
	s10 =	smin.u32 s9, $0x4  }
0xb: {  	s2 =	ssub.s32 s2, s12;
	s8 =	sadd.s32 s8, s1;
	s13 =	sadd.s32 s26, s1  }
0xc: {  	p0 =	sgt.u32 s9, $0x3;
	s26 =	simm.s32 $0x80;
	s11 =	sshrl.u32 s6, $0x3  }
0xd: {  	s2 =	smax.u32 s2, $0x1;
	s15 =	sadd.s32 $0x5000, s13;
	s16 =	sadd.s32 $0x7800, s13  }
0xe: {  	s17 =	sadd.s32 $0xA000, s13;
	s18 =	sadd.s32 $0xC800, s13;
	s6 =	sadd.s32 s10, s7  }
0xf: {  	s20 =	sadd.s32 s11, s0;
	s0 =	sadd.s32 $0xC240, s0;
	[dreg:$0x8] =	wrdreg s2  }
0x10: {  	s7 =	sshll.u32 s6, $0x4;
	[dreg:$0x3] =	wrdreg s0;
	s25 =	sadd.s32 $0x3E000, s20  }
0x11: {  	s0 =	sadd.s32 $0x2800, s13;
	s7 =	sadd.s32 s5, s7;
	[dreg:$0x7] =	wrdreg s25  }
0x12: {  	s19 =	sadd.s32 $0xF000, s13;
	[dreg:$0x9] =	wrdreg s0;
	s22 =	sadd.s32 $0x9C40, s7  }
0x13: {  	s20 =	sadd.s32 $0x11800, s13;
	s23 =	sadd.s32 $0x4E0, s7;
	[dreg:$0x4] =	wrdreg s22  }
0x14: {  	s25 =	sshrl.u32 s8, $0x3;
	s24 =	sadd.s32 $0xA120, s7;
	[dreg:$0x5] =	wrdreg s23  }
0x15: {  	v0 =	vimm.f32 $0.0e+00;
	[dreg:$0x6] =	wrdreg s24;
	s22 =	simm.s32 $0x4;
	s24 =	simm.s32 $0x3  }
.LBB2_1:
0x16: {  	s0 =	simm.s32 $0x0;
	s2 =	simm.s32 $0x200  }
.LBB2_2:
0x17: {  	p1 =	sne.s32 s2, $0x9E00;
	[tilespmem:s0+$0xC70] =	vst v0  }
0x18: {  	[tilespmem:s0+$0xC00] =	vst v0  }
0x19: {  	[tilespmem:s0+$0xC10] =	vst v0  }
.Ltmp0:
0x1a: {  	[tilespmem:s0+$0xC20] =	vst v0;
	(pc) =	sbr.rel @p1 .LBB2_2-.Ltmp0, $4  }
0x1b: {  	[tilespmem:s0+$0xC30] =	vst v0  }
0x1c: {  	[tilespmem:s0+$0xC40] =	vst v0  }
0x1d: {  	[tilespmem:s0+$0xC50] =	vst v0  }
0x1e: {  	[tilespmem:s0+$0xC60] =	vst v0;
	s0 =	sshra.s32 s2, $0x2;
	s2 =	sadd.s32 $0x200, s2  }
0x1f: {  	[tilespmem:s0+$0xC70] =	vst v0  }
0x20: {  	[tilespmem:s0+$0xC00] =	vst v0  }
0x21: {  	[tilespmem:s0+$0xC10] =	vst v0  }
0x22: {  	[tilespmem:s0+$0xC20] =	vst v0  }
0x23: {  	[tilespmem:s0+$0xC30] =	vst v0  }
0x24: {  	[tilespmem:s0+$0xC40] =	vst v0  }
0x25: {  	[tilespmem:s0+$0xC50] =	vst v0  }
0x26: {  	[tilespmem:s0+$0xC60] =	vst v0  }
0x27: {  	[spmem:s13] =	stream.linear.scatter [tilespmem:s21], [sflag:$0x4], $0x2800, $0x38;
	[tilespmem:$0x1CC00] =	vst v63  }
0x28: {  	_ =	swait.ge [sflag:s22], $0x2800  }
0x29: {  	[sflag:s22] =	ssyncset.done $0x0  }
0x2a: {  	s12 =	rddreg [dreg:$0x9];
	[sflag:s22] =	ssyncadd.s32 $0xFFFFD800  }
0x2b: {  	[spmem:s12] =	stream.linear.scatter [tilespmem:s21], [sflag:$0x4], $0x2800, $0x38;
	[tilespmem:$0x1CC00] =	vst v63  }
0x2c: {  	_ =	swait.ge [sflag:s22], $0x2800  }
0x2d: {  	[sflag:s22] =	ssyncset.done $0x0  }
0x2e: {  	[sflag:s22] =	ssyncadd.s32 $0xFFFFD800  }
0x2f: {  	[spmem:s15] =	stream.linear.scatter [tilespmem:s21], [sflag:$0x4], $0x2800, $0x38;
	[tilespmem:$0x1CC00] =	vst v63  }
0x30: {  	_ =	swait.ge [sflag:s22], $0x2800  }
0x31: {  	[sflag:s22] =	ssyncset.done $0x0  }
0x32: {  	[sflag:s22] =	ssyncadd.s32 $0xFFFFD800  }
0x33: {  	[spmem:s16] =	stream.linear.scatter [tilespmem:s21], [sflag:$0x4], $0x2800, $0x38;
	[tilespmem:$0x1CC00] =	vst v63  }
0x34: {  	_ =	swait.ge [sflag:s22], $0x2800  }
0x35: {  	[sflag:s22] =	ssyncset.done $0x0  }
0x36: {  	[sflag:s22] =	ssyncadd.s32 $0xFFFFD800  }
0x37: {  	[spmem:s17] =	stream.linear.scatter [tilespmem:s21], [sflag:$0x4], $0x2800, $0x38;
	[tilespmem:$0x1CC00] =	vst v63  }
0x38: {  	_ =	swait.ge [sflag:s22], $0x2800  }
0x39: {  	[sflag:s22] =	ssyncset.done $0x0  }
0x3a: {  	[sflag:s22] =	ssyncadd.s32 $0xFFFFD800  }
0x3b: {  	[spmem:s18] =	stream.linear.scatter [tilespmem:s21], [sflag:$0x4], $0x2800, $0x38;
	[tilespmem:$0x1CC00] =	vst v63  }
0x3c: {  	_ =	swait.ge [sflag:s22], $0x2800  }
0x3d: {  	[sflag:s22] =	ssyncset.done $0x0  }
0x3e: {  	[sflag:s22] =	ssyncadd.s32 $0xFFFFD800  }
0x3f: {  	[spmem:s19] =	stream.linear.scatter [tilespmem:s21], [sflag:$0x4], $0x2800, $0x38;
	[tilespmem:$0x1CC00] =	vst v63  }
0x40: {  	_ =	swait.ge [sflag:s22], $0x2800  }
0x41: {  	[sflag:s22] =	ssyncset.done $0x0  }
0x42: {  	[sflag:s22] =	ssyncadd.s32 $0xFFFFD800  }
0x43: {  	[spmem:s20] =	stream.linear.scatter [tilespmem:s21], [sflag:$0x4], $0x2800, $0x38;
	[tilespmem:$0x1CC00] =	vst v63  }
0x44: {  	_ =	swait.ge [sflag:s22], $0x2800  }
0x45: {  	[sflag:s22] =	ssyncset.done $0x0  }
0x46: {  	[sflag:s22] =	ssyncadd.s32 $0xFFFFD800  }
0x47: {  	s14 =	simm.s32 $0x0;
	[bflag:$0x0] =	sbarrier.arrive $0xFFFF  }
0x48: {  	[tilespmem:s14], [sflag:$0x3] =	stream.linear.gather [hbm4b:s7+s14], $0x300, $0x38;
	[tilespmem:$0x1CC00] =	vst v63  }
0x49: {  	s8 =	simm.s32 $0x600;
	s2 =	rddreg [dreg:$0x4]  }
0x4a: {  	[tilespmem:s8], [sflag:$0x3] =	stream.linear.gather [hbm4b:s2+s14], $0x300, $0x38;
	[tilespmem:$0x1CC00] =	vst v63  }
0x4b: {  	_ =	swait.ge [sflag:s24], $0x300  }
0x4c: {  	[sflag:s24] =	ssyncset.done $0x0  }
0x4d: {  	p1 =	por $0x0, $0x0;
	s2 =	simm.s32 $0x6;
	[sflag:s24] =	ssyncadd.s32 $0xFFFFFD00  }
0x4e: {  	s23 =	sand.u32 $0x1, s14;
	s2 =	simm.s32 @p1 $0x0;
	_ =	swait.ge [sflag:s24], $0x300  }
0x4f: {  	s11 =	sxor.u32 $0x1, s23;
	s10 =	sadd.s32 s6, s2;
	[sflag:s24] =	ssyncset.done $0x0  }
0x50: {  	s0 =	smul.u32 $0x300, s11;
	s9 =	sshll.u32 s10, $0x4;
	[sflag:s24] =	ssyncadd.s32 $0xFFFFFD00  }
0x51: {  	[tilespmem:s21], [sflag:$0x1] =	stream.indirect.gather [hbm4b:s4+s26], $0x80, s14, s26, $0xb8;
	[tilespmem:$0x1CC00] =	vst v63  }
0x52: {  	s10 =	sadd.s32 s5, s9;
	s12 =	rddreg [dreg:$0x3]  }
0x53: {  	[tilespmem:s0], [sflag:$0x3] =	stream.linear.gather [hbm4b:s10+s3], $0x300, $0x38;
	[tilespmem:$0x1CC00] =	vst v63  }
0x54: {  	s8 =	smul.u32 $0x300, s23;
	s2 =	sadd.s32 s9, s12;
	s14 =	sadd.s32 $0x600, s0  }
0x55: {  	[tilespmem:s14], [sflag:$0x3] =	stream.linear.gather [hbm4b:s2+s3], $0x300, $0x38;
	[tilespmem:$0x1CC00] =	vst v63  }
0x56: {  	s23 =	sor.u32 $0x80, s8  }
0x57: {  	[tilespmem:s28], [sflag:$0x2] =	stream.indirect.gather [hbm4b:s4+s26], $0x80, s23, s26, $0xb8;
	[tilespmem:$0x1CC00] =	vst v63  }
0x58: {  	_ =	swait.ge [sflag:s29], $0x4000  }
0x59: {  	[sflag:s29] =	ssyncset.done $0x0  }
0x5a: {  	s9 =	sadd.s32 $0x600, s8;
	[sflag:s29] =	ssyncadd.s32 $0xFFFFC000  }
0x5b: {  	[spmem:s1] =	stream.indirect.scatter.add.f32 [tilespmem:s21], [sflag:$0x4], $0x80, s9, s26, $0xb8;
	[tilespmem:$0x1CC00] =	vst v63  }
0x5c: {  	_ =	swait.ge [sflag:s22], $0x4000  }
0x5d: {  	[sflag:s22] =	ssyncset.done $0x0  }
0x5e: {  	s10 =	sadd.s32 $0x100, s8;
	[sflag:s22] =	ssyncadd.s32 $0xFFFFC000  }
0x5f: {  	[tilespmem:s21], [sflag:$0x1] =	stream.indirect.gather [hbm4b:s4+s26], $0x80, s10, s26, $0xb8;
	[tilespmem:$0x1CC00] =	vst v63  }
0x60: {  	_ =	swait.ge [sflag:s30], $0x4000  }
0x61: {  	[sflag:s30] =	ssyncset.done $0x0  }
0x62: {  	s11 =	sadd.s32 $0x680, s8;
	[sflag:s30] =	ssyncadd.s32 $0xFFFFC000  }
0x63: {  	[spmem:s1] =	stream.indirect.scatter.add.f32 [tilespmem:s28], [sflag:$0x4], $0x80, s11, s26, $0xb8;
	[tilespmem:$0x1CC00] =	vst v63  }
0x64: {  	_ =	swait.ge [sflag:s22], $0x4000  }
0x65: {  	[sflag:s22] =	ssyncset.done $0x0  }
0x66: {  	s12 =	sadd.s32 $0x180, s8;
	[sflag:s22] =	ssyncadd.s32 $0xFFFFC000  }
0x67: {  	[tilespmem:s28], [sflag:$0x2] =	stream.indirect.gather [hbm4b:s4+s26], $0x80, s12, s26, $0xb8;
	[tilespmem:$0x1CC00] =	vst v63  }
0x68: {  	_ =	swait.ge [sflag:s29], $0x4000  }
0x69: {  	[sflag:s29] =	ssyncset.done $0x0  }
0x6a: {  	s14 =	sadd.s32 $0x700, s8;
	[sflag:s29] =	ssyncadd.s32 $0xFFFFC000  }
0x6b: {  	[spmem:s1] =	stream.indirect.scatter.add.f32 [tilespmem:s21], [sflag:$0x4], $0x80, s14, s26, $0xb8;
	[tilespmem:$0x1CC00] =	vst v63  }
0x6c: {  	_ =	swait.ge [sflag:s22], $0x4000  }
0x6d: {  	[sflag:s22] =	ssyncset.done $0x0  }
0x6e: {  	s23 =	sadd.s32 $0x200, s8;
	[sflag:s22] =	ssyncadd.s32 $0xFFFFC000  }
0x6f: {  	[tilespmem:s21], [sflag:$0x1] =	stream.indirect.gather [hbm4b:s4+s26], $0x80, s23, s26, $0xb8;
	[tilespmem:$0x1CC00] =	vst v63  }
0x70: {  	_ =	swait.ge [sflag:s30], $0x4000  }
0x71: {  	[sflag:s30] =	ssyncset.done $0x0  }
0x72: {  	s9 =	sadd.s32 $0x780, s8;
	[sflag:s30] =	ssyncadd.s32 $0xFFFFC000  }
0x73: {  	[spmem:s1] =	stream.indirect.scatter.add.f32 [tilespmem:s28], [sflag:$0x4], $0x80, s9, s26, $0xb8;
	[tilespmem:$0x1CC00] =	vst v63  }
0x74: {  	_ =	swait.ge [sflag:s22], $0x4000  }
0x75: {  	[sflag:s22] =	ssyncset.done $0x0  }
0x76: {  	s10 =	sadd.s32 $0x280, s8;
	[sflag:s22] =	ssyncadd.s32 $0xFFFFC000  }
0x77: {  	[tilespmem:s28], [sflag:$0x2] =	stream.indirect.gather [hbm4b:s4+s26], $0x80, s10, s26, $0xb8;
	[tilespmem:$0x1CC00] =	vst v63  }
0x78: {  	_ =	swait.ge [sflag:s29], $0x4000  }
0x79: {  	[sflag:s29] =	ssyncset.done $0x0  }
0x7a: {  	s11 =	sor.u32 $0x800, s8;
	[sflag:s29] =	ssyncadd.s32 $0xFFFFC000  }
0x7b: {  	[spmem:s1] =	stream.indirect.scatter.add.f32 [tilespmem:s21], [sflag:$0x4], $0x80, s11, s26, $0xb8;
	[tilespmem:$0x1CC00] =	vst v63  }
0x7c: {  	_ =	swait.ge [sflag:s22], $0x4000  }
0x7d: {  	[sflag:s22] =	ssyncset.done $0x0  }
0x7e: {  	[sflag:s22] =	ssyncadd.s32 $0xFFFFC000  }
0x7f: {  	_ =	swait.ge [sflag:s24], $0x300  }
0x80: {  	[sflag:s24] =	ssyncset.done $0x0  }
0x81: {  	[sflag:s24] =	ssyncadd.s32 $0xFFFFFD00  }
0x82: {  	_ =	swait.ge [sflag:s24], $0x300  }
0x83: {  	p1 =	por $0x0, $0x0;
	s2 =	simm.s32 $0xC;
	[sflag:s24] =	ssyncset.done $0x0  }
0x84: {  	s2 =	simm.s32 @p1 $0x0;
	[sflag:s24] =	ssyncadd.s32 $0xFFFFFD00  }
0x85: {  	[tilespmem:s21], [sflag:$0x1] =	stream.indirect.gather [hbm4b:s4+s26], $0x80, s0, s26, $0xb8;
	[tilespmem:$0x1CC00] =	vst v63  }
0x86: {  	s2 =	sadd.s32 s6, s2;
	s12 =	sor.u32 $0x880, s8;
	_ =	swait.ge [sflag:s30], $0x4000  }
0x87: {  	s14 =	simm.s32 $0x1;
	s23 =	simm.s32 $0x2;
	[sflag:s30] =	ssyncset.done $0x0  }
0x88: {  	s9 =	sand.u32 $0x1, s14;
	s0 =	simm.s32 $0xC;
	[sflag:s30] =	ssyncadd.s32 $0xFFFFC000  }
0x89: {  	[spmem:s1] =	stream.indirect.scatter.add.f32 [tilespmem:s28], [sflag:$0x4], $0x80, s12, s26, $0xb8;
	[tilespmem:$0x1CC00] =	vst v63  }
.LBB2_4:
0x8a: {  	s8 =	sxor.u32 $0x1, s9;
	s11 =	sshll.u32 s2, $0x4  }
0x8b: {  	s2 =	smov.u32 s23;
	s10 =	sadd.s32 $0x1, s23;
	_ =	swait.ge [sflag:s22], $0x4000  }
0x8c: {  	p1 =	sne.s32 s23, $0xC;
	s8 =	smul.u32 $0x300, s8;
	[sflag:s22] =	ssyncset.done $0x0  }
0x8d: {  	s12 =	sadd.s32 s5, s11;
	s23 =	rddreg [dreg:$0x3];
	[sflag:s22] =	ssyncadd.s32 $0xFFFFC000  }
0x8e: {  	[tilespmem:s8], [sflag:$0x3] =	stream.linear.gather [hbm4b:s12+s3], $0x300, $0x38;
	[tilespmem:$0x1CC00] =	vst v63  }
0x8f: {  	s9 =	smul.u32 $0x300, s9;
	s11 =	sadd.s32 s11, s23;
	s14 =	sadd.s32 $0x600, s8  }
0x90: {  	[tilespmem:s14], [sflag:$0x3] =	stream.linear.gather [hbm4b:s11+s3], $0x300, $0x38;
	[tilespmem:$0x1CC00] =	vst v63  }
0x91: {  	s23 =	sor.u32 $0x80, s9  }
0x92: {  	[tilespmem:s28], [sflag:$0x2] =	stream.indirect.gather [hbm4b:s4+s26], $0x80, s23, s26, $0xb8;
	[tilespmem:$0x1CC00] =	vst v63  }
0x93: {  	_ =	swait.ge [sflag:s29], $0x4000  }
0x94: {  	[sflag:s29] =	ssyncset.done $0x0  }
0x95: {  	s23 =	sadd.s32 $0x600, s9;
	[sflag:s29] =	ssyncadd.s32 $0xFFFFC000  }
0x96: {  	[spmem:s1] =	stream.indirect.scatter.add.f32 [tilespmem:s21], [sflag:$0x4], $0x80, s23, s26, $0xb8;
	[tilespmem:$0x1CC00] =	vst v63  }
0x97: {  	_ =	swait.ge [sflag:s22], $0x4000  }
0x98: {  	[sflag:s22] =	ssyncset.done $0x0  }
0x99: {  	s12 =	sadd.s32 $0x100, s9;
	[sflag:s22] =	ssyncadd.s32 $0xFFFFC000  }
0x9a: {  	[tilespmem:s21], [sflag:$0x1] =	stream.indirect.gather [hbm4b:s4+s26], $0x80, s12, s26, $0xb8;
	[tilespmem:$0x1CC00] =	vst v63  }
0x9b: {  	_ =	swait.ge [sflag:s30], $0x4000  }
0x9c: {  	[sflag:s30] =	ssyncset.done $0x0  }
0x9d: {  	s14 =	sadd.s32 $0x680, s9;
	[sflag:s30] =	ssyncadd.s32 $0xFFFFC000  }
0x9e: {  	[spmem:s1] =	stream.indirect.scatter.add.f32 [tilespmem:s28], [sflag:$0x4], $0x80, s14, s26, $0xb8;
	[tilespmem:$0x1CC00] =	vst v63  }
0x9f: {  	_ =	swait.ge [sflag:s22], $0x4000  }
0xa0: {  	[sflag:s22] =	ssyncset.done $0x0  }
0xa1: {  	s23 =	sadd.s32 $0x180, s9;
	[sflag:s22] =	ssyncadd.s32 $0xFFFFC000  }
0xa2: {  	[tilespmem:s28], [sflag:$0x2] =	stream.indirect.gather [hbm4b:s4+s26], $0x80, s23, s26, $0xb8;
	[tilespmem:$0x1CC00] =	vst v63  }
0xa3: {  	_ =	swait.ge [sflag:s29], $0x4000  }
0xa4: {  	[sflag:s29] =	ssyncset.done $0x0  }
0xa5: {  	s12 =	sadd.s32 $0x700, s9;
	[sflag:s29] =	ssyncadd.s32 $0xFFFFC000  }
0xa6: {  	[spmem:s1] =	stream.indirect.scatter.add.f32 [tilespmem:s21], [sflag:$0x4], $0x80, s12, s26, $0xb8;
	[tilespmem:$0x1CC00] =	vst v63  }
0xa7: {  	_ =	swait.ge [sflag:s22], $0x4000  }
0xa8: {  	[sflag:s22] =	ssyncset.done $0x0  }
0xa9: {  	s14 =	sadd.s32 $0x200, s9;
	[sflag:s22] =	ssyncadd.s32 $0xFFFFC000  }
0xaa: {  	[tilespmem:s21], [sflag:$0x1] =	stream.indirect.gather [hbm4b:s4+s26], $0x80, s14, s26, $0xb8;
	[tilespmem:$0x1CC00] =	vst v63  }
0xab: {  	_ =	swait.ge [sflag:s30], $0x4000  }
0xac: {  	[sflag:s30] =	ssyncset.done $0x0  }
0xad: {  	s23 =	sadd.s32 $0x780, s9;
	[sflag:s30] =	ssyncadd.s32 $0xFFFFC000  }
0xae: {  	[spmem:s1] =	stream.indirect.scatter.add.f32 [tilespmem:s28], [sflag:$0x4], $0x80, s23, s26, $0xb8;
	[tilespmem:$0x1CC00] =	vst v63  }
0xaf: {  	_ =	swait.ge [sflag:s22], $0x4000  }
0xb0: {  	[sflag:s22] =	ssyncset.done $0x0  }
0xb1: {  	s12 =	sadd.s32 $0x280, s9;
	[sflag:s22] =	ssyncadd.s32 $0xFFFFC000  }
0xb2: {  	[tilespmem:s28], [sflag:$0x2] =	stream.indirect.gather [hbm4b:s4+s26], $0x80, s12, s26, $0xb8;
	[tilespmem:$0x1CC00] =	vst v63  }
0xb3: {  	_ =	swait.ge [sflag:s29], $0x4000  }
0xb4: {  	[sflag:s29] =	ssyncset.done $0x0  }
0xb5: {  	s14 =	sor.u32 $0x800, s9;
	[sflag:s29] =	ssyncadd.s32 $0xFFFFC000  }
0xb6: {  	[spmem:s1] =	stream.indirect.scatter.add.f32 [tilespmem:s21], [sflag:$0x4], $0x80, s14, s26, $0xb8;
	[tilespmem:$0x1CC00] =	vst v63  }
0xb7: {  	_ =	swait.ge [sflag:s22], $0x4000  }
0xb8: {  	[sflag:s22] =	ssyncset.done $0x0  }
0xb9: {  	[sflag:s22] =	ssyncadd.s32 $0xFFFFC000  }
0xba: {  	_ =	swait.ge [sflag:s24], $0x300  }
0xbb: {  	[sflag:s24] =	ssyncset.done $0x0  }
0xbc: {  	[sflag:s24] =	ssyncadd.s32 $0xFFFFFD00  }
0xbd: {  	_ =	swait.ge [sflag:s24], $0x300  }
0xbe: {  	[sflag:s24] =	ssyncset.done $0x0  }
0xbf: {  	[sflag:s24] =	ssyncadd.s32 $0xFFFFFD00  }
0xc0: {  	[tilespmem:s21], [sflag:$0x1] =	stream.indirect.gather [hbm4b:s4+s26], $0x80, s8, s26, $0xb8;
	[tilespmem:$0x1CC00] =	vst v63  }
.Ltmp1:
0xc1: {  	s0 =	sadd.s32 $0x6, s0;
	_ =	swait.ge [sflag:s30], $0x4000;
	(pc) =	sbr.rel @p1 .LBB2_4-.Ltmp1, $4  }
0xc2: {  	p2 =	seq.s32 s0, $0x4E;
	s11 =	smov.u32 s0;
	[sflag:s30] =	ssyncset.done $0x0  }
0xc3: {  	s11 =	simm.s32 @p2 $0x0;
	s23 =	sor.u32 $0x880, s9;
	[sflag:s30] =	ssyncadd.s32 $0xFFFFC000  }
0xc4: {  	[spmem:s1] =	stream.indirect.scatter.add.f32 [tilespmem:s28], [sflag:$0x4], $0x80, s23, s26, $0xb8;
	[tilespmem:$0x1CC00] =	vst v63  }
0xc5: {  	s9 =	sand.u32 $0x1, s2;
	s2 =	sadd.s32 s6, s11;
	s23 =	smov.u32 s10  }
0xc6: {  	s0 =	sxor.u32 $0x1, s9;
	_ =	swait.ge [sflag:s22], $0x4000  }
0xc7: {  	s2 =	sshll.u32 s2, $0x4;
	s0 =	smul.u32 $0x300, s0;
	[sflag:s22] =	ssyncset.done $0x0  }
0xc8: {  	s8 =	rddreg [dreg:$0x3];
	s10 =	sadd.s32 s5, s2;
	[sflag:s22] =	ssyncadd.s32 $0xFFFFC000  }
0xc9: {  	[tilespmem:s0], [sflag:$0x3] =	stream.linear.gather [hbm4b:s10+s3], $0x300, $0x38;
	[tilespmem:$0x1CC00] =	vst v63  }
0xca: {  	s9 =	smul.u32 $0x300, s9;
	s2 =	sadd.s32 s2, s8;
	s12 =	sadd.s32 $0x600, s0  }
0xcb: {  	[tilespmem:s12], [sflag:$0x3] =	stream.linear.gather [hbm4b:s2+s3], $0x300, $0x38;
	[tilespmem:$0x1CC00] =	vst v63  }
0xcc: {  	s14 =	sor.u32 $0x80, s9  }
0xcd: {  	[tilespmem:s28], [sflag:$0x2] =	stream.indirect.gather [hbm4b:s4+s26], $0x80, s14, s26, $0xb8;
	[tilespmem:$0x1CC00] =	vst v63  }
0xce: {  	_ =	swait.ge [sflag:s29], $0x4000  }
0xcf: {  	[sflag:s29] =	ssyncset.done $0x0  }
0xd0: {  	s23 =	sadd.s32 $0x600, s9;
	[sflag:s29] =	ssyncadd.s32 $0xFFFFC000  }
0xd1: {  	[spmem:s1] =	stream.indirect.scatter.add.f32 [tilespmem:s21], [sflag:$0x4], $0x80, s23, s26, $0xb8;
	[tilespmem:$0x1CC00] =	vst v63  }
0xd2: {  	_ =	swait.ge [sflag:s22], $0x4000  }
0xd3: {  	[sflag:s22] =	ssyncset.done $0x0  }
0xd4: {  	s8 =	sadd.s32 $0x100, s9;
	[sflag:s22] =	ssyncadd.s32 $0xFFFFC000  }
0xd5: {  	[tilespmem:s21], [sflag:$0x1] =	stream.indirect.gather [hbm4b:s4+s26], $0x80, s8, s26, $0xb8;
	[tilespmem:$0x1CC00] =	vst v63  }
0xd6: {  	_ =	swait.ge [sflag:s30], $0x4000  }
0xd7: {  	[sflag:s30] =	ssyncset.done $0x0  }
0xd8: {  	s10 =	sadd.s32 $0x680, s9;
	[sflag:s30] =	ssyncadd.s32 $0xFFFFC000  }
0xd9: {  	[spmem:s1] =	stream.indirect.scatter.add.f32 [tilespmem:s28], [sflag:$0x4], $0x80, s10, s26, $0xb8;
	[tilespmem:$0x1CC00] =	vst v63  }
0xda: {  	_ =	swait.ge [sflag:s22], $0x4000  }
0xdb: {  	[sflag:s22] =	ssyncset.done $0x0  }
0xdc: {  	s11 =	sadd.s32 $0x180, s9;
	[sflag:s22] =	ssyncadd.s32 $0xFFFFC000  }
0xdd: {  	[tilespmem:s28], [sflag:$0x2] =	stream.indirect.gather [hbm4b:s4+s26], $0x80, s11, s26, $0xb8;
	[tilespmem:$0x1CC00] =	vst v63  }
0xde: {  	_ =	swait.ge [sflag:s29], $0x4000  }
0xdf: {  	[sflag:s29] =	ssyncset.done $0x0  }
0xe0: {  	s12 =	sadd.s32 $0x700, s9;
	[sflag:s29] =	ssyncadd.s32 $0xFFFFC000  }
0xe1: {  	[spmem:s1] =	stream.indirect.scatter.add.f32 [tilespmem:s21], [sflag:$0x4], $0x80, s12, s26, $0xb8;
	[tilespmem:$0x1CC00] =	vst v63  }
0xe2: {  	_ =	swait.ge [sflag:s22], $0x4000  }
0xe3: {  	[sflag:s22] =	ssyncset.done $0x0  }
0xe4: {  	s14 =	sadd.s32 $0x200, s9;
	[sflag:s22] =	ssyncadd.s32 $0xFFFFC000  }
0xe5: {  	[tilespmem:s21], [sflag:$0x1] =	stream.indirect.gather [hbm4b:s4+s26], $0x80, s14, s26, $0xb8;
	[tilespmem:$0x1CC00] =	vst v63  }
0xe6: {  	_ =	swait.ge [sflag:s30], $0x4000  }
0xe7: {  	[sflag:s30] =	ssyncset.done $0x0  }
0xe8: {  	s23 =	sadd.s32 $0x780, s9;
	[sflag:s30] =	ssyncadd.s32 $0xFFFFC000  }
0xe9: {  	[spmem:s1] =	stream.indirect.scatter.add.f32 [tilespmem:s28], [sflag:$0x4], $0x80, s23, s26, $0xb8;
	[tilespmem:$0x1CC00] =	vst v63  }
0xea: {  	_ =	swait.ge [sflag:s22], $0x4000  }
0xeb: {  	[sflag:s22] =	ssyncset.done $0x0  }
0xec: {  	s8 =	sadd.s32 $0x280, s9;
	[sflag:s22] =	ssyncadd.s32 $0xFFFFC000  }
0xed: {  	[tilespmem:s28], [sflag:$0x2] =	stream.indirect.gather [hbm4b:s4+s26], $0x80, s8, s26, $0xb8;
	[tilespmem:$0x1CC00] =	vst v63  }
0xee: {  	_ =	swait.ge [sflag:s29], $0x4000  }
0xef: {  	[sflag:s29] =	ssyncset.done $0x0  }
0xf0: {  	s10 =	sor.u32 $0x800, s9;
	[sflag:s29] =	ssyncadd.s32 $0xFFFFC000  }
0xf1: {  	[spmem:s1] =	stream.indirect.scatter.add.f32 [tilespmem:s21], [sflag:$0x4], $0x80, s10, s26, $0xb8;
	[tilespmem:$0x1CC00] =	vst v63  }
0xf2: {  	_ =	swait.ge [sflag:s22], $0x4000  }
0xf3: {  	[sflag:s22] =	ssyncset.done $0x0  }
0xf4: {  	[sflag:s22] =	ssyncadd.s32 $0xFFFFC000  }
0xf5: {  	_ =	swait.ge [sflag:s24], $0x300  }
0xf6: {  	[sflag:s24] =	ssyncset.done $0x0  }
0xf7: {  	[sflag:s24] =	ssyncadd.s32 $0xFFFFFD00  }
0xf8: {  	_ =	swait.ge [sflag:s24], $0x300  }
0xf9: {  	[sflag:s24] =	ssyncset.done $0x0  }
0xfa: {  	[sflag:s24] =	ssyncadd.s32 $0xFFFFFD00  }
0xfb: {  	[tilespmem:s21], [sflag:$0x1] =	stream.indirect.gather [hbm4b:s4+s26], $0x80, s0, s26, $0xb8;
	[tilespmem:$0x1CC00] =	vst v63  }
0xfc: {  	_ =	swait.ge [sflag:s30], $0x4000  }
0xfd: {  	[sflag:s30] =	ssyncset.done $0x0  }
0xfe: {  	s11 =	sor.u32 $0x880, s9;
	[sflag:s30] =	ssyncadd.s32 $0xFFFFC000  }
0xff: {  	[spmem:s1] =	stream.indirect.scatter.add.f32 [tilespmem:s28], [sflag:$0x4], $0x80, s11, s26, $0xb8;
	[tilespmem:$0x1CC00] =	vst v63  }
0x100: {  	_ =	swait.ge [sflag:s22], $0x4000  }
0x101: {  	[sflag:s22] =	ssyncset.done $0x0  }
0x102: {  	[sflag:s22] =	ssyncadd.s32 $0xFFFFC000  }
0x103: {  	_ =	swait.ge [sflag:s29], $0x4000  }
0x104: {  	[sflag:s29] =	ssyncset.done $0x0  }
0x105: {  	s0 =	simm.s32 @!p0 $0x0;
	s2 =	rddreg [dreg:$0x5];
	[sflag:s29] =	ssyncadd.s32 $0xFFFFC000  }
0x106: {  	[tilespmem:s0], [sflag:$0x3] =	stream.linear.gather @!p0 [hbm4b:s2+s0], $0x80, $0x38;
	[tilespmem:$0x1CC00] =	vst v63  }
0x107: {  	s8 =	rddreg [dreg:$0x6];
	s2 =	simm.s32 @!p0 $0x600  }
0x108: {  	[tilespmem:s2], [sflag:$0x3] =	stream.linear.gather @!p0 [hbm4b:s8+s0], $0x80, $0x38;
	[tilespmem:$0x1CC00] =	vst v63  }
0x109: {  	s8 =	simm.s32 @!p0 $0x3  }
0x10a: {  	_ =	swait.ge @!p0 [sflag:s8], $0x80  }
0x10b: {  	[sflag:s8] =	ssyncset.done @!p0 $0x0  }
0x10c: {  	[sflag:s8] =	ssyncadd.s32 @!p0 $0xFFFFFF80  }
0x10d: {  	_ =	swait.ge @!p0 [sflag:s8], $0x80  }
0x10e: {  	[sflag:s8] =	ssyncset.done @!p0 $0x0  }
0x10f: {  	s9 =	simm.s32 @!p0 $0xC00;
	[sflag:s8] =	ssyncadd.s32 @!p0 $0xFFFFFF80;
	s8 =	simm.s32 @!p0 $0x80  }
0x110: {  	[tilespmem:s9], [sflag:$0x1] =	stream.indirect.gather @!p0 [hbm4b:s4+s8], $0x80, s0, s8, $0xb8;
	[tilespmem:$0x1CC00] =	vst v63  }
0x111: {  	s0 =	simm.s32 @!p0 $0x1  }
0x112: {  	_ =	swait.ge @!p0 [sflag:s0], $0x4000  }
0x113: {  	[sflag:s0] =	ssyncset.done @!p0 $0x0  }
0x114: {  	[sflag:s0] =	ssyncadd.s32 @!p0 $0xFFFFC000;
	s0 =	simm.s32 @!p0 $0x4  }
0x115: {  	[spmem:s1] =	stream.indirect.scatter.add.f32 @!p0 [tilespmem:s9], [sflag:$0x4], $0x80, s2, s8, $0xb8;
	[tilespmem:$0x1CC00] =	vst v63  }
0x116: {  	_ =	swait.ge @!p0 [sflag:s0], $0x4000  }
0x117: {  	[sflag:s0] =	ssyncset.done @!p0 $0x0  }
0x118: {  	s12 =	stileid.u32;
	[sflag:s0] =	ssyncadd.s32 @!p0 $0xFFFFC000  }
0x119: {  	s0 =	sshll.u32 s12, $0x6;
	[bflag:$0x0] =	sbarrier.arrive $0xFFFF  }
0x11a: {  	s0 =	sor.u32 $0x1C04, s0;
	s14 =	rddreg [dreg:$0x7]  }
0x11b: {  	[hbm:s14], [sflag:s0] =	dma.local [spmem:s25], $0x2800  }
0x11c: {  	_ =	swait.ge [sflag:s22], $0x2800  }
0x11d: {  	s31 =	sadd.s32 $0x1, s31;
	s23 =	rddreg [dreg:$0x8]  }
0x11e: {  	p1 =	sne.s32 s31, s23  }
.Ltmp2:
0x11f: {  	_ = 	snop;
	(pc) =	sbr.rel @p1 .LBB2_1-.Ltmp2, $3  }
0x120: {  	_ =	sdelay $0x1  }
0x121: {  	[sflag:s22] =	ssyncset.done $0x0  }
0x122: {  	[sflag:s22] =	ssyncadd.s32 $0xFFFFD800  }
0x123: {  	_ =	sfence.sel $0x180000  }
0x124: {  	[bflag:$0x0] =	sbarrier.arrive $0xFFFF  }
0x125: {  	_ =	strace $0x9000004A  }
0x126: {  	s0 =	stileid.u32;
	[bflag:$0x2] =	sbarrier.arrive $0xFFFF  }
0x127: {  	p0 =	sne.s32 s0, $0x0;
	s0 =	rddreg [dreg:$0x2]  }
0x128: {  	s0 =	sadd.s32 @!p0 $0x100000, s0  }
0x129: {  	[sflag:s0] =	ssyncadd.tile.s32 @!p0 $0x1;
	_ =	shalt  }
.Lfunc_end2:
_tile_overlayer_lowered:
.L_overlay_start_2:
0x12a: {  	(tag) =	ssettag $0x2  }
0x12b: {  	s0 =	rddreg [dreg:$0x0];
	s2 =	stileid.u32  }
0x12c: {  	s1 =	rddreg [dreg:$0x1];
	p0 =	sne.s32 s2, $0x0  }
0x12d: {  	s3 =	rddreg [dreg:$0x2];
	[bflag:$0x3] =	sbarrier.arrive $0xFFFF;
	s2 =	simm.s32 @!p0 $0x1C04  }
0x12e: {  	[timem:s3], [sflag:s2] =	dma.local @!p0 [hbm:s0], s1  }
0x12f: {  	s0 =	simm.s32 @!p0 $0x4  }
0x130: {  	_ =	swait.ge @!p0 [sflag:s0], s1  }
0x131: {  	s1 =	ssub.s32 @!p0 $0x0, s1;
	[sflag:s0] =	ssyncset.done @!p0 $0x0  }
0x132: {  	[sflag:s0] =	ssyncadd.s32 @!p0 s1  }
0x133: {  	[bflag:$0x3] =	sbarrier.arrive $0xFFFF  }
0x134: {  	_ =	shalt  }

// kernel: kernel.14.cloned.1.call-start
scs
__scs_entry_jumppad:
0x0: {  	(pc) =	sbr.rel $0x88, $3  }
0x1: {  	(tag) =	ssettag $0x0;
	lr =	simm.s32 $0x1  }
0x2: {  	[smem:$0x3F99] =	sst lr;
	_ =	strace $0xD0000000  }
0x3: {  	_ = 	snop  }
0x4: {  	_ = 	snop  }
0x5: {  	_ = 	snop  }
0x6: {  	_ = 	snop  }
0x7: {  	_ = 	snop  }
__scs_overlays_trampoline_lowered:
0x8: {  	[smem:$0x3FA8] =	sst s0  }
0x9: {  	[smem:$0x3FA9] =	sst s1  }
0xa: {  	[smem:$0x3FAA] =	sst s2  }
0xb: {  	[smem:$0x3FAB] =	sst s3  }
0xc: {  	[smem:$0x3FAC] =	sst s4  }
0xd: {  	[smem:$0x3FAD] =	sst s5  }
0xe: {  	[smem:$0x3FAE] =	sst s6  }
0xf: {  	[smem:$0x3FAF] =	sst s7  }
0x10: {  	[smem:$0x3FB0] =	sst s8  }
0x11: {  	[smem:$0x3FB1] =	sst s9;
	s0 =	simm.s32 @!p0 $0x0  }
0x12: {  	s1 =	sld [smem:$0x3F97];
	s0 =	simm.s32 @p0 $0x1  }
0x13: {  	[smem:$0x3FB2] =	sst s0;
	s0 =	simm.s32 @!p1 $0x0  }
0x14: {  	s2 =	sld [smem:$0x3F96];
	s0 =	simm.s32 @p1 $0x1  }
0x15: {  	[smem:$0x3FB3] =	sst s0;
	s0 =	simm.s32 @!p2 $0x0  }
0x16: {  	s3 =	sld [smem:$0x3FDB];
	s0 =	simm.s32 @p2 $0x1  }
0x17: {  	s4 =	simm.s32 $0x1BF5;
	[smem:$0x3FB5] =	sst s0  }
0x18: {  	s0 =	sld [smem:$0x3F98];
	_ =	swait.ge [sflag:s4], $0x0  }
0x19: {  	s7 =	sld [smem:$0x3F99]  }
0x1a: {  	s8 =	sadd.s32 $0xFFFFE003, lr  }
0x1b: {  	s9 =	sadd.s32 $0xFFFFFEF7, lr;
	s5 =	simm.s32 $0xFFFFFFFF;
	p2 =	slt.u32 s8, $0xFFFFF086  }
0x1c: {  	p1 =	slt.u32 s9, $0xF7A;
	s5 =	simm.s32 @!p2 $0x0  }
0x1d: {  	s5 =	simm.s32 @p1 $0x1;
	p0 =	seq.s32 s7, s2  }
0x1e: {  	s7 =	smul.u32 @!p0 $0xF7A, s2;
	p2 =	seq.s32 @!p0 s5, $0x0  }
0x1f: {  	s9 =	smul.u32 $0xF7A, s1;
	s8 =	simm.s32 @!p0 $0x1BF5;
	p2 =	por !p2, p0  }
0x20: {  	[sflag:s8] =	ssyncset.s32 @!p0 $0xFFFFF086;
	s6 =	sadd.s32 @!p0 s3, s7;
	s7 =	simm.s32 @!p0 $0x108  }
0x21: {  	s3 =	sadd.s32 s3, s9;
	s6 =	sadd.s32 @!p0 $0x88, s6;
	s7 =	simm.s32 @p2 $0x1082  }
0x22: {  	[simem:s7], [sflag:s8] =	dma.local @!p0 [hbm:s6], $0xF7A  }
0x23: {  	s9 =	sor.u32 $0xD0000000, s2;
	s6 =	simm.s32 $0x108;
	_ =	swait.ge @!p0 [sflag:s8], $0x0  }
0x24: {  	s3 =	sadd.s32 $0x88, s3;
	s6 =	simm.s32 @!p1 $0x1082;
	[sflag:s4] =	ssyncset.s32 $0xFFFFF086  }
0x25: {  	[simem:s6], [sflag:s4] =	dma.local [hbm:s3], $0xF7A  }
0x26: {  	[smem:$0x3F99] =	sst s1;
	(tag) =	ssettag s2;
	_ =	strace s9  }
0x27: {  	s1 =	sld [smem:$0x3FA9]  }
0x28: {  	s2 =	sld [smem:$0x3FAA]  }
0x29: {  	s4 =	sld [smem:$0x3FAC]  }
0x2a: {  	p0 =	seq.s32 s5, $0x0;
	s5 =	sld [smem:$0x3FAD]  }
0x2b: {  	s6 =	sld [smem:$0x3FAE]  }
0x2c: {  	s7 =	sld [smem:$0x3FAF]  }
0x2d: {  	s3 =	simm.s32 $0x108;
	s8 =	sld [smem:$0x3FB0]  }
0x2e: {  	s3 =	simm.s32 @!p0 $0x1082;
	s9 =	sld [smem:$0x3FB1]  }
0x2f: {  	lr =	sadd.s32 s0, s3;
	s0 =	sld [smem:$0x3FA8]  }
0x30: {  	s3 =	sld [smem:$0x3FAB]  }
0x31: {  	[smem:$0x3FB4] =	sst s10  }
0x32: {  	s10 =	sld [smem:$0x3FB2];
	_ =	sdelay $0x3  }
0x33: {  	p0 =	seq.s32 s10, $0x1;
	s10 =	sld [smem:$0x3FB4];
	_ =	sdelay $0x3  }
0x34: {  	[smem:$0x3FB4] =	sst s10  }
0x35: {  	s10 =	sld [smem:$0x3FB3];
	_ =	sdelay $0x3  }
0x36: {  	p1 =	seq.s32 s10, $0x1;
	s10 =	sld [smem:$0x3FB4];
	_ =	sdelay $0x3  }
0x37: {  	[smem:$0x3FB4] =	sst s10  }
0x38: {  	s10 =	sld [smem:$0x3FB5]  }
0x39: {  	_ = 	snop;
	(pc) =	sbr.ind lr, $3  }
0x3a: {  	_ = 	snop  }
0x3b: {  	_ = 	snop  }
0x3c: {  	p2 =	seq.s32 s10, $0x1;
	s10 =	sld [smem:$0x3FB4]  }
0x3d: {  	_ =	shalt  }
0x3e: {  	_ =	shalt  }
0x3f: {  	_ =	shalt  }
0x40: {  	_ =	shalt  }
0x41: {  	_ =	shalt  }
0x42: {  	_ =	shalt  }
0x43: {  	_ =	shalt  }
0x44: {  	_ =	shalt  }
0x45: {  	_ =	shalt  }
0x46: {  	_ =	shalt  }
0x47: {  	_ =	shalt  }
0x48: {  	_ =	shalt  }
0x49: {  	_ =	shalt  }
0x4a: {  	_ =	shalt  }
0x4b: {  	_ =	shalt  }
0x4c: {  	_ =	shalt  }
0x4d: {  	_ =	shalt  }
0x4e: {  	_ =	shalt  }
0x4f: {  	_ =	shalt  }
0x50: {  	_ =	shalt  }
0x51: {  	_ =	shalt  }
0x52: {  	_ =	shalt  }
0x53: {  	_ =	shalt  }
0x54: {  	_ =	shalt  }
0x55: {  	_ =	shalt  }
0x56: {  	_ =	shalt  }
0x57: {  	_ =	shalt  }
0x58: {  	_ =	shalt  }
0x59: {  	_ =	shalt  }
0x5a: {  	_ =	shalt  }
0x5b: {  	_ =	shalt  }
0x5c: {  	_ =	shalt  }
0x5d: {  	_ =	shalt  }
0x5e: {  	_ =	shalt  }
0x5f: {  	_ =	shalt  }
0x60: {  	_ =	shalt  }
0x61: {  	_ =	shalt  }
0x62: {  	_ =	shalt  }
0x63: {  	_ =	shalt  }
0x64: {  	_ =	shalt  }
0x65: {  	_ =	shalt  }
0x66: {  	_ =	shalt  }
0x67: {  	_ =	shalt  }
0x68: {  	_ =	shalt  }
0x69: {  	_ =	shalt  }
0x6a: {  	_ =	shalt  }
0x6b: {  	_ =	shalt  }
0x6c: {  	_ =	shalt  }
0x6d: {  	_ =	shalt  }
0x6e: {  	_ =	shalt  }
0x6f: {  	_ =	shalt  }
0x70: {  	_ =	shalt  }
0x71: {  	_ =	shalt  }
0x72: {  	_ =	shalt  }
0x73: {  	_ =	shalt  }
0x74: {  	_ =	shalt  }
0x75: {  	_ =	shalt  }
0x76: {  	_ =	shalt  }
0x77: {  	_ =	shalt  }
0x78: {  	_ =	shalt  }
0x79: {  	_ =	shalt  }
0x7a: {  	_ =	shalt  }
0x7b: {  	_ =	shalt  }
0x7c: {  	_ =	shalt  }
0x7d: {  	_ =	shalt  }
0x7e: {  	_ =	shalt  }
0x7f: {  	_ =	shalt  }
0x80: {  	_ =	shalt  }
0x81: {  	_ =	shalt  }
0x82: {  	_ =	shalt  }
0x83: {  	_ =	shalt  }
0x84: {  	_ =	shalt  }
0x85: {  	_ =	shalt  }
0x86: {  	_ =	shalt  }
0x87: {  	_ =	shalt  }
.Lfunc_end0:
.L_simem_size_0:
called_computation.2_lowered:
.L_overlay_start_0:
0x88: {  	s2 =	sld [smem:$0x3FD9]  }
0x89: {  	s3 =	sld [smem:$0x3FFE];
	_ =	sdelay $0x1  }
0x8a: {  	s1 =	srdreg.scid  }
0x8b: {  	s0 =	sand.u32 $0x1, s1  }
0x8c: {  	s16 =	sshll.u32 s0, $0xA;
	s2 =	sadd.s32 s3, s2  }
0x8d: {  	s2 =	sadd.s32 s2, s16  }
0x8e: {  	[smem:$0x3FC0] =	sst s2  }
0x8f: {  	_ = 	snop  }
0x90: {  	(tm) =	ssettm $0x1  }
0x91: {  	s17 =	sld [smem:$0x3FFB];
	_ =	sdelay $0x3  }
0x92: {  	_ =	strace s17  }
0x93: {  	s2 =	sld [smem:$0x3FFC];
	_ =	sdelay $0x3  }
0x94: {  	_ =	strace s2  }
0x95: {  	s2 =	sld [smem:$0x3FFD];
	_ =	sdelay $0x3  }
0x96: {  	_ =	strace s2  }
0x97: {  	_ =	strace $0x8FFFFFFF  }
0x98: {  	s18 =	sld [smem:$0x3FDB];
	_ =	sdelay $0x1  }
0x99: {  	s19 =	simm.s32 $_scs_section_size  }
0x9a: {  	s4 =	simm.s32 $_size__tile_overlayer_lowered;
	s5 =	simm.s32 $_tile_overlayer_lowered  }
0x9b: {  	s22 =	simm.s32 $0x1BFF;
	s21 =	sshll.u32 s5, $0x1;
	s2 =	sadd.s32 s19, s18  }
0x9c: {  	s6 =	simm.s32 $0x0;
	s20 =	sshll.u32 s4, $0x1;
	s4 =	sadd.s32 s21, s2  }
0x9d: {  	[timem:s6], [sflag:s22] =	dma.local [hbm:s4], s20  }
0x9e: {  	_ =	swait.ge [sflag:s22], s20  }
0x9f: {  	s3 =	ssub.s32 $0x0, s20;
	[sflag:s22] =	ssyncset.done $0x0  }
0xa0: {  	[sflag:s22] =	ssyncadd.s32 s3;
	_ =	sdelay $0x1  }
0xa1: {  	s23 =	simm.s32 $0x1B8B  }
0xa2: {  	_ =	swait.ge [sflag:s23], $0x1  }
0xa3: {  	[sflag:s23] =	ssyncset.done $0x0  }
0xa4: {  	s25 =	simm.s32 $0x1B8E;
	s24 =	sld [smem:$0x3FFE];
	[sflag:s23] =	ssyncadd.s32 $0xFFFFFFFF  }
0xa5: {  	s26 =	simm.s32 $execute0_lowered;
	[smem:$0x3FD2] =	sst s25  }
0xa6: {  	s4 =	sshll.u32 s26, $0x1;
	_ =	strace $0x8000004C;
	[dreg:$0x1] =	wrdreg $0xFFFFFFFF  }
0xa7: {  	s28 =	simm.s32 $_size_execute0_lowered;
	s2 =	sadd.s32 s2, s4;
	[dreg:$0x0] =	wrdreg $0x0  }
0xa8: {  	s4 =	sshll.u32 s28, $0x1;
	[dreg:$0x2] =	wrdreg s2  }
0xa9: {  	[dreg:$0x3] =	wrdreg s4  }
0xaa: {  	[dreg:$0x4] =	wrdreg $0xC0  }
0xab: {  	_ =	task [dreg:s6], $0x5FFFF  }
0xac: {  	[dreg:$0x1] =	wrdreg $0xFFFFFFFF  }
0xad: {  	[dreg:$0x0] =	wrdreg $0x60  }
0xae: {  	[dreg:$0x2] =	wrdreg s24  }
0xaf: {  	[dreg:$0x3] =	wrdreg $0x4C000  }
0xb0: {  	[dreg:$0x4] =	wrdreg $0x9  }
0xb1: {  	_ =	task.clear_ibuf [dreg:s6], $0x5FFFF;
	_ =	strace $0x9000004C  }
0xb2: {  	s29 =	simm.s32 $0x9;
	_ =	strace $0x8000004E  }
0xb3: {  	_ =	swait.ge [sflag:s29], $0x1  }
0xb4: {  	[sflag:s29] =	ssyncadd.s32 $0xFFFFFFFF  }
0xb5: {  	_ =	strace $0x9000004E  }
0xb6: {  	_ =	sfence  }
0xb7: {  	s30 =	sld [smem:$0x0];
	_ =	sdelay $0x2  }
0xb8: {  	s31 =	sshll.u32 s1, $0xD;
	s1 =	sshrl.u32 s1, $0x2  }
0xb9: {  	s3 =	sand.u32 $0x4000, s31;
	s1 =	sadd.s32 s1, s30  }
0xba: {  	s0 =	sor.u32 s3, s0;
	s1 =	sshll.u32 s1, $0x11  }
0xbb: {  	s0 =	sor.u32 s1, s0  }
0xbc: {  	s0 =	sadd.s32 $0x8F2B, s0  }
0xbd: {  	[sflag:s0] =	ssyncadd.remote.s32 $0x1  }
0xbe: {  	_ =	sfence.sel $0xFFFF  }
0xbf: {  	[dreg:$0x0] =	wrdreg $0xFFFFFFFF;
	(pc) =	sbr.abs _section_cstart, $3  }
0xc0: {  	[dreg:$0x1] =	wrdreg $0xFFFFFFFF  }
0xc1: {  	_ =	task.clear_ibuf [dreg:s6], $0x2FFFF;
	_ =	strace $0x9FFFFFFF  }
0xc2: {  	(tm) =	ssettm $0x7FFFFFFF  }
0xc3: {  	_ =	shalt  }
tec
execute0_lowered:
.L_overlay_start_1:
0x0: {  	(tag) =	ssettag $0x1  }
0x1: {  	s0 =	rddreg [dreg:$0x0]  }
0x2: {  	s1 =	rddreg [dreg:$0x1]  }
0x3: {  	s3 =	simm.s32 $0x0;
	s2 =	srdreg.scid;
	s13 =	stileid.u32  }
0x4: {  	s28 =	simm.s32 $0x2C00;
	s29 =	simm.s32 $0x1;
	s30 =	simm.s32 $0x2  }
0x5: {  	s31 =	simm.s32 $0x0;
	[smem:$0x7FF] =	sst s3;
	s8 =	smul.u32 $0xA000, s13  }
0x6: {  	s2 =	sand.u32 $0x1, s2;
	s5 =	sadd.s32 $0x2600, s0;
	s21 =	smul.u32 $0x28000, s13  }
0x7: {  	s6 =	smul.u32 $0xA0000, s2;
	s4 =	sshll.u32 s2, $0x4;
	_ =	strace $0x8000004D  }
0x8: {  	s2 =	ssub.s32 $0x2, s2;
	s9 =	sor.u32 s13, s4;
	s4 =	sadd.s32 $0x16000, s0  }
0x9: {  	s12 =	sshrl.u32 s2, $0x1;
	s26 =	sshrl.u32 s21, $0x2;
	s21 =	simm.s32 $0xC00  }
0xa: {  	s7 =	smul.u32 $0x4E, s9;
	s6 =	sadd.s32 s8, s6;
	s10 =	smin.u32 s9, $0x4  }
0xb: {  	s2 =	ssub.s32 s2, s12;
	s8 =	sadd.s32 s8, s1;
	s13 =	sadd.s32 s26, s1  }
0xc: {  	p0 =	sgt.u32 s9, $0x3;
	s26 =	simm.s32 $0x80;
	s11 =	sshrl.u32 s6, $0x3  }
0xd: {  	s2 =	smax.u32 s2, $0x1;
	s15 =	sadd.s32 $0x2800, s13;
	s16 =	sadd.s32 $0x3C00, s13  }
0xe: {  	s17 =	sadd.s32 $0x5000, s13;
	s18 =	sadd.s32 $0x6400, s13;
	s6 =	sadd.s32 s10, s7  }
0xf: {  	s20 =	sadd.s32 s11, s0;
	s0 =	sadd.s32 $0xC240, s0;
	[dreg:$0x8] =	wrdreg s2  }
0x10: {  	s7 =	sshll.u32 s6, $0x4;
	[dreg:$0x3] =	wrdreg s0;
	s25 =	sadd.s32 $0x2A000, s20  }
0x11: {  	s0 =	sadd.s32 $0x1400, s13;
	s7 =	sadd.s32 s5, s7;
	[dreg:$0x7] =	wrdreg s25  }
0x12: {  	s19 =	sadd.s32 $0x7800, s13;
	[dreg:$0x9] =	wrdreg s0;
	s22 =	sadd.s32 $0x9C40, s7  }
0x13: {  	s20 =	sadd.s32 $0x8C00, s13;
	s23 =	sadd.s32 $0x4E0, s7;
	[dreg:$0x4] =	wrdreg s22  }
0x14: {  	s25 =	sshrl.u32 s8, $0x3;
	s24 =	sadd.s32 $0xA120, s7;
	[dreg:$0x5] =	wrdreg s23  }
0x15: {  	v0 =	vimm.f32 $0.0e+00;
	[dreg:$0x6] =	wrdreg s24;
	s22 =	simm.s32 $0x4;
	s24 =	simm.s32 $0x3  }
.LBB2_1:
0x16: {  	s2 =	simm.s32 $0x100;
	s0 =	simm.s32 $0x0  }
.LBB2_2:
0x17: {  	p1 =	sne.s32 s2, $0x4F00;
	[tilespmem:s0+$0xC30] =	vst v0;
	s8 =	smov.u32 s2;
	s2 =	sadd.s32 $0x100, s2  }
.Ltmp0:
0x18: {  	[tilespmem:s0+$0xC20] =	vst v0;
	(pc) =	sbr.rel @p1 .LBB2_2-.Ltmp0, $3  }
0x19: {  	[tilespmem:s0+$0xC00] =	vst v0  }
0x1a: {  	[tilespmem:s0+$0xC10] =	vst v0;
	_ =	sdelay $0x1  }
0x1b: {  	s0 =	sshra.s32 s8, $0x2  }
0x1c: {  	[tilespmem:s0+$0xC30] =	vst v0  }
0x1d: {  	[tilespmem:s0+$0xC20] =	vst v0  }
0x1e: {  	[tilespmem:s0+$0xC00] =	vst v0  }
0x1f: {  	[tilespmem:s0+$0xC10] =	vst v0  }
0x20: {  	[spmem:s13] =	stream.linear.scatter [tilespmem:s21], [sflag:$0x4], $0x1400, $0x38;
	[tilespmem:$0xEC00] =	vst v63  }
0x21: {  	_ =	swait.ge [sflag:s22], $0x1400  }
0x22: {  	[sflag:s22] =	ssyncset.done $0x0  }
0x23: {  	s12 =	rddreg [dreg:$0x9];
	[sflag:s22] =	ssyncadd.s32 $0xFFFFEC00  }
0x24: {  	[spmem:s12] =	stream.linear.scatter [tilespmem:s21], [sflag:$0x4], $0x1400, $0x38;
	[tilespmem:$0xEC00] =	vst v63  }
0x25: {  	_ =	swait.ge [sflag:s22], $0x1400  }
0x26: {  	[sflag:s22] =	ssyncset.done $0x0  }
0x27: {  	[sflag:s22] =	ssyncadd.s32 $0xFFFFEC00  }
0x28: {  	[spmem:s15] =	stream.linear.scatter [tilespmem:s21], [sflag:$0x4], $0x1400, $0x38;
	[tilespmem:$0xEC00] =	vst v63  }
0x29: {  	_ =	swait.ge [sflag:s22], $0x1400  }
0x2a: {  	[sflag:s22] =	ssyncset.done $0x0  }
0x2b: {  	[sflag:s22] =	ssyncadd.s32 $0xFFFFEC00  }
0x2c: {  	[spmem:s16] =	stream.linear.scatter [tilespmem:s21], [sflag:$0x4], $0x1400, $0x38;
	[tilespmem:$0xEC00] =	vst v63  }
0x2d: {  	_ =	swait.ge [sflag:s22], $0x1400  }
0x2e: {  	[sflag:s22] =	ssyncset.done $0x0  }
0x2f: {  	[sflag:s22] =	ssyncadd.s32 $0xFFFFEC00  }
0x30: {  	[spmem:s17] =	stream.linear.scatter [tilespmem:s21], [sflag:$0x4], $0x1400, $0x38;
	[tilespmem:$0xEC00] =	vst v63  }
0x31: {  	_ =	swait.ge [sflag:s22], $0x1400  }
0x32: {  	[sflag:s22] =	ssyncset.done $0x0  }
0x33: {  	[sflag:s22] =	ssyncadd.s32 $0xFFFFEC00  }
0x34: {  	[spmem:s18] =	stream.linear.scatter [tilespmem:s21], [sflag:$0x4], $0x1400, $0x38;
	[tilespmem:$0xEC00] =	vst v63  }
0x35: {  	_ =	swait.ge [sflag:s22], $0x1400  }
0x36: {  	[sflag:s22] =	ssyncset.done $0x0  }
0x37: {  	[sflag:s22] =	ssyncadd.s32 $0xFFFFEC00  }
0x38: {  	[spmem:s19] =	stream.linear.scatter [tilespmem:s21], [sflag:$0x4], $0x1400, $0x38;
	[tilespmem:$0xEC00] =	vst v63  }
0x39: {  	_ =	swait.ge [sflag:s22], $0x1400  }
0x3a: {  	[sflag:s22] =	ssyncset.done $0x0  }
0x3b: {  	[sflag:s22] =	ssyncadd.s32 $0xFFFFEC00  }
0x3c: {  	[spmem:s20] =	stream.linear.scatter [tilespmem:s21], [sflag:$0x4], $0x1400, $0x38;
	[tilespmem:$0xEC00] =	vst v63  }
0x3d: {  	_ =	swait.ge [sflag:s22], $0x1400  }
0x3e: {  	[sflag:s22] =	ssyncset.done $0x0  }
0x3f: {  	[sflag:s22] =	ssyncadd.s32 $0xFFFFEC00  }
0x40: {  	s14 =	simm.s32 $0x0;
	[bflag:$0x0] =	sbarrier.arrive $0xFFFF  }
0x41: {  	[tilespmem:s14], [sflag:$0x3] =	stream.linear.gather [hbm4b:s7+s14], $0x300, $0x38;
	[tilespmem:$0xEC00] =	vst v63  }
0x42: {  	s8 =	simm.s32 $0x600;
	s2 =	rddreg [dreg:$0x4]  }
0x43: {  	[tilespmem:s8], [sflag:$0x3] =	stream.linear.gather [hbm4b:s2+s14], $0x300, $0x38;
	[tilespmem:$0xEC00] =	vst v63  }
0x44: {  	_ =	swait.ge [sflag:s24], $0x300  }
0x45: {  	[sflag:s24] =	ssyncset.done $0x0  }
0x46: {  	p1 =	por $0x0, $0x0;
	s2 =	simm.s32 $0x6;
	[sflag:s24] =	ssyncadd.s32 $0xFFFFFD00  }
0x47: {  	s23 =	sand.u32 $0x1, s14;
	s2 =	simm.s32 @p1 $0x0;
	_ =	swait.ge [sflag:s24], $0x300  }
0x48: {  	s11 =	sxor.u32 $0x1, s23;
	s10 =	sadd.s32 s6, s2;
	[sflag:s24] =	ssyncset.done $0x0  }
0x49: {  	s0 =	smul.u32 $0x300, s11;
	s9 =	sshll.u32 s10, $0x4;
	[sflag:s24] =	ssyncadd.s32 $0xFFFFFD00  }
0x4a: {  	[tilespmem:s21], [sflag:$0x1] =	stream.indirect.gather [hbm4b:s4+s26], $0x40, s14, s26, $0xb8;
	[tilespmem:$0xEC00] =	vst v63  }
0x4b: {  	s10 =	sadd.s32 s5, s9;
	s12 =	rddreg [dreg:$0x3]  }
0x4c: {  	[tilespmem:s0], [sflag:$0x3] =	stream.linear.gather [hbm4b:s10+s3], $0x300, $0x38;
	[tilespmem:$0xEC00] =	vst v63  }
0x4d: {  	s8 =	smul.u32 $0x300, s23;
	s2 =	sadd.s32 s9, s12;
	s14 =	sadd.s32 $0x600, s0  }
0x4e: {  	[tilespmem:s14], [sflag:$0x3] =	stream.linear.gather [hbm4b:s2+s3], $0x300, $0x38;
	[tilespmem:$0xEC00] =	vst v63  }
0x4f: {  	s23 =	sor.u32 $0x80, s8  }
0x50: {  	[tilespmem:s28], [sflag:$0x2] =	stream.indirect.gather [hbm4b:s4+s26], $0x40, s23, s26, $0xb8;
	[tilespmem:$0xEC00] =	vst v63  }
0x51: {  	_ =	swait.ge [sflag:s29], $0x2000  }
0x52: {  	[sflag:s29] =	ssyncset.done $0x0  }
0x53: {  	s9 =	sadd.s32 $0x600, s8;
	[sflag:s29] =	ssyncadd.s32 $0xFFFFE000  }
0x54: {  	[spmem:s1] =	stream.indirect.scatter.add.f32 [tilespmem:s21], [sflag:$0x4], $0x40, s9, s26, $0xb8;
	[tilespmem:$0xEC00] =	vst v63  }
0x55: {  	_ =	swait.ge [sflag:s22], $0x2000  }
0x56: {  	[sflag:s22] =	ssyncset.done $0x0  }
0x57: {  	s10 =	sadd.s32 $0x100, s8;
	[sflag:s22] =	ssyncadd.s32 $0xFFFFE000  }
0x58: {  	[tilespmem:s21], [sflag:$0x1] =	stream.indirect.gather [hbm4b:s4+s26], $0x40, s10, s26, $0xb8;
	[tilespmem:$0xEC00] =	vst v63  }
0x59: {  	_ =	swait.ge [sflag:s30], $0x2000  }
0x5a: {  	[sflag:s30] =	ssyncset.done $0x0  }
0x5b: {  	s11 =	sadd.s32 $0x680, s8;
	[sflag:s30] =	ssyncadd.s32 $0xFFFFE000  }
0x5c: {  	[spmem:s1] =	stream.indirect.scatter.add.f32 [tilespmem:s28], [sflag:$0x4], $0x40, s11, s26, $0xb8;
	[tilespmem:$0xEC00] =	vst v63  }
0x5d: {  	_ =	swait.ge [sflag:s22], $0x2000  }
0x5e: {  	[sflag:s22] =	ssyncset.done $0x0  }
0x5f: {  	s12 =	sadd.s32 $0x180, s8;
	[sflag:s22] =	ssyncadd.s32 $0xFFFFE000  }
0x60: {  	[tilespmem:s28], [sflag:$0x2] =	stream.indirect.gather [hbm4b:s4+s26], $0x40, s12, s26, $0xb8;
	[tilespmem:$0xEC00] =	vst v63  }
0x61: {  	_ =	swait.ge [sflag:s29], $0x2000  }
0x62: {  	[sflag:s29] =	ssyncset.done $0x0  }
0x63: {  	s14 =	sadd.s32 $0x700, s8;
	[sflag:s29] =	ssyncadd.s32 $0xFFFFE000  }
0x64: {  	[spmem:s1] =	stream.indirect.scatter.add.f32 [tilespmem:s21], [sflag:$0x4], $0x40, s14, s26, $0xb8;
	[tilespmem:$0xEC00] =	vst v63  }
0x65: {  	_ =	swait.ge [sflag:s22], $0x2000  }
0x66: {  	[sflag:s22] =	ssyncset.done $0x0  }
0x67: {  	s23 =	sadd.s32 $0x200, s8;
	[sflag:s22] =	ssyncadd.s32 $0xFFFFE000  }
0x68: {  	[tilespmem:s21], [sflag:$0x1] =	stream.indirect.gather [hbm4b:s4+s26], $0x40, s23, s26, $0xb8;
	[tilespmem:$0xEC00] =	vst v63  }
0x69: {  	_ =	swait.ge [sflag:s30], $0x2000  }
0x6a: {  	[sflag:s30] =	ssyncset.done $0x0  }
0x6b: {  	s9 =	sadd.s32 $0x780, s8;
	[sflag:s30] =	ssyncadd.s32 $0xFFFFE000  }
0x6c: {  	[spmem:s1] =	stream.indirect.scatter.add.f32 [tilespmem:s28], [sflag:$0x4], $0x40, s9, s26, $0xb8;
	[tilespmem:$0xEC00] =	vst v63  }
0x6d: {  	_ =	swait.ge [sflag:s22], $0x2000  }
0x6e: {  	[sflag:s22] =	ssyncset.done $0x0  }
0x6f: {  	s10 =	sadd.s32 $0x280, s8;
	[sflag:s22] =	ssyncadd.s32 $0xFFFFE000  }
0x70: {  	[tilespmem:s28], [sflag:$0x2] =	stream.indirect.gather [hbm4b:s4+s26], $0x40, s10, s26, $0xb8;
	[tilespmem:$0xEC00] =	vst v63  }
0x71: {  	_ =	swait.ge [sflag:s29], $0x2000  }
0x72: {  	[sflag:s29] =	ssyncset.done $0x0  }
0x73: {  	s11 =	sor.u32 $0x800, s8;
	[sflag:s29] =	ssyncadd.s32 $0xFFFFE000  }
0x74: {  	[spmem:s1] =	stream.indirect.scatter.add.f32 [tilespmem:s21], [sflag:$0x4], $0x40, s11, s26, $0xb8;
	[tilespmem:$0xEC00] =	vst v63  }
0x75: {  	_ =	swait.ge [sflag:s22], $0x2000  }
0x76: {  	[sflag:s22] =	ssyncset.done $0x0  }
0x77: {  	[sflag:s22] =	ssyncadd.s32 $0xFFFFE000  }
0x78: {  	_ =	swait.ge [sflag:s24], $0x300  }
0x79: {  	[sflag:s24] =	ssyncset.done $0x0  }
0x7a: {  	[sflag:s24] =	ssyncadd.s32 $0xFFFFFD00  }
0x7b: {  	_ =	swait.ge [sflag:s24], $0x300  }
0x7c: {  	p1 =	por $0x0, $0x0;
	s2 =	simm.s32 $0xC;
	[sflag:s24] =	ssyncset.done $0x0  }
0x7d: {  	s2 =	simm.s32 @p1 $0x0;
	[sflag:s24] =	ssyncadd.s32 $0xFFFFFD00  }
0x7e: {  	[tilespmem:s21], [sflag:$0x1] =	stream.indirect.gather [hbm4b:s4+s26], $0x40, s0, s26, $0xb8;
	[tilespmem:$0xEC00] =	vst v63  }
0x7f: {  	s2 =	sadd.s32 s6, s2;
	s12 =	sor.u32 $0x880, s8;
	_ =	swait.ge [sflag:s30], $0x2000  }
0x80: {  	s14 =	simm.s32 $0x1;
	s23 =	simm.s32 $0x2;
	[sflag:s30] =	ssyncset.done $0x0  }
0x81: {  	s9 =	sand.u32 $0x1, s14;
	s0 =	simm.s32 $0xC;
	[sflag:s30] =	ssyncadd.s32 $0xFFFFE000  }
0x82: {  	[spmem:s1] =	stream.indirect.scatter.add.f32 [tilespmem:s28], [sflag:$0x4], $0x40, s12, s26, $0xb8;
	[tilespmem:$0xEC00] =	vst v63  }
.LBB2_4:
0x83: {  	s8 =	sxor.u32 $0x1, s9;
	s11 =	sshll.u32 s2, $0x4  }
0x84: {  	s2 =	smov.u32 s23;
	s10 =	sadd.s32 $0x1, s23;
	_ =	swait.ge [sflag:s22], $0x2000  }
0x85: {  	p1 =	sne.s32 s23, $0xC;
	s8 =	smul.u32 $0x300, s8;
	[sflag:s22] =	ssyncset.done $0x0  }
0x86: {  	s12 =	sadd.s32 s5, s11;
	s23 =	rddreg [dreg:$0x3];
	[sflag:s22] =	ssyncadd.s32 $0xFFFFE000  }
0x87: {  	[tilespmem:s8], [sflag:$0x3] =	stream.linear.gather [hbm4b:s12+s3], $0x300, $0x38;
	[tilespmem:$0xEC00] =	vst v63  }
0x88: {  	s9 =	smul.u32 $0x300, s9;
	s11 =	sadd.s32 s11, s23;
	s14 =	sadd.s32 $0x600, s8  }
0x89: {  	[tilespmem:s14], [sflag:$0x3] =	stream.linear.gather [hbm4b:s11+s3], $0x300, $0x38;
	[tilespmem:$0xEC00] =	vst v63  }
0x8a: {  	s23 =	sor.u32 $0x80, s9  }
0x8b: {  	[tilespmem:s28], [sflag:$0x2] =	stream.indirect.gather [hbm4b:s4+s26], $0x40, s23, s26, $0xb8;
	[tilespmem:$0xEC00] =	vst v63  }
0x8c: {  	_ =	swait.ge [sflag:s29], $0x2000  }
0x8d: {  	[sflag:s29] =	ssyncset.done $0x0  }
0x8e: {  	s23 =	sadd.s32 $0x600, s9;
	[sflag:s29] =	ssyncadd.s32 $0xFFFFE000  }
0x8f: {  	[spmem:s1] =	stream.indirect.scatter.add.f32 [tilespmem:s21], [sflag:$0x4], $0x40, s23, s26, $0xb8;
	[tilespmem:$0xEC00] =	vst v63  }
0x90: {  	_ =	swait.ge [sflag:s22], $0x2000  }
0x91: {  	[sflag:s22] =	ssyncset.done $0x0  }
0x92: {  	s12 =	sadd.s32 $0x100, s9;
	[sflag:s22] =	ssyncadd.s32 $0xFFFFE000  }
0x93: {  	[tilespmem:s21], [sflag:$0x1] =	stream.indirect.gather [hbm4b:s4+s26], $0x40, s12, s26, $0xb8;
	[tilespmem:$0xEC00] =	vst v63  }
0x94: {  	_ =	swait.ge [sflag:s30], $0x2000  }
0x95: {  	[sflag:s30] =	ssyncset.done $0x0  }
0x96: {  	s14 =	sadd.s32 $0x680, s9;
	[sflag:s30] =	ssyncadd.s32 $0xFFFFE000  }
0x97: {  	[spmem:s1] =	stream.indirect.scatter.add.f32 [tilespmem:s28], [sflag:$0x4], $0x40, s14, s26, $0xb8;
	[tilespmem:$0xEC00] =	vst v63  }
0x98: {  	_ =	swait.ge [sflag:s22], $0x2000  }
0x99: {  	[sflag:s22] =	ssyncset.done $0x0  }
0x9a: {  	s23 =	sadd.s32 $0x180, s9;
	[sflag:s22] =	ssyncadd.s32 $0xFFFFE000  }
0x9b: {  	[tilespmem:s28], [sflag:$0x2] =	stream.indirect.gather [hbm4b:s4+s26], $0x40, s23, s26, $0xb8;
	[tilespmem:$0xEC00] =	vst v63  }
0x9c: {  	_ =	swait.ge [sflag:s29], $0x2000  }
0x9d: {  	[sflag:s29] =	ssyncset.done $0x0  }
0x9e: {  	s12 =	sadd.s32 $0x700, s9;
	[sflag:s29] =	ssyncadd.s32 $0xFFFFE000  }
0x9f: {  	[spmem:s1] =	stream.indirect.scatter.add.f32 [tilespmem:s21], [sflag:$0x4], $0x40, s12, s26, $0xb8;
	[tilespmem:$0xEC00] =	vst v63  }
0xa0: {  	_ =	swait.ge [sflag:s22], $0x2000  }
0xa1: {  	[sflag:s22] =	ssyncset.done $0x0  }
0xa2: {  	s14 =	sadd.s32 $0x200, s9;
	[sflag:s22] =	ssyncadd.s32 $0xFFFFE000  }
0xa3: {  	[tilespmem:s21], [sflag:$0x1] =	stream.indirect.gather [hbm4b:s4+s26], $0x40, s14, s26, $0xb8;
	[tilespmem:$0xEC00] =	vst v63  }
0xa4: {  	_ =	swait.ge [sflag:s30], $0x2000  }
0xa5: {  	[sflag:s30] =	ssyncset.done $0x0  }
0xa6: {  	s23 =	sadd.s32 $0x780, s9;
	[sflag:s30] =	ssyncadd.s32 $0xFFFFE000  }
0xa7: {  	[spmem:s1] =	stream.indirect.scatter.add.f32 [tilespmem:s28], [sflag:$0x4], $0x40, s23, s26, $0xb8;
	[tilespmem:$0xEC00] =	vst v63  }
0xa8: {  	_ =	swait.ge [sflag:s22], $0x2000  }
0xa9: {  	[sflag:s22] =	ssyncset.done $0x0  }
0xaa: {  	s12 =	sadd.s32 $0x280, s9;
	[sflag:s22] =	ssyncadd.s32 $0xFFFFE000  }
0xab: {  	[tilespmem:s28], [sflag:$0x2] =	stream.indirect.gather [hbm4b:s4+s26], $0x40, s12, s26, $0xb8;
	[tilespmem:$0xEC00] =	vst v63  }
0xac: {  	_ =	swait.ge [sflag:s29], $0x2000  }
0xad: {  	[sflag:s29] =	ssyncset.done $0x0  }
0xae: {  	s14 =	sor.u32 $0x800, s9;
	[sflag:s29] =	ssyncadd.s32 $0xFFFFE000  }
0xaf: {  	[spmem:s1] =	stream.indirect.scatter.add.f32 [tilespmem:s21], [sflag:$0x4], $0x40, s14, s26, $0xb8;
	[tilespmem:$0xEC00] =	vst v63  }
0xb0: {  	_ =	swait.ge [sflag:s22], $0x2000  }
0xb1: {  	[sflag:s22] =	ssyncset.done $0x0  }
0xb2: {  	[sflag:s22] =	ssyncadd.s32 $0xFFFFE000  }
0xb3: {  	_ =	swait.ge [sflag:s24], $0x300  }
0xb4: {  	[sflag:s24] =	ssyncset.done $0x0  }
0xb5: {  	[sflag:s24] =	ssyncadd.s32 $0xFFFFFD00  }
0xb6: {  	_ =	swait.ge [sflag:s24], $0x300  }
0xb7: {  	[sflag:s24] =	ssyncset.done $0x0  }
0xb8: {  	[sflag:s24] =	ssyncadd.s32 $0xFFFFFD00  }
0xb9: {  	[tilespmem:s21], [sflag:$0x1] =	stream.indirect.gather [hbm4b:s4+s26], $0x40, s8, s26, $0xb8;
	[tilespmem:$0xEC00] =	vst v63  }
.Ltmp1:
0xba: {  	s0 =	sadd.s32 $0x6, s0;
	_ =	swait.ge [sflag:s30], $0x2000;
	(pc) =	sbr.rel @p1 .LBB2_4-.Ltmp1, $4  }
0xbb: {  	p2 =	seq.s32 s0, $0x4E;
	s11 =	smov.u32 s0;
	[sflag:s30] =	ssyncset.done $0x0  }
0xbc: {  	s11 =	simm.s32 @p2 $0x0;
	s23 =	sor.u32 $0x880, s9;
	[sflag:s30] =	ssyncadd.s32 $0xFFFFE000  }
0xbd: {  	[spmem:s1] =	stream.indirect.scatter.add.f32 [tilespmem:s28], [sflag:$0x4], $0x40, s23, s26, $0xb8;
	[tilespmem:$0xEC00] =	vst v63  }
0xbe: {  	s9 =	sand.u32 $0x1, s2;
	s2 =	sadd.s32 s6, s11;
	s23 =	smov.u32 s10  }
0xbf: {  	s0 =	sxor.u32 $0x1, s9;
	_ =	swait.ge [sflag:s22], $0x2000  }
0xc0: {  	s2 =	sshll.u32 s2, $0x4;
	s0 =	smul.u32 $0x300, s0;
	[sflag:s22] =	ssyncset.done $0x0  }
0xc1: {  	s8 =	rddreg [dreg:$0x3];
	s10 =	sadd.s32 s5, s2;
	[sflag:s22] =	ssyncadd.s32 $0xFFFFE000  }
0xc2: {  	[tilespmem:s0], [sflag:$0x3] =	stream.linear.gather [hbm4b:s10+s3], $0x300, $0x38;
	[tilespmem:$0xEC00] =	vst v63  }
0xc3: {  	s9 =	smul.u32 $0x300, s9;
	s2 =	sadd.s32 s2, s8;
	s12 =	sadd.s32 $0x600, s0  }
0xc4: {  	[tilespmem:s12], [sflag:$0x3] =	stream.linear.gather [hbm4b:s2+s3], $0x300, $0x38;
	[tilespmem:$0xEC00] =	vst v63  }
0xc5: {  	s14 =	sor.u32 $0x80, s9  }
0xc6: {  	[tilespmem:s28], [sflag:$0x2] =	stream.indirect.gather [hbm4b:s4+s26], $0x40, s14, s26, $0xb8;
	[tilespmem:$0xEC00] =	vst v63  }
0xc7: {  	_ =	swait.ge [sflag:s29], $0x2000  }
0xc8: {  	[sflag:s29] =	ssyncset.done $0x0  }
0xc9: {  	s23 =	sadd.s32 $0x600, s9;
	[sflag:s29] =	ssyncadd.s32 $0xFFFFE000  }
0xca: {  	[spmem:s1] =	stream.indirect.scatter.add.f32 [tilespmem:s21], [sflag:$0x4], $0x40, s23, s26, $0xb8;
	[tilespmem:$0xEC00] =	vst v63  }
0xcb: {  	_ =	swait.ge [sflag:s22], $0x2000  }
0xcc: {  	[sflag:s22] =	ssyncset.done $0x0  }
0xcd: {  	s8 =	sadd.s32 $0x100, s9;
	[sflag:s22] =	ssyncadd.s32 $0xFFFFE000  }
0xce: {  	[tilespmem:s21], [sflag:$0x1] =	stream.indirect.gather [hbm4b:s4+s26], $0x40, s8, s26, $0xb8;
	[tilespmem:$0xEC00] =	vst v63  }
0xcf: {  	_ =	swait.ge [sflag:s30], $0x2000  }
0xd0: {  	[sflag:s30] =	ssyncset.done $0x0  }
0xd1: {  	s10 =	sadd.s32 $0x680, s9;
	[sflag:s30] =	ssyncadd.s32 $0xFFFFE000  }
0xd2: {  	[spmem:s1] =	stream.indirect.scatter.add.f32 [tilespmem:s28], [sflag:$0x4], $0x40, s10, s26, $0xb8;
	[tilespmem:$0xEC00] =	vst v63  }
0xd3: {  	_ =	swait.ge [sflag:s22], $0x2000  }
0xd4: {  	[sflag:s22] =	ssyncset.done $0x0  }
0xd5: {  	s11 =	sadd.s32 $0x180, s9;
	[sflag:s22] =	ssyncadd.s32 $0xFFFFE000  }
0xd6: {  	[tilespmem:s28], [sflag:$0x2] =	stream.indirect.gather [hbm4b:s4+s26], $0x40, s11, s26, $0xb8;
	[tilespmem:$0xEC00] =	vst v63  }
0xd7: {  	_ =	swait.ge [sflag:s29], $0x2000  }
0xd8: {  	[sflag:s29] =	ssyncset.done $0x0  }
0xd9: {  	s12 =	sadd.s32 $0x700, s9;
	[sflag:s29] =	ssyncadd.s32 $0xFFFFE000  }
0xda: {  	[spmem:s1] =	stream.indirect.scatter.add.f32 [tilespmem:s21], [sflag:$0x4], $0x40, s12, s26, $0xb8;
	[tilespmem:$0xEC00] =	vst v63  }
0xdb: {  	_ =	swait.ge [sflag:s22], $0x2000  }
0xdc: {  	[sflag:s22] =	ssyncset.done $0x0  }
0xdd: {  	s14 =	sadd.s32 $0x200, s9;
	[sflag:s22] =	ssyncadd.s32 $0xFFFFE000  }
0xde: {  	[tilespmem:s21], [sflag:$0x1] =	stream.indirect.gather [hbm4b:s4+s26], $0x40, s14, s26, $0xb8;
	[tilespmem:$0xEC00] =	vst v63  }
0xdf: {  	_ =	swait.ge [sflag:s30], $0x2000  }
0xe0: {  	[sflag:s30] =	ssyncset.done $0x0  }
0xe1: {  	s23 =	sadd.s32 $0x780, s9;
	[sflag:s30] =	ssyncadd.s32 $0xFFFFE000  }
0xe2: {  	[spmem:s1] =	stream.indirect.scatter.add.f32 [tilespmem:s28], [sflag:$0x4], $0x40, s23, s26, $0xb8;
	[tilespmem:$0xEC00] =	vst v63  }
0xe3: {  	_ =	swait.ge [sflag:s22], $0x2000  }
0xe4: {  	[sflag:s22] =	ssyncset.done $0x0  }
0xe5: {  	s8 =	sadd.s32 $0x280, s9;
	[sflag:s22] =	ssyncadd.s32 $0xFFFFE000  }
0xe6: {  	[tilespmem:s28], [sflag:$0x2] =	stream.indirect.gather [hbm4b:s4+s26], $0x40, s8, s26, $0xb8;
	[tilespmem:$0xEC00] =	vst v63  }
0xe7: {  	_ =	swait.ge [sflag:s29], $0x2000  }
0xe8: {  	[sflag:s29] =	ssyncset.done $0x0  }
0xe9: {  	s10 =	sor.u32 $0x800, s9;
	[sflag:s29] =	ssyncadd.s32 $0xFFFFE000  }
0xea: {  	[spmem:s1] =	stream.indirect.scatter.add.f32 [tilespmem:s21], [sflag:$0x4], $0x40, s10, s26, $0xb8;
	[tilespmem:$0xEC00] =	vst v63  }
0xeb: {  	_ =	swait.ge [sflag:s22], $0x2000  }
0xec: {  	[sflag:s22] =	ssyncset.done $0x0  }
0xed: {  	[sflag:s22] =	ssyncadd.s32 $0xFFFFE000  }
0xee: {  	_ =	swait.ge [sflag:s24], $0x300  }
0xef: {  	[sflag:s24] =	ssyncset.done $0x0  }
0xf0: {  	[sflag:s24] =	ssyncadd.s32 $0xFFFFFD00  }
0xf1: {  	_ =	swait.ge [sflag:s24], $0x300  }
0xf2: {  	[sflag:s24] =	ssyncset.done $0x0  }
0xf3: {  	[sflag:s24] =	ssyncadd.s32 $0xFFFFFD00  }
0xf4: {  	[tilespmem:s21], [sflag:$0x1] =	stream.indirect.gather [hbm4b:s4+s26], $0x40, s0, s26, $0xb8;
	[tilespmem:$0xEC00] =	vst v63  }
0xf5: {  	_ =	swait.ge [sflag:s30], $0x2000  }
0xf6: {  	[sflag:s30] =	ssyncset.done $0x0  }
0xf7: {  	s11 =	sor.u32 $0x880, s9;
	[sflag:s30] =	ssyncadd.s32 $0xFFFFE000  }
0xf8: {  	[spmem:s1] =	stream.indirect.scatter.add.f32 [tilespmem:s28], [sflag:$0x4], $0x40, s11, s26, $0xb8;
	[tilespmem:$0xEC00] =	vst v63  }
0xf9: {  	_ =	swait.ge [sflag:s22], $0x2000  }
0xfa: {  	[sflag:s22] =	ssyncset.done $0x0  }
0xfb: {  	[sflag:s22] =	ssyncadd.s32 $0xFFFFE000  }
0xfc: {  	_ =	swait.ge [sflag:s29], $0x2000  }
0xfd: {  	[sflag:s29] =	ssyncset.done $0x0  }
0xfe: {  	s0 =	simm.s32 @!p0 $0x0;
	s2 =	rddreg [dreg:$0x5];
	[sflag:s29] =	ssyncadd.s32 $0xFFFFE000  }
0xff: {  	[tilespmem:s0], [sflag:$0x3] =	stream.linear.gather @!p0 [hbm4b:s2+s0], $0x80, $0x38;
	[tilespmem:$0xEC00] =	vst v63  }
0x100: {  	s8 =	rddreg [dreg:$0x6];
	s2 =	simm.s32 @!p0 $0x600  }
0x101: {  	[tilespmem:s2], [sflag:$0x3] =	stream.linear.gather @!p0 [hbm4b:s8+s0], $0x80, $0x38;
	[tilespmem:$0xEC00] =	vst v63  }
0x102: {  	s8 =	simm.s32 @!p0 $0x3  }
0x103: {  	_ =	swait.ge @!p0 [sflag:s8], $0x80  }
0x104: {  	[sflag:s8] =	ssyncset.done @!p0 $0x0  }
0x105: {  	[sflag:s8] =	ssyncadd.s32 @!p0 $0xFFFFFF80  }
0x106: {  	_ =	swait.ge @!p0 [sflag:s8], $0x80  }
0x107: {  	[sflag:s8] =	ssyncset.done @!p0 $0x0  }
0x108: {  	s9 =	simm.s32 @!p0 $0xC00;
	[sflag:s8] =	ssyncadd.s32 @!p0 $0xFFFFFF80;
	s8 =	simm.s32 @!p0 $0x80  }
0x109: {  	[tilespmem:s9], [sflag:$0x1] =	stream.indirect.gather @!p0 [hbm4b:s4+s8], $0x40, s0, s8, $0xb8;
	[tilespmem:$0xEC00] =	vst v63  }
0x10a: {  	s0 =	simm.s32 @!p0 $0x1  }
0x10b: {  	_ =	swait.ge @!p0 [sflag:s0], $0x2000  }
0x10c: {  	[sflag:s0] =	ssyncset.done @!p0 $0x0  }
0x10d: {  	[sflag:s0] =	ssyncadd.s32 @!p0 $0xFFFFE000;
	s0 =	simm.s32 @!p0 $0x4  }
0x10e: {  	[spmem:s1] =	stream.indirect.scatter.add.f32 @!p0 [tilespmem:s9], [sflag:$0x4], $0x40, s2, s8, $0xb8;
	[tilespmem:$0xEC00] =	vst v63  }
0x10f: {  	_ =	swait.ge @!p0 [sflag:s0], $0x2000  }
0x110: {  	[sflag:s0] =	ssyncset.done @!p0 $0x0  }
0x111: {  	s12 =	stileid.u32;
	[sflag:s0] =	ssyncadd.s32 @!p0 $0xFFFFE000  }
0x112: {  	s0 =	sshll.u32 s12, $0x6;
	[bflag:$0x0] =	sbarrier.arrive $0xFFFF  }
0x113: {  	s0 =	sor.u32 $0x1C04, s0;
	s14 =	rddreg [dreg:$0x7]  }
0x114: {  	[hbm:s14], [sflag:s0] =	dma.local [spmem:s25], $0x1400  }
0x115: {  	_ =	swait.ge [sflag:s22], $0x1400  }
0x116: {  	s31 =	sadd.s32 $0x1, s31;
	s23 =	rddreg [dreg:$0x8]  }
0x117: {  	p1 =	sne.s32 s31, s23  }
.Ltmp2:
0x118: {  	_ = 	snop;
	(pc) =	sbr.rel @p1 .LBB2_1-.Ltmp2, $3  }
0x119: {  	_ =	sdelay $0x1  }
0x11a: {  	[sflag:s22] =	ssyncset.done $0x0  }
0x11b: {  	[sflag:s22] =	ssyncadd.s32 $0xFFFFEC00  }
0x11c: {  	_ =	sfence.sel $0x180000  }
0x11d: {  	[bflag:$0x0] =	sbarrier.arrive $0xFFFF  }
0x11e: {  	_ =	strace $0x9000004D  }
0x11f: {  	s0 =	stileid.u32;
	[bflag:$0x2] =	sbarrier.arrive $0xFFFF  }
0x120: {  	p0 =	sne.s32 s0, $0x0;
	s0 =	rddreg [dreg:$0x2]  }
0x121: {  	s0 =	sadd.s32 @!p0 $0x100000, s0  }
0x122: {  	[sflag:s0] =	ssyncadd.tile.s32 @!p0 $0x1;
	_ =	shalt  }
.Lfunc_end2:
_tile_overlayer_lowered:
.L_overlay_start_2:
0x123: {  	(tag) =	ssettag $0x2  }
0x124: {  	s0 =	rddreg [dreg:$0x0];
	s2 =	stileid.u32  }
0x125: {  	s1 =	rddreg [dreg:$0x1];
	p0 =	sne.s32 s2, $0x0  }
0x126: {  	s3 =	rddreg [dreg:$0x2];
	[bflag:$0x3] =	sbarrier.arrive $0xFFFF;
	s2 =	simm.s32 @!p0 $0x1C04  }
0x127: {  	[timem:s3], [sflag:s2] =	dma.local @!p0 [hbm:s0], s1  }
0x128: {  	s0 =	simm.s32 @!p0 $0x4  }
0x129: {  	_ =	swait.ge @!p0 [sflag:s0], s1  }
0x12a: {  	s1 =	ssub.s32 @!p0 $0x0, s1;
	[sflag:s0] =	ssyncset.done @!p0 $0x0  }
0x12b: {  	[sflag:s0] =	ssyncadd.s32 @!p0 s1  }
0x12c: {  	[bflag:$0x3] =	sbarrier.arrive $0xFFFF  }
0x12d: {  	_ =	shalt  }

// kernel: kernel.8.cloned.1.call-start
scs
__scs_entry_jumppad:
0x0: {  	(pc) =	sbr.rel $0x88, $3  }
0x1: {  	(tag) =	ssettag $0x0;
	lr =	simm.s32 $0x1  }
0x2: {  	[smem:$0x3F99] =	sst lr;
	_ =	strace $0xD0000000  }
0x3: {  	_ = 	snop  }
0x4: {  	_ = 	snop  }
0x5: {  	_ = 	snop  }
0x6: {  	_ = 	snop  }
0x7: {  	_ = 	snop  }
__scs_overlays_trampoline_lowered:
0x8: {  	[smem:$0x3FA8] =	sst s0  }
0x9: {  	[smem:$0x3FA9] =	sst s1  }
0xa: {  	[smem:$0x3FAA] =	sst s2  }
0xb: {  	[smem:$0x3FAB] =	sst s3  }
0xc: {  	[smem:$0x3FAC] =	sst s4  }
0xd: {  	[smem:$0x3FAD] =	sst s5  }
0xe: {  	[smem:$0x3FAE] =	sst s6  }
0xf: {  	[smem:$0x3FAF] =	sst s7  }
0x10: {  	[smem:$0x3FB0] =	sst s8  }
0x11: {  	[smem:$0x3FB1] =	sst s9;
	s0 =	simm.s32 @!p0 $0x0  }
0x12: {  	s1 =	sld [smem:$0x3F97];
	s0 =	simm.s32 @p0 $0x1  }
0x13: {  	[smem:$0x3FB2] =	sst s0;
	s0 =	simm.s32 @!p1 $0x0  }
0x14: {  	s2 =	sld [smem:$0x3F96];
	s0 =	simm.s32 @p1 $0x1  }
0x15: {  	[smem:$0x3FB3] =	sst s0;
	s0 =	simm.s32 @!p2 $0x0  }
0x16: {  	s3 =	sld [smem:$0x3FDB];
	s0 =	simm.s32 @p2 $0x1  }
0x17: {  	s4 =	simm.s32 $0x1BF5;
	[smem:$0x3FB5] =	sst s0  }
0x18: {  	s0 =	sld [smem:$0x3F98];
	_ =	swait.ge [sflag:s4], $0x0  }
0x19: {  	s7 =	sld [smem:$0x3F99]  }
0x1a: {  	s8 =	sadd.s32 $0xFFFFE003, lr  }
0x1b: {  	s9 =	sadd.s32 $0xFFFFFEF7, lr;
	s5 =	simm.s32 $0xFFFFFFFF;
	p2 =	slt.u32 s8, $0xFFFFF086  }
0x1c: {  	p1 =	slt.u32 s9, $0xF7A;
	s5 =	simm.s32 @!p2 $0x0  }
0x1d: {  	s5 =	simm.s32 @p1 $0x1;
	p0 =	seq.s32 s7, s2  }
0x1e: {  	s7 =	smul.u32 @!p0 $0xF7A, s2;
	p2 =	seq.s32 @!p0 s5, $0x0  }
0x1f: {  	s9 =	smul.u32 $0xF7A, s1;
	s8 =	simm.s32 @!p0 $0x1BF5;
	p2 =	por !p2, p0  }
0x20: {  	[sflag:s8] =	ssyncset.s32 @!p0 $0xFFFFF086;
	s6 =	sadd.s32 @!p0 s3, s7;
	s7 =	simm.s32 @!p0 $0x108  }
0x21: {  	s3 =	sadd.s32 s3, s9;
	s6 =	sadd.s32 @!p0 $0x88, s6;
	s7 =	simm.s32 @p2 $0x1082  }
0x22: {  	[simem:s7], [sflag:s8] =	dma.local @!p0 [hbm:s6], $0xF7A  }
0x23: {  	s9 =	sor.u32 $0xD0000000, s2;
	s6 =	simm.s32 $0x108;
	_ =	swait.ge @!p0 [sflag:s8], $0x0  }
0x24: {  	s3 =	sadd.s32 $0x88, s3;
	s6 =	simm.s32 @!p1 $0x1082;
	[sflag:s4] =	ssyncset.s32 $0xFFFFF086  }
0x25: {  	[simem:s6], [sflag:s4] =	dma.local [hbm:s3], $0xF7A  }
0x26: {  	[smem:$0x3F99] =	sst s1;
	(tag) =	ssettag s2;
	_ =	strace s9  }
0x27: {  	s1 =	sld [smem:$0x3FA9]  }
0x28: {  	s2 =	sld [smem:$0x3FAA]  }
0x29: {  	s4 =	sld [smem:$0x3FAC]  }
0x2a: {  	p0 =	seq.s32 s5, $0x0;
	s5 =	sld [smem:$0x3FAD]  }
0x2b: {  	s6 =	sld [smem:$0x3FAE]  }
0x2c: {  	s7 =	sld [smem:$0x3FAF]  }
0x2d: {  	s3 =	simm.s32 $0x108;
	s8 =	sld [smem:$0x3FB0]  }
0x2e: {  	s3 =	simm.s32 @!p0 $0x1082;
	s9 =	sld [smem:$0x3FB1]  }
0x2f: {  	lr =	sadd.s32 s0, s3;
	s0 =	sld [smem:$0x3FA8]  }
0x30: {  	s3 =	sld [smem:$0x3FAB]  }
0x31: {  	[smem:$0x3FB4] =	sst s10  }
0x32: {  	s10 =	sld [smem:$0x3FB2];
	_ =	sdelay $0x3  }
0x33: {  	p0 =	seq.s32 s10, $0x1;
	s10 =	sld [smem:$0x3FB4];
	_ =	sdelay $0x3  }
0x34: {  	[smem:$0x3FB4] =	sst s10  }
0x35: {  	s10 =	sld [smem:$0x3FB3];
	_ =	sdelay $0x3  }
0x36: {  	p1 =	seq.s32 s10, $0x1;
	s10 =	sld [smem:$0x3FB4];
	_ =	sdelay $0x3  }
0x37: {  	[smem:$0x3FB4] =	sst s10  }
0x38: {  	s10 =	sld [smem:$0x3FB5]  }
0x39: {  	_ = 	snop;
	(pc) =	sbr.ind lr, $3  }
0x3a: {  	_ = 	snop  }
0x3b: {  	_ = 	snop  }
0x3c: {  	p2 =	seq.s32 s10, $0x1;
	s10 =	sld [smem:$0x3FB4]  }
0x3d: {  	_ =	shalt  }
0x3e: {  	_ =	shalt  }
0x3f: {  	_ =	shalt  }
0x40: {  	_ =	shalt  }
0x41: {  	_ =	shalt  }
0x42: {  	_ =	shalt  }
0x43: {  	_ =	shalt  }
0x44: {  	_ =	shalt  }
0x45: {  	_ =	shalt  }
0x46: {  	_ =	shalt  }
0x47: {  	_ =	shalt  }
0x48: {  	_ =	shalt  }
0x49: {  	_ =	shalt  }
0x4a: {  	_ =	shalt  }
0x4b: {  	_ =	shalt  }
0x4c: {  	_ =	shalt  }
0x4d: {  	_ =	shalt  }
0x4e: {  	_ =	shalt  }
0x4f: {  	_ =	shalt  }
0x50: {  	_ =	shalt  }
0x51: {  	_ =	shalt  }
0x52: {  	_ =	shalt  }
0x53: {  	_ =	shalt  }
0x54: {  	_ =	shalt  }
0x55: {  	_ =	shalt  }
0x56: {  	_ =	shalt  }
0x57: {  	_ =	shalt  }
0x58: {  	_ =	shalt  }
0x59: {  	_ =	shalt  }
0x5a: {  	_ =	shalt  }
0x5b: {  	_ =	shalt  }
0x5c: {  	_ =	shalt  }
0x5d: {  	_ =	shalt  }
0x5e: {  	_ =	shalt  }
0x5f: {  	_ =	shalt  }
0x60: {  	_ =	shalt  }
0x61: {  	_ =	shalt  }
0x62: {  	_ =	shalt  }
0x63: {  	_ =	shalt  }
0x64: {  	_ =	shalt  }
0x65: {  	_ =	shalt  }
0x66: {  	_ =	shalt  }
0x67: {  	_ =	shalt  }
0x68: {  	_ =	shalt  }
0x69: {  	_ =	shalt  }
0x6a: {  	_ =	shalt  }
0x6b: {  	_ =	shalt  }
0x6c: {  	_ =	shalt  }
0x6d: {  	_ =	shalt  }
0x6e: {  	_ =	shalt  }
0x6f: {  	_ =	shalt  }
0x70: {  	_ =	shalt  }
0x71: {  	_ =	shalt  }
0x72: {  	_ =	shalt  }
0x73: {  	_ =	shalt  }
0x74: {  	_ =	shalt  }
0x75: {  	_ =	shalt  }
0x76: {  	_ =	shalt  }
0x77: {  	_ =	shalt  }
0x78: {  	_ =	shalt  }
0x79: {  	_ =	shalt  }
0x7a: {  	_ =	shalt  }
0x7b: {  	_ =	shalt  }
0x7c: {  	_ =	shalt  }
0x7d: {  	_ =	shalt  }
0x7e: {  	_ =	shalt  }
0x7f: {  	_ =	shalt  }
0x80: {  	_ =	shalt  }
0x81: {  	_ =	shalt  }
0x82: {  	_ =	shalt  }
0x83: {  	_ =	shalt  }
0x84: {  	_ =	shalt  }
0x85: {  	_ =	shalt  }
0x86: {  	_ =	shalt  }
0x87: {  	_ =	shalt  }
.Lfunc_end0:
.L_simem_size_0:
called_computation_lowered:
.L_overlay_start_0:
0x88: {  	s2 =	sld [smem:$0x3FD9]  }
0x89: {  	s3 =	sld [smem:$0x3FFE];
	_ =	sdelay $0x1  }
0x8a: {  	s1 =	srdreg.scid  }
0x8b: {  	s0 =	sand.u32 $0x1, s1  }
0x8c: {  	s17 =	sshll.u32 s0, $0xA;
	s2 =	sadd.s32 s3, s2  }
0x8d: {  	s2 =	sadd.s32 s2, s17  }
0x8e: {  	[smem:$0x3FC0] =	sst s2  }
0x8f: {  	_ = 	snop  }
0x90: {  	s2 =	sld [smem:$0x3FD0];
	(tm) =	ssettm $0x1  }
0x91: {  	s18 =	sld [smem:$0x3FFB];
	_ =	sdelay $0x3  }
0x92: {  	_ =	strace s18  }
0x93: {  	s3 =	sld [smem:$0x3FFC];
	_ =	sdelay $0x3  }
0x94: {  	_ =	strace s3  }
0x95: {  	s3 =	sld [smem:$0x3FFD];
	_ =	sdelay $0x3  }
0x96: {  	_ =	strace s3  }
0x97: {  	_ =	strace $0x8FFFFFFF  }
0x98: {  	s19 =	sld [smem:$0x3FDB];
	_ =	sdelay $0x1  }
0x99: {  	s4 =	simm.s32 $_scs_section_size  }
0x9a: {  	s5 =	simm.s32 $_size__tile_overlayer_lowered;
	s6 =	simm.s32 $_tile_overlayer_lowered  }
0x9b: {  	s22 =	simm.s32 $0x1BFF;
	s21 =	sshll.u32 s6, $0x1;
	s3 =	sadd.s32 s4, s19  }
0x9c: {  	s7 =	simm.s32 $0x0;
	s20 =	sshll.u32 s5, $0x1;
	s5 =	sadd.s32 s21, s3  }
0x9d: {  	[timem:s7], [sflag:s22] =	dma.local [hbm:s5], s20  }
0x9e: {  	_ =	swait.ge [sflag:s22], s20  }
0x9f: {  	s4 =	ssub.s32 $0x0, s20;
	[sflag:s22] =	ssyncset.done $0x0  }
0xa0: {  	[sflag:s22] =	ssyncadd.s32 s4;
	_ =	sdelay $0x1  }
0xa1: {  	s23 =	simm.s32 $0x1B8B  }
0xa2: {  	_ =	swait.ge [sflag:s23], $0x1  }
0xa3: {  	[sflag:s23] =	ssyncset.done $0x0  }
0xa4: {  	s25 =	simm.s32 $0x1B8E;
	s24 =	sld [smem:$0x3FFE];
	[sflag:s23] =	ssyncadd.s32 $0xFFFFFFFF  }
0xa5: {  	s26 =	simm.s32 $execute0_lowered;
	[smem:$0x3FD2] =	sst s25  }
0xa6: {  	s5 =	sshll.u32 s26, $0x1;
	_ =	strace $0x80000046;
	[dreg:$0x1] =	wrdreg $0xFFFFFFFF  }
0xa7: {  	s28 =	simm.s32 $_size_execute0_lowered;
	s3 =	sadd.s32 s3, s5;
	[dreg:$0x0] =	wrdreg $0x0  }
0xa8: {  	s5 =	sshll.u32 s28, $0x1;
	[dreg:$0x2] =	wrdreg s3  }
0xa9: {  	[dreg:$0x3] =	wrdreg s5  }
0xaa: {  	[dreg:$0x4] =	wrdreg $0xC0  }
0xab: {  	_ =	task [dreg:s7], $0x5FFFF  }
0xac: {  	[dreg:$0x1] =	wrdreg $0xFFFFFFFF  }
0xad: {  	[dreg:$0x0] =	wrdreg $0x60  }
0xae: {  	[dreg:$0x2] =	wrdreg s24  }
0xaf: {  	[dreg:$0x3] =	wrdreg s2  }
0xb0: {  	[dreg:$0x4] =	wrdreg $0x9  }
0xb1: {  	_ =	task.clear_ibuf [dreg:s7], $0x5FFFF;
	_ =	strace $0x90000046  }
0xb2: {  	s29 =	simm.s32 $0x9;
	_ =	strace $0x80000048  }
0xb3: {  	_ =	swait.ge [sflag:s29], $0x1  }
0xb4: {  	[sflag:s29] =	ssyncadd.s32 $0xFFFFFFFF  }
0xb5: {  	_ =	strace $0x90000048  }
0xb6: {  	_ =	sfence  }
0xb7: {  	s30 =	sld [smem:$0x0];
	_ =	sdelay $0x2  }
0xb8: {  	s31 =	sshll.u32 s1, $0xD;
	s1 =	sshrl.u32 s1, $0x2  }
0xb9: {  	s3 =	sand.u32 $0x4000, s31;
	s1 =	sadd.s32 s1, s30  }
0xba: {  	s0 =	sor.u32 s3, s0;
	s1 =	sshll.u32 s1, $0x11  }
0xbb: {  	s0 =	sor.u32 s1, s0  }
0xbc: {  	s0 =	sadd.s32 $0x8F2B, s0  }
0xbd: {  	[sflag:s0] =	ssyncadd.remote.s32 $0x1  }
0xbe: {  	_ =	sfence.sel $0xFFFF  }
0xbf: {  	[dreg:$0x0] =	wrdreg $0xFFFFFFFF;
	(pc) =	sbr.abs _section_cstart, $3  }
0xc0: {  	[dreg:$0x1] =	wrdreg $0xFFFFFFFF  }
0xc1: {  	_ =	task.clear_ibuf [dreg:s7], $0x2FFFF;
	_ =	strace $0x9FFFFFFF  }
0xc2: {  	(tm) =	ssettm $0x7FFFFFFF  }
0xc3: {  	_ =	shalt  }
tec
execute0_lowered:
.L_overlay_start_1:
0x0: {  	(tag) =	ssettag $0x1  }
0x1: {  	s0 =	srdreg.scid;
	s4 =	rddreg [dreg:$0x0]  }
0x2: {  	s5 =	rddreg [dreg:$0x1];
	s3 =	sand.u32 $0x1, s0  }
0x3: {  	s2 =	simm.s32 $0x0;
	s0 =	stileid.u32;
	s1 =	sshll.u32 s3, $0x4  }
0x4: {  	s8 =	simm.s32 $0x2780;
	[smem:$0x7FF] =	sst s2;
	s9 =	sor.u32 s0, s1  }
0x5: {  	s3 =	ssub.s32 $0x2, s3;
	s1 =	rddreg [dreg:$0x2];
	s6 =	smul.u32 $0x4E, s9  }
0x6: {  	_ =	strace $0x80000047;
	s7 =	smin.u32 s9, $0x4;
	s31 =	smul.u32 $0x500, s9  }
0x7: {  	s30 =	sshrl.u32 s3, $0x1;
	p0 =	sgt.u32 s9, $0x3;
	s6 =	sadd.s32 s7, s6  }
0x8: {  	s9 =	simm.s32 $0x0;
	s5 =	sadd.s32 s5, s31;
	s6 =	sshll.u32 s6, $0x4  }
0x9: {  	s7 =	simm.s32 $0x1;
	s4 =	sadd.s32 s6, s4;
	s6 =	ssub.s32 s3, s30  }
0xa: {  	v0 =	vimm.f32 $0.0e+00;
	v1 =	vimm.f32 $1.000000000e+00;
	s3 =	sadd.s32 $0xC240, s4;
	s4 =	sadd.s32 $0xC720, s4;
	s6 =	smax.u32 s6, $0x1  }
.LBB2_1:
0xb: {  	s10 =	simm.s32 $0x40;
	s11 =	simm.s32 $0x0  }
.LBB2_2:
0xc: {  	p1 =	sne.s32 s10, $0x9FC0;
	[tilespmem:s11+$0x2780] =	vst v0;
	s11 =	smov.u32 s10;
	s10 =	sadd.s32 $0x40, s10  }
.Ltmp0:
0xd: {  	(pc) =	sbr.rel @p1 .LBB2_2-.Ltmp0, $2  }
0xe: {  	_ =	sdelay $0x2  }
0xf: {  	s11 =	sshra.s32 s11, $0x2  }
0x10: {  	[tilespmem:s11+$0x2780] =	vst v0;
	s10 =	simm.s32 $0x0  }
0x11: {  	[tilespmem:s10], [sflag:$0x1] =	stream.linear.gather [hbm4b:s3+s10], $0x2700, $0x38;
	[tilespmem:$0x4F80] =	vst v63  }
0x12: {  	_ =	swait.ge [sflag:s7], $0x2700  }
0x13: {  	[sflag:s7] =	ssyncset.done $0x0  }
0x14: {  	[sflag:s7] =	ssyncadd.s32 $0xFFFFD900  }
.LBB2_4:
0x15: {  	s11 =	sshra.s32 s10, $0x2  }
0x16: {  	v2 =	vld [tilespmem:s11+$0x0];
	_ =	sdelay $0x7  }
0x17: {  	[tilespmem:v2+s8+$0x0] =	vst.idx.add.f32.msk $0xffff, v1  }
0x18: {  	v2 =	vld [tilespmem:s11+$0x10];
	_ =	sdelay $0x7  }
0x19: {  	[tilespmem:v2+s8+$0x0] =	vst.idx.add.f32.msk $0xffff, v1  }
0x1a: {  	v2 =	vld [tilespmem:s11+$0x20];
	_ =	sdelay $0x7  }
0x1b: {  	[tilespmem:v2+s8+$0x0] =	vst.idx.add.f32.msk $0xffff, v1  }
0x1c: {  	v2 =	vld [tilespmem:s11+$0x30];
	_ =	sdelay $0x7  }
0x1d: {  	[tilespmem:v2+s8+$0x0] =	vst.idx.add.f32.msk $0xffff, v1  }
0x1e: {  	v2 =	vld [tilespmem:s11+$0x40];
	_ =	sdelay $0x7  }
0x1f: {  	[tilespmem:v2+s8+$0x0] =	vst.idx.add.f32.msk $0xffff, v1  }
0x20: {  	v2 =	vld [tilespmem:s11+$0x50];
	_ =	sdelay $0x7  }
0x21: {  	[tilespmem:v2+s8+$0x0] =	vst.idx.add.f32.msk $0xffff, v1  }
0x22: {  	v2 =	vld [tilespmem:s11+$0x60];
	_ =	sdelay $0x7  }
0x23: {  	[tilespmem:v2+s8+$0x0] =	vst.idx.add.f32.msk $0xffff, v1  }
0x24: {  	v2 =	vld [tilespmem:s11+$0x70];
	_ =	sdelay $0x2  }
0x25: {  	p1 =	sne.s32 s10, $0x9A00  }
.Ltmp1:
0x26: {  	_ = 	snop;
	(pc) =	sbr.rel @p1 .LBB2_4-.Ltmp1, $2  }
0x27: {  	_ =	sdelay $0x2  }
0x28: {  	s10 =	sadd.s32 $0x200, s10;
	[tilespmem:v2+s8+$0x0] =	vst.idx.add.f32.msk $0xffff, v1  }
0x29: {  	s10 =	simm.s32 @!p0 $0x0;
	s11 =	simm.s32 @!p0 $0x2700  }
0x2a: {  	[tilespmem:s11], [sflag:$0x1] =	stream.linear.gather @!p0 [hbm4b:s4+s10], $0x80, $0x38;
	[tilespmem:$0x4F80] =	vst v63  }
0x2b: {  	s10 =	simm.s32 @!p0 $0x1  }
0x2c: {  	_ =	swait.ge @!p0 [sflag:s10], $0x80  }
0x2d: {  	[sflag:s10] =	ssyncset.done @!p0 $0x0  }
0x2e: {  	[sflag:s10] =	ssyncadd.s32 @!p0 $0xFFFFFF80  }
0x2f: {  	v2 =	vld @!p0 [tilespmem:$0x2700];
	_ =	sdelay $0x6  }
0x30: {  	v3 =	vimm.f32 @!p0 $1.000000000e+00;
	s10 =	simm.s32 @!p0 $0x2780  }
0x31: {  	[tilespmem:v2+s10+$0x0] =	vst.idx.add.f32.msk @!p0 $0xffff, v3  }
0x32: {  	v2 =	vld @!p0 [tilespmem:$0x2710];
	_ =	sdelay $0x7  }
0x33: {  	[tilespmem:v2+s10+$0x0] =	vst.idx.add.f32.msk @!p0 $0xffff, v3  }
0x34: {  	v2 =	vld @!p0 [tilespmem:$0x2720];
	_ =	sdelay $0x7  }
0x35: {  	[tilespmem:v2+s10+$0x0] =	vst.idx.add.f32.msk @!p0 $0xffff, v3  }
0x36: {  	v2 =	vld @!p0 [tilespmem:$0x2730];
	_ =	sdelay $0x7  }
0x37: {  	[tilespmem:v2+s10+$0x0] =	vst.idx.add.f32.msk @!p0 $0xffff, v3  }
0x38: {  	v2 =	vld @!p0 [tilespmem:$0x2740];
	_ =	sdelay $0x7  }
0x39: {  	[tilespmem:v2+s10+$0x0] =	vst.idx.add.f32.msk @!p0 $0xffff, v3  }
0x3a: {  	v2 =	vld @!p0 [tilespmem:$0x2750];
	_ =	sdelay $0x7  }
0x3b: {  	[tilespmem:v2+s10+$0x0] =	vst.idx.add.f32.msk @!p0 $0xffff, v3  }
0x3c: {  	v2 =	vld @!p0 [tilespmem:$0x2760];
	_ =	sdelay $0x7  }
0x3d: {  	[tilespmem:v2+s10+$0x0] =	vst.idx.add.f32.msk @!p0 $0xffff, v3  }
0x3e: {  	v2 =	vld @!p0 [tilespmem:$0x2770];
	_ =	sdelay $0x5  }
0x3f: {  	s9 =	sadd.s32 $0x1, s9  }
0x40: {  	p1 =	sne.s32 s9, s6  }
.Ltmp2:
0x41: {  	[tilespmem:v2+s10+$0x0] =	vst.idx.add.f32.msk @!p0 $0xffff, v3;
	(pc) =	sbr.rel @p1 .LBB2_1-.Ltmp2, $4  }
0x42: {  	[hbm4b:s5+s2] =	stream.linear.scatter [tilespmem:s8], [sflag:$0x1], $0x2800, $0x38;
	[tilespmem:$0x4F80] =	vst v63  }
0x43: {  	_ =	swait.ge [sflag:s7], $0x2800  }
0x44: {  	[sflag:s7] =	ssyncset.done $0x0  }
0x45: {  	[sflag:s7] =	ssyncadd.s32 $0xFFFFD800  }
0x46: {  	_ =	sfence.sel $0x180000  }
0x47: {  	[bflag:$0x0] =	sbarrier.arrive $0xFFFF  }
0x48: {  	p0 =	sne.s32 s0, $0x0;
	_ =	strace $0x90000047  }
0x49: {  	s0 =	sadd.s32 @!p0 $0x100000, s1;
	[bflag:$0x2] =	sbarrier.arrive $0xFFFF  }
0x4a: {  	[sflag:s0] =	ssyncadd.tile.s32 @!p0 $0x1;
	_ =	shalt  }
.Lfunc_end2:
_tile_overlayer_lowered:
.L_overlay_start_2:
0x4b: {  	(tag) =	ssettag $0x2  }
0x4c: {  	s0 =	rddreg [dreg:$0x0];
	s2 =	stileid.u32  }
0x4d: {  	s1 =	rddreg [dreg:$0x1];
	p0 =	sne.s32 s2, $0x0  }
0x4e: {  	s3 =	rddreg [dreg:$0x2];
	[bflag:$0x3] =	sbarrier.arrive $0xFFFF;
	s2 =	simm.s32 @!p0 $0x1C01  }
0x4f: {  	[timem:s3], [sflag:s2] =	dma.local @!p0 [hbm:s0], s1  }
0x50: {  	s0 =	simm.s32 @!p0 $0x1  }
0x51: {  	_ =	swait.ge @!p0 [sflag:s0], s1  }
0x52: {  	s1 =	ssub.s32 @!p0 $0x0, s1;
	[sflag:s0] =	ssyncset.done @!p0 $0x0  }
0x53: {  	[sflag:s0] =	ssyncadd.s32 @!p0 s1  }
0x54: {  	[bflag:$0x3] =	sbarrier.arrive $0xFFFF  }
0x55: {  	_ =	shalt  }

</sc_bundles>
